<compile_context>
chip_gen: v7x
topology: tpu7x:2x2x1
jax: 0.10.2.dev20260603
libtpu: 0.0.44.dev20260713+nightly
codegen_flags: <defaults>
</compile_context>

<pallas_src>
import functools

import jax
import jax.numpy as jnp
from jax import lax
from jax.experimental import pallas as pl
from jax.experimental.pallas import tpu as pltpu
from jax.experimental.pallas import tpu_sc as plsc

EMBED = 64
NUM_WORKERS = 32
CHUNK = 128
BLOCKS = 8
MAX_ROWS = 7


def _gather_body(table_hbm, idxT_hbm, out_hbm, idx_v, rows, gsem, osem):
    c = lax.axis_index("c")
    s = lax.axis_index("s")
    wid = s * 2 + c
    seq = idxT_hbm.shape[0]
    base_rows = seq // NUM_WORKERS
    n_extra = seq - base_rows * NUM_WORKERS
    start = jnp.where(wid < n_extra, wid * (base_rows + 1),
                      n_extra * (base_rows + 1) + (wid - n_extra) * base_rows)
    n_rows = jnp.where(wid < n_extra, base_rows + 1, base_rows)

    pltpu.sync_copy(idxT_hbm.at[pl.ds(start, base_rows)],
                    idx_v.at[pl.ds(0, base_rows)])

    @pl.when(n_rows > base_rows)
    def _():
        pltpu.sync_copy(idxT_hbm.at[pl.ds(start + base_rows, 1)],
                        idx_v.at[pl.ds(base_rows, 1)])

    for b in range(BLOCKS):
        pltpu.async_copy(table_hbm.at[idx_v.at[0, pl.ds(b * CHUNK, CHUNK)]],
                         rows.at[b], gsem.at[b])

    def row_body(si, carry):
        row = start + si
        for b in range(BLOCKS):
            pltpu.make_async_copy(
                table_hbm.at[idx_v.at[0, pl.ds(b * CHUNK, CHUNK)]],
                rows.at[b], gsem.at[b]).wait()
            pltpu.async_copy(rows.at[b], out_hbm.at[row, pl.ds(b * CHUNK, CHUNK)],
                             osem.at[b])

            @pl.when(si < n_rows - 1)
            def _():
                pltpu.make_async_copy(
                    rows.at[b], out_hbm.at[row, pl.ds(b * CHUNK, CHUNK)],
                    osem.at[b]).wait()
                pltpu.async_copy(
                    table_hbm.at[idx_v.at[si + 1, pl.ds(b * CHUNK, CHUNK)]],
                    rows.at[b], gsem.at[b])
        return carry

    lax.fori_loop(0, n_rows, row_body, 0)

    for b in range(BLOCKS):
        pltpu.make_async_copy(rows.at[b], out_hbm.at[0, pl.ds(0, CHUNK)],
                              osem.at[b]).wait()


def _make_gather(seq, batch):
    return functools.partial(
        pl.kernel,
        out_type=jax.ShapeDtypeStruct((seq, batch, EMBED), jnp.float32),
        mesh=plsc.VectorSubcoreMesh(core_axis_name="c", subcore_axis_name="s"),
        scratch_types=[
            pltpu.VMEM((MAX_ROWS, batch), jnp.int32),
            pltpu.VMEM((BLOCKS, CHUNK, EMBED), jnp.float32),
            pltpu.SemaphoreType.DMA((BLOCKS,)),
            pltpu.SemaphoreType.DMA((BLOCKS,)),
        ],
        compiler_params=pltpu.CompilerParams(use_tc_tiling_on_sc=False),
    )(_gather_body)


def kernel(word_input, character_input, word_embed):
    batch, seq = word_input.shape
    idxT = word_input.T
    out = _make_gather(seq, batch)(word_embed, idxT)
    return jnp.transpose(out, (1, 0, 2))

# --- scband reference (transcript-rebuilt; emitter-appended) ---
"""Pipeline reference for scband-embedding-36696200577141 (READ-ONLY COPY).

The authoritative reference and input builder live on the scoring server;
editing this copy changes nothing except your own understanding.
"""

import jax, jax.numpy as jnp
import numpy as np

VOCAB = 1000000
EMBED = 64
BATCH = 1024
SEQ = 200
MAX_WORD_LEN = 16
CHAR_VOCAB = 100


def setup_inputs(seed: int = 0) -> dict:
    key = jax.random.key(seed)
    k1, k2, k3 = jax.random.split(key, 3)
    word_input = jax.random.randint(k1, (BATCH, SEQ), 0, VOCAB, dtype=jnp.int64 if jax.config.read('jax_enable_x64') else jnp.int32).astype(jnp.int32)
    character_input = jax.random.randint(k2, (BATCH, SEQ, MAX_WORD_LEN), 0, CHAR_VOCAB).astype(jnp.int32)
    word_embed = jax.random.normal(k3, (VOCAB, EMBED), dtype=jnp.float32)
    return {"word_input": word_input, "character_input": character_input, "word_embed": word_embed}


def reference(word_input, character_input, word_embed):
    # params.word_is_char == True path: only the word embedding lookup is performed;
    # character_input is accepted but unused (no TDNN / char embedding in this config).
    result = jnp.take(word_embed, word_input, axis=0)  # [batch, seq, embed]
    return result

if __name__ == "__main__":
    import jax
    _d = setup_inputs()
    print(jax.jit(kernel)(*tuple(_d.values())))

</pallas_src>

<mosaic_0001>
#map = affine_map<(d0, d1) -> (0, 0)>
#map1 = affine_map<(d0, d1) -> (0, 0, 0)>
module attributes {stable_mosaic.version = 14 : i64} {
  func.func @_gather_body(%arg0: i32, %arg1: i32, %arg2: memref<1000000x64xf32, #tpu.memory_space<hbm>>, %arg3: memref<200x1024xi32, #tpu.memory_space<hbm>>, %arg4: memref<200x1024x64xf32, #tpu.memory_space<hbm>>, %arg5: memref<7x1024xi32, #tpu.memory_space<vmem>>, %arg6: memref<8x128x64xf32, #tpu.memory_space<vmem>>, %arg7: memref<8x!tpu.dma_semaphore, #tpu.memory_space<semaphore_mem>>, %arg8: memref<8x!tpu.dma_semaphore, #tpu.memory_space<semaphore_mem>>) attributes {dimension_semantics = [#tpu.dimension_semantics<core_parallel>, #tpu.dimension_semantics<subcore_parallel>], iteration_bounds = array<i64: 2, 16>, scalar_prefetch = 0 : i64, scratch_operands = 4 : i64, tpu.core_type = #tpu.core_type<sc_vector_subcore>, window_params = [{transform_indices = #map}, {transform_indices = #map}, {transform_indices = #map1}]} {
    %mul3A = arith.constant 2 : i32
    %mul3A_0 = arith.muli %arg1, %mul3A : i32
    %add3A = arith.addi %mul3A_0, %arg0 : i32
    %lt3A = arith.constant 8 : i32
    %lt3A_1 = arith.cmpi slt, %add3A, %lt3A : i32
    %mul3A_2 = arith.constant 7 : i32
    %mul3A_3 = arith.muli %add3A, %mul3A_2 : i32
    %sub3A = arith.constant 8 : i32
    %sub3A_4 = arith.subi %add3A, %sub3A : i32
    %mul3A_5 = arith.constant 6 : i32
    %mul3A_6 = arith.muli %sub3A_4, %mul3A_5 : i32
    %add3A_7 = arith.constant 56 : i32
    %add3A_8 = arith.addi %add3A_7, %mul3A_6 : i32
    %select_n3A = arith.select %lt3A_1, %mul3A_3, %add3A_8 : i32
    %lt3A_9 = arith.constant 8 : i32
    %lt3A_10 = arith.cmpi slt, %add3A, %lt3A_9 : i32
    %jit3A = arith.constant 7 : i32
    %jit3A_11 = arith.constant 6 : i32
    %select_n3A_12 = arith.select %lt3A_10, %jit3A, %jit3A_11 : i32
    "tpu.region"() ({
      %run_scoped3A = tpu.sem_alloc : memref<!tpu.dma_semaphore, #tpu.memory_space<semaphore_mem>>
      %dma_start3A_310 = arith.constant 0 : i32
      %dma_start3A_311 = arith.constant 0 : i32
      %dma_start3A_312 = tpu.memref_slice %arg5[%dma_start3A_310, %dma_start3A_311] : memref<7x1024xi32, #tpu.memory_space<vmem>> -> memref<6x1024xi32, #tpu.memory_space<vmem>>
      %dma_start3A_313 = arith.constant 0 : i32
      %dma_start3A_314 = tpu.memref_slice %arg3[%select_n3A, %dma_start3A_313] : memref<200x1024xi32, #tpu.memory_space<hbm>> -> memref<6x1024xi32, #tpu.memory_space<hbm>>
      %dma_start3A_315 = arith.constant 0 : i32
      %dma_start3A_316 = arith.constant 0 : i32
      %dma_start3A_317 = tpu.memref_slice %arg5[%dma_start3A_315, %dma_start3A_316] : memref<7x1024xi32, #tpu.memory_space<vmem>> -> memref<6x1024xi32, #tpu.memory_space<vmem>>
      %dma_start3A_318 = arith.constant 0 : i32
      %dma_start3A_319 = tpu.memref_slice %arg3[%select_n3A, %dma_start3A_318] : memref<200x1024xi32, #tpu.memory_space<hbm>> -> memref<6x1024xi32, #tpu.memory_space<hbm>>
      tpu.enqueue_dma source(%dma_start3A_319 : memref<6x1024xi32, #tpu.memory_space<hbm>>) target(%dma_start3A_317 : memref<6x1024xi32, #tpu.memory_space<vmem>>) target_semaphore(%run_scoped3A : memref<!tpu.dma_semaphore, #tpu.memory_space<semaphore_mem>>)
      %dma_wait3A_320 = arith.constant 0 : i32
      %dma_wait3A_321 = arith.constant 0 : i32
      %dma_wait3A_322 = tpu.memref_slice %arg5[%dma_wait3A_320, %dma_wait3A_321] : memref<7x1024xi32, #tpu.memory_space<vmem>> -> memref<6x1024xi32, #tpu.memory_space<vmem>>
      %dma_wait3A_323 = arith.constant 0 : i32
      %dma_wait3A_324 = tpu.memref_slice %arg3[%select_n3A, %dma_wait3A_323] : memref<200x1024xi32, #tpu.memory_space<hbm>> -> memref<6x1024xi32, #tpu.memory_space<hbm>>
      %dma_wait3A_325 = arith.constant 0 : i32
      %dma_wait3A_326 = arith.constant 0 : i32
      %dma_wait3A_327 = tpu.memref_slice %arg5[%dma_wait3A_325, %dma_wait3A_326] : memref<7x1024xi32, #tpu.memory_space<vmem>> -> memref<6x1024xi32, #tpu.memory_space<vmem>>
      %dma_wait3A_328 = arith.constant 0 : i32
      %dma_wait3A_329 = tpu.memref_slice %arg3[%select_n3A, %dma_wait3A_328] : memref<200x1024xi32, #tpu.memory_space<hbm>> -> memref<6x1024xi32, #tpu.memory_space<hbm>>
      tpu.wait_dma2 semaphore(%run_scoped3A : memref<!tpu.dma_semaphore, #tpu.memory_space<semaphore_mem>>) src(%dma_wait3A_329 : memref<6x1024xi32, #tpu.memory_space<hbm>>) dst(%dma_wait3A_327 : memref<6x1024xi32, #tpu.memory_space<vmem>>)
      tpu.yield
    }) : () -> ()
    %gt3A = arith.constant 6 : i32
    %gt3A_13 = arith.cmpi sgt, %select_n3A_12, %gt3A : i32
    %convert_element_type3A = arith.extui %gt3A_13 : i1 to i32
    %cond3A = arith.constant 0 : i32
    %cond3A_14 = arith.cmpi ne, %convert_element_type3A, %cond3A : i32
    scf.if %cond3A_14 {
      %add3A_310 = arith.constant 6 : i32
      %add3A_311 = arith.addi %select_n3A, %add3A_310 : i32
      "tpu.region"() ({
        %run_scoped3A = tpu.sem_alloc : memref<!tpu.dma_semaphore, #tpu.memory_space<semaphore_mem>>
        %dma_start3A_312 = arith.constant 6 : i32
        %dma_start3A_313 = arith.constant 0 : i32
        %dma_start3A_314 = tpu.memref_slice %arg5[%dma_start3A_312, %dma_start3A_313] : memref<7x1024xi32, #tpu.memory_space<vmem>> -> memref<1x1024xi32, #tpu.memory_space<vmem>>
        %dma_start3A_315 = arith.constant 0 : i32
        %dma_start3A_316 = tpu.memref_slice %arg3[%add3A_311, %dma_start3A_315] : memref<200x1024xi32, #tpu.memory_space<hbm>> -> memref<1x1024xi32, #tpu.memory_space<hbm>>
        %dma_start3A_317 = arith.constant 6 : i32
        %dma_start3A_318 = arith.constant 0 : i32
        %dma_start3A_319 = tpu.memref_slice %arg5[%dma_start3A_317, %dma_start3A_318] : memref<7x1024xi32, #tpu.memory_space<vmem>> -> memref<1x1024xi32, #tpu.memory_space<vmem>>
        %dma_start3A_320 = arith.constant 0 : i32
        %dma_start3A_321 = tpu.memref_slice %arg3[%add3A_311, %dma_start3A_320] : memref<200x1024xi32, #tpu.memory_space<hbm>> -> memref<1x1024xi32, #tpu.memory_space<hbm>>
        tpu.enqueue_dma source(%dma_start3A_321 : memref<1x1024xi32, #tpu.memory_space<hbm>>) target(%dma_start3A_319 : memref<1x1024xi32, #tpu.memory_space<vmem>>) target_semaphore(%run_scoped3A : memref<!tpu.dma_semaphore, #tpu.memory_space<semaphore_mem>>)
        %dma_wait3A_322 = arith.constant 6 : i32
        %dma_wait3A_323 = arith.constant 0 : i32
        %dma_wait3A_324 = tpu.memref_slice %arg5[%dma_wait3A_322, %dma_wait3A_323] : memref<7x1024xi32, #tpu.memory_space<vmem>> -> memref<1x1024xi32, #tpu.memory_space<vmem>>
        %dma_wait3A_325 = arith.constant 0 : i32
        %dma_wait3A_326 = tpu.memref_slice %arg3[%add3A_311, %dma_wait3A_325] : memref<200x1024xi32, #tpu.memory_space<hbm>> -> memref<1x1024xi32, #tpu.memory_space<hbm>>
        %dma_wait3A_327 = arith.constant 6 : i32
        %dma_wait3A_328 = arith.constant 0 : i32
        %dma_wait3A_329 = tpu.memref_slice %arg5[%dma_wait3A_327, %dma_wait3A_328] : memref<7x1024xi32, #tpu.memory_space<vmem>> -> memref<1x1024xi32, #tpu.memory_space<vmem>>
        %dma_wait3A_330 = arith.constant 0 : i32
        %dma_wait3A_331 = tpu.memref_slice %arg3[%add3A_311, %dma_wait3A_330] : memref<200x1024xi32, #tpu.memory_space<hbm>> -> memref<1x1024xi32, #tpu.memory_space<hbm>>
        tpu.wait_dma2 semaphore(%run_scoped3A : memref<!tpu.dma_semaphore, #tpu.memory_space<semaphore_mem>>) src(%dma_wait3A_331 : memref<1x1024xi32, #tpu.memory_space<hbm>>) dst(%dma_wait3A_329 : memref<1x1024xi32, #tpu.memory_space<vmem>>)
        tpu.yield
      }) : () -> ()
    } else {
    }
    %dma_start3A = arith.constant 0 : i32
    %dma_start3A_15 = arith.constant 0 : i32
    %dma_start3A_16 = arith.constant 0 : i32
    %dma_start3A_17 = arith.constant 0 : i32
    %dma_start3A_18 = arith.constant 0 : i32
    %dma_start3A_19 = tpu.memref_slice %arg6[%dma_start3A_15, %dma_start3A_17, %dma_start3A_18] : memref<8x128x64xf32, #tpu.memory_space<vmem>> -> memref<1x128x64xf32, #tpu.memory_space<vmem>>
    %dma_start3A_20 = tpu.memref_squeeze %dma_start3A_19 : memref<1x128x64xf32, #tpu.memory_space<vmem>> -> memref<128x64xf32, #tpu.memory_space<vmem>>
    %dma_start3A_21 = arith.constant 0 : i32
    %dma_start3A_22 = tpu.memref_slice %arg5[%dma_start3A, %dma_start3A_21] : memref<7x1024xi32, #tpu.memory_space<vmem>> -> memref<1x128xi32, #tpu.memory_space<vmem>>
    %dma_start3A_23 = tpu.memref_squeeze %dma_start3A_22 : memref<1x128xi32, #tpu.memory_space<vmem>> -> memref<128xi32, #tpu.memory_space<vmem>>
    %dma_start3A_24 = arith.constant 0 : i32
    %dma_start3A_25 = arith.constant 0 : i32
    %dma_start3A_26 = tpu.memref_slice %arg2[%dma_start3A_24, %dma_start3A_25] : memref<1000000x64xf32, #tpu.memory_space<hbm>> -> memref<1000000x64xf32, #tpu.memory_space<hbm>>
    %dma_start3A_27 = tpu.memref_slice %arg7[%dma_start3A_16] : memref<8x!tpu.dma_semaphore, #tpu.memory_space<semaphore_mem>> -> memref<1x!tpu.dma_semaphore, #tpu.memory_space<semaphore_mem>>
    %dma_start3A_28 = tpu.memref_squeeze %dma_start3A_27 : memref<1x!tpu.dma_semaphore, #tpu.memory_space<semaphore_mem>> -> memref<!tpu.dma_semaphore, #tpu.memory_space<semaphore_mem>>
    tpu.enqueue_indirect_dma source(%dma_start3A_26 : memref<1000000x64xf32, #tpu.memory_space<hbm>>) target(%dma_start3A_20 : memref<128x64xf32, #tpu.memory_space<vmem>>) offsets(%dma_start3A_23 : memref<128xi32, #tpu.memory_space<vmem>>) semaphore(%dma_start3A_28 : memref<!tpu.dma_semaphore, #tpu.memory_space<semaphore_mem>>)
    %dma_start3A_29 = arith.constant 0 : i32
    %dma_start3A_30 = arith.constant 1 : i32
    %dma_start3A_31 = arith.constant 1 : i32
    %dma_start3A_32 = arith.constant 0 : i32
    %dma_start3A_33 = arith.constant 0 : i32
    %dma_start3A_34 = tpu.memref_slice %arg6[%dma_start3A_30, %dma_start3A_32, %dma_start3A_33] : memref<8x128x64xf32, #tpu.memory_space<vmem>> -> memref<1x128x64xf32, #tpu.memory_space<vmem>>
    %dma_start3A_35 = tpu.memref_squeeze %dma_start3A_34 : memref<1x128x64xf32, #tpu.memory_space<vmem>> -> memref<128x64xf32, #tpu.memory_space<vmem>>
    %dma_start3A_36 = arith.constant 128 : i32
    %dma_start3A_37 = tpu.memref_slice %arg5[%dma_start3A_29, %dma_start3A_36] : memref<7x1024xi32, #tpu.memory_space<vmem>> -> memref<1x128xi32, #tpu.memory_space<vmem>>
    %dma_start3A_38 = tpu.memref_squeeze %dma_start3A_37 : memref<1x128xi32, #tpu.memory_space<vmem>> -> memref<128xi32, #tpu.memory_space<vmem>>
    %dma_start3A_39 = arith.constant 0 : i32
    %dma_start3A_40 = arith.constant 0 : i32
    %dma_start3A_41 = tpu.memref_slice %arg2[%dma_start3A_39, %dma_start3A_40] : memref<1000000x64xf32, #tpu.memory_space<hbm>> -> memref<1000000x64xf32, #tpu.memory_space<hbm>>
    %dma_start3A_42 = tpu.memref_slice %arg7[%dma_start3A_31] : memref<8x!tpu.dma_semaphore, #tpu.memory_space<semaphore_mem>> -> memref<1x!tpu.dma_semaphore, #tpu.memory_space<semaphore_mem>>
    %dma_start3A_43 = tpu.memref_squeeze %dma_start3A_42 : memref<1x!tpu.dma_semaphore, #tpu.memory_space<semaphore_mem>> -> memref<!tpu.dma_semaphore, #tpu.memory_space<semaphore_mem>>
    tpu.enqueue_indirect_dma source(%dma_start3A_41 : memref<1000000x64xf32, #tpu.memory_space<hbm>>) target(%dma_start3A_35 : memref<128x64xf32, #tpu.memory_space<vmem>>) offsets(%dma_start3A_38 : memref<128xi32, #tpu.memory_space<vmem>>) semaphore(%dma_start3A_43 : memref<!tpu.dma_semaphore, #tpu.memory_space<semaphore_mem>>)
    %dma_start3A_44 = arith.constant 0 : i32
    %dma_start3A_45 = arith.constant 2 : i32
    %dma_start3A_46 = arith.constant 2 : i32
    %dma_start3A_47 = arith.constant 0 : i32
    %dma_start3A_48 = arith.constant 0 : i32
    %dma_start3A_49 = tpu.memref_slice %arg6[%dma_start3A_45, %dma_start3A_47, %dma_start3A_48] : memref<8x128x64xf32, #tpu.memory_space<vmem>> -> memref<1x128x64xf32, #tpu.memory_space<vmem>>
    %dma_start3A_50 = tpu.memref_squeeze %dma_start3A_49 : memref<1x128x64xf32, #tpu.memory_space<vmem>> -> memref<128x64xf32, #tpu.memory_space<vmem>>
    %dma_start3A_51 = arith.constant 256 : i32
    %dma_start3A_52 = tpu.memref_slice %arg5[%dma_start3A_44, %dma_start3A_51] : memref<7x1024xi32, #tpu.memory_space<vmem>> -> memref<1x128xi32, #tpu.memory_space<vmem>>
    %dma_start3A_53 = tpu.memref_squeeze %dma_start3A_52 : memref<1x128xi32, #tpu.memory_space<vmem>> -> memref<128xi32, #tpu.memory_space<vmem>>
    %dma_start3A_54 = arith.constant 0 : i32
    %dma_start3A_55 = arith.constant 0 : i32
    %dma_start3A_56 = tpu.memref_slice %arg2[%dma_start3A_54, %dma_start3A_55] : memref<1000000x64xf32, #tpu.memory_space<hbm>> -> memref<1000000x64xf32, #tpu.memory_space<hbm>>
    %dma_start3A_57 = tpu.memref_slice %arg7[%dma_start3A_46] : memref<8x!tpu.dma_semaphore, #tpu.memory_space<semaphore_mem>> -> memref<1x!tpu.dma_semaphore, #tpu.memory_space<semaphore_mem>>
    %dma_start3A_58 = tpu.memref_squeeze %dma_start3A_57 : memref<1x!tpu.dma_semaphore, #tpu.memory_space<semaphore_mem>> -> memref<!tpu.dma_semaphore, #tpu.memory_space<semaphore_mem>>
    tpu.enqueue_indirect_dma source(%dma_start3A_56 : memref<1000000x64xf32, #tpu.memory_space<hbm>>) target(%dma_start3A_50 : memref<128x64xf32, #tpu.memory_space<vmem>>) offsets(%dma_start3A_53 : memref<128xi32, #tpu.memory_space<vmem>>) semaphore(%dma_start3A_58 : memref<!tpu.dma_semaphore, #tpu.memory_space<semaphore_mem>>)
    %dma_start3A_59 = arith.constant 0 : i32
    %dma_start3A_60 = arith.constant 3 : i32
    %dma_start3A_61 = arith.constant 3 : i32
    %dma_start3A_62 = arith.constant 0 : i32
    %dma_start3A_63 = arith.constant 0 : i32
    %dma_start3A_64 = tpu.memref_slice %arg6[%dma_start3A_60, %dma_start3A_62, %dma_start3A_63] : memref<8x128x64xf32, #tpu.memory_space<vmem>> -> memref<1x128x64xf32, #tpu.memory_space<vmem>>
    %dma_start3A_65 = tpu.memref_squeeze %dma_start3A_64 : memref<1x128x64xf32, #tpu.memory_space<vmem>> -> memref<128x64xf32, #tpu.memory_space<vmem>>
    %dma_start3A_66 = arith.constant 384 : i32
    %dma_start3A_67 = tpu.memref_slice %arg5[%dma_start3A_59, %dma_start3A_66] : memref<7x1024xi32, #tpu.memory_space<vmem>> -> memref<1x128xi32, #tpu.memory_space<vmem>>
    %dma_start3A_68 = tpu.memref_squeeze %dma_start3A_67 : memref<1x128xi32, #tpu.memory_space<vmem>> -> memref<128xi32, #tpu.memory_space<vmem>>
    %dma_start3A_69 = arith.constant 0 : i32
    %dma_start3A_70 = arith.constant 0 : i32
    %dma_start3A_71 = tpu.memref_slice %arg2[%dma_start3A_69, %dma_start3A_70] : memref<1000000x64xf32, #tpu.memory_space<hbm>> -> memref<1000000x64xf32, #tpu.memory_space<hbm>>
    %dma_start3A_72 = tpu.memref_slice %arg7[%dma_start3A_61] : memref<8x!tpu.dma_semaphore, #tpu.memory_space<semaphore_mem>> -> memref<1x!tpu.dma_semaphore, #tpu.memory_space<semaphore_mem>>
    %dma_start3A_73 = tpu.memref_squeeze %dma_start3A_72 : memref<1x!tpu.dma_semaphore, #tpu.memory_space<semaphore_mem>> -> memref<!tpu.dma_semaphore, #tpu.memory_space<semaphore_mem>>
    tpu.enqueue_indirect_dma source(%dma_start3A_71 : memref<1000000x64xf32, #tpu.memory_space<hbm>>) target(%dma_start3A_65 : memref<128x64xf32, #tpu.memory_space<vmem>>) offsets(%dma_start3A_68 : memref<128xi32, #tpu.memory_space<vmem>>) semaphore(%dma_start3A_73 : memref<!tpu.dma_semaphore, #tpu.memory_space<semaphore_mem>>)
    %dma_start3A_74 = arith.constant 0 : i32
    %dma_start3A_75 = arith.constant 4 : i32
    %dma_start3A_76 = arith.constant 4 : i32
    %dma_start3A_77 = arith.constant 0 : i32
    %dma_start3A_78 = arith.constant 0 : i32
    %dma_start3A_79 = tpu.memref_slice %arg6[%dma_start3A_75, %dma_start3A_77, %dma_start3A_78] : memref<8x128x64xf32, #tpu.memory_space<vmem>> -> memref<1x128x64xf32, #tpu.memory_space<vmem>>
    %dma_start3A_80 = tpu.memref_squeeze %dma_start3A_79 : memref<1x128x64xf32, #tpu.memory_space<vmem>> -> memref<128x64xf32, #tpu.memory_space<vmem>>
    %dma_start3A_81 = arith.constant 512 : i32
    %dma_start3A_82 = tpu.memref_slice %arg5[%dma_start3A_74, %dma_start3A_81] : memref<7x1024xi32, #tpu.memory_space<vmem>> -> memref<1x128xi32, #tpu.memory_space<vmem>>
    %dma_start3A_83 = tpu.memref_squeeze %dma_start3A_82 : memref<1x128xi32, #tpu.memory_space<vmem>> -> memref<128xi32, #tpu.memory_space<vmem>>
    %dma_start3A_84 = arith.constant 0 : i32
    %dma_start3A_85 = arith.constant 0 : i32
    %dma_start3A_86 = tpu.memref_slice %arg2[%dma_start3A_84, %dma_start3A_85] : memref<1000000x64xf32, #tpu.memory_space<hbm>> -> memref<1000000x64xf32, #tpu.memory_space<hbm>>
    %dma_start3A_87 = tpu.memref_slice %arg7[%dma_start3A_76] : memref<8x!tpu.dma_semaphore, #tpu.memory_space<semaphore_mem>> -> memref<1x!tpu.dma_semaphore, #tpu.memory_space<semaphore_mem>>
    %dma_start3A_88 = tpu.memref_squeeze %dma_start3A_87 : memref<1x!tpu.dma_semaphore, #tpu.memory_space<semaphore_mem>> -> memref<!tpu.dma_semaphore, #tpu.memory_space<semaphore_mem>>
    tpu.enqueue_indirect_dma source(%dma_start3A_86 : memref<1000000x64xf32, #tpu.memory_space<hbm>>) target(%dma_start3A_80 : memref<128x64xf32, #tpu.memory_space<vmem>>) offsets(%dma_start3A_83 : memref<128xi32, #tpu.memory_space<vmem>>) semaphore(%dma_start3A_88 : memref<!tpu.dma_semaphore, #tpu.memory_space<semaphore_mem>>)
    %dma_start3A_89 = arith.constant 0 : i32
    %dma_start3A_90 = arith.constant 5 : i32
    %dma_start3A_91 = arith.constant 5 : i32
    %dma_start3A_92 = arith.constant 0 : i32
    %dma_start3A_93 = arith.constant 0 : i32
    %dma_start3A_94 = tpu.memref_slice %arg6[%dma_start3A_90, %dma_start3A_92, %dma_start3A_93] : memref<8x128x64xf32, #tpu.memory_space<vmem>> -> memref<1x128x64xf32, #tpu.memory_space<vmem>>
    %dma_start3A_95 = tpu.memref_squeeze %dma_start3A_94 : memref<1x128x64xf32, #tpu.memory_space<vmem>> -> memref<128x64xf32, #tpu.memory_space<vmem>>
    %dma_start3A_96 = arith.constant 640 : i32
    %dma_start3A_97 = tpu.memref_slice %arg5[%dma_start3A_89, %dma_start3A_96] : memref<7x1024xi32, #tpu.memory_space<vmem>> -> memref<1x128xi32, #tpu.memory_space<vmem>>
    %dma_start3A_98 = tpu.memref_squeeze %dma_start3A_97 : memref<1x128xi32, #tpu.memory_space<vmem>> -> memref<128xi32, #tpu.memory_space<vmem>>
    %dma_start3A_99 = arith.constant 0 : i32
    %dma_start3A_100 = arith.constant 0 : i32
    %dma_start3A_101 = tpu.memref_slice %arg2[%dma_start3A_99, %dma_start3A_100] : memref<1000000x64xf32, #tpu.memory_space<hbm>> -> memref<1000000x64xf32, #tpu.memory_space<hbm>>
    %dma_start3A_102 = tpu.memref_slice %arg7[%dma_start3A_91] : memref<8x!tpu.dma_semaphore, #tpu.memory_space<semaphore_mem>> -> memref<1x!tpu.dma_semaphore, #tpu.memory_space<semaphore_mem>>
    %dma_start3A_103 = tpu.memref_squeeze %dma_start3A_102 : memref<1x!tpu.dma_semaphore, #tpu.memory_space<semaphore_mem>> -> memref<!tpu.dma_semaphore, #tpu.memory_space<semaphore_mem>>
    tpu.enqueue_indirect_dma source(%dma_start3A_101 : memref<1000000x64xf32, #tpu.memory_space<hbm>>) target(%dma_start3A_95 : memref<128x64xf32, #tpu.memory_space<vmem>>) offsets(%dma_start3A_98 : memref<128xi32, #tpu.memory_space<vmem>>) semaphore(%dma_start3A_103 : memref<!tpu.dma_semaphore, #tpu.memory_space<semaphore_mem>>)
    %dma_start3A_104 = arith.constant 0 : i32
    %dma_start3A_105 = arith.constant 6 : i32
    %dma_start3A_106 = arith.constant 6 : i32
    %dma_start3A_107 = arith.constant 0 : i32
    %dma_start3A_108 = arith.constant 0 : i32
    %dma_start3A_109 = tpu.memref_slice %arg6[%dma_start3A_105, %dma_start3A_107, %dma_start3A_108] : memref<8x128x64xf32, #tpu.memory_space<vmem>> -> memref<1x128x64xf32, #tpu.memory_space<vmem>>
    %dma_start3A_110 = tpu.memref_squeeze %dma_start3A_109 : memref<1x128x64xf32, #tpu.memory_space<vmem>> -> memref<128x64xf32, #tpu.memory_space<vmem>>
    %dma_start3A_111 = arith.constant 768 : i32
    %dma_start3A_112 = tpu.memref_slice %arg5[%dma_start3A_104, %dma_start3A_111] : memref<7x1024xi32, #tpu.memory_space<vmem>> -> memref<1x128xi32, #tpu.memory_space<vmem>>
    %dma_start3A_113 = tpu.memref_squeeze %dma_start3A_112 : memref<1x128xi32, #tpu.memory_space<vmem>> -> memref<128xi32, #tpu.memory_space<vmem>>
    %dma_start3A_114 = arith.constant 0 : i32
    %dma_start3A_115 = arith.constant 0 : i32
    %dma_start3A_116 = tpu.memref_slice %arg2[%dma_start3A_114, %dma_start3A_115] : memref<1000000x64xf32, #tpu.memory_space<hbm>> -> memref<1000000x64xf32, #tpu.memory_space<hbm>>
    %dma_start3A_117 = tpu.memref_slice %arg7[%dma_start3A_106] : memref<8x!tpu.dma_semaphore, #tpu.memory_space<semaphore_mem>> -> memref<1x!tpu.dma_semaphore, #tpu.memory_space<semaphore_mem>>
    %dma_start3A_118 = tpu.memref_squeeze %dma_start3A_117 : memref<1x!tpu.dma_semaphore, #tpu.memory_space<semaphore_mem>> -> memref<!tpu.dma_semaphore, #tpu.memory_space<semaphore_mem>>
    tpu.enqueue_indirect_dma source(%dma_start3A_116 : memref<1000000x64xf32, #tpu.memory_space<hbm>>) target(%dma_start3A_110 : memref<128x64xf32, #tpu.memory_space<vmem>>) offsets(%dma_start3A_113 : memref<128xi32, #tpu.memory_space<vmem>>) semaphore(%dma_start3A_118 : memref<!tpu.dma_semaphore, #tpu.memory_space<semaphore_mem>>)
    %dma_start3A_119 = arith.constant 0 : i32
    %dma_start3A_120 = arith.constant 7 : i32
    %dma_start3A_121 = arith.constant 7 : i32
    %dma_start3A_122 = arith.constant 0 : i32
    %dma_start3A_123 = arith.constant 0 : i32
    %dma_start3A_124 = tpu.memref_slice %arg6[%dma_start3A_120, %dma_start3A_122, %dma_start3A_123] : memref<8x128x64xf32, #tpu.memory_space<vmem>> -> memref<1x128x64xf32, #tpu.memory_space<vmem>>
    %dma_start3A_125 = tpu.memref_squeeze %dma_start3A_124 : memref<1x128x64xf32, #tpu.memory_space<vmem>> -> memref<128x64xf32, #tpu.memory_space<vmem>>
    %dma_start3A_126 = arith.constant 896 : i32
    %dma_start3A_127 = tpu.memref_slice %arg5[%dma_start3A_119, %dma_start3A_126] : memref<7x1024xi32, #tpu.memory_space<vmem>> -> memref<1x128xi32, #tpu.memory_space<vmem>>
    %dma_start3A_128 = tpu.memref_squeeze %dma_start3A_127 : memref<1x128xi32, #tpu.memory_space<vmem>> -> memref<128xi32, #tpu.memory_space<vmem>>
    %dma_start3A_129 = arith.constant 0 : i32
    %dma_start3A_130 = arith.constant 0 : i32
    %dma_start3A_131 = tpu.memref_slice %arg2[%dma_start3A_129, %dma_start3A_130] : memref<1000000x64xf32, #tpu.memory_space<hbm>> -> memref<1000000x64xf32, #tpu.memory_space<hbm>>
    %dma_start3A_132 = tpu.memref_slice %arg7[%dma_start3A_121] : memref<8x!tpu.dma_semaphore, #tpu.memory_space<semaphore_mem>> -> memref<1x!tpu.dma_semaphore, #tpu.memory_space<semaphore_mem>>
    %dma_start3A_133 = tpu.memref_squeeze %dma_start3A_132 : memref<1x!tpu.dma_semaphore, #tpu.memory_space<semaphore_mem>> -> memref<!tpu.dma_semaphore, #tpu.memory_space<semaphore_mem>>
    tpu.enqueue_indirect_dma source(%dma_start3A_131 : memref<1000000x64xf32, #tpu.memory_space<hbm>>) target(%dma_start3A_125 : memref<128x64xf32, #tpu.memory_space<vmem>>) offsets(%dma_start3A_128 : memref<128xi32, #tpu.memory_space<vmem>>) semaphore(%dma_start3A_133 : memref<!tpu.dma_semaphore, #tpu.memory_space<semaphore_mem>>)
    %while3A = arith.constant 0 : i32
    %while3A_134 = arith.constant 0 : i32
    %while3A_135 = arith.subi %select_n3A_12, %while3A_134 : i32
    %while3A_136 = arith.addi %while3A_134, %while3A_135 : i32
    %while3A_137 = arith.constant 1 : i32
    %while3A_138 = arith.divsi %while3A_135, %while3A_137 : i32
    %while3A_139 = arith.muli %while3A_138, %while3A_137 : i32
    %while3A_140 = arith.addi %while3A_134, %while3A_139 : i32
    %while3A_141 = arith.constant 1 : i32
    scf.for %while3A_310 = %while3A_134 to %while3A_140 step %while3A_141  : i32 {
      %add3A_311 = arith.addi %select_n3A, %while3A_310 : i32
      %dma_wait3A_312 = arith.constant 0 : i32
      %dma_wait3A_313 = arith.constant 0 : i32
      %dma_wait3A_314 = arith.constant 0 : i32
      %dma_wait3A_315 = arith.constant 0 : i32
      %dma_wait3A_316 = arith.constant 0 : i32
      %dma_wait3A_317 = tpu.memref_slice %arg6[%dma_wait3A_313, %dma_wait3A_315, %dma_wait3A_316] : memref<8x128x64xf32, #tpu.memory_space<vmem>> -> memref<1x128x64xf32, #tpu.memory_space<vmem>>
      %dma_wait3A_318 = tpu.memref_squeeze %dma_wait3A_317 : memref<1x128x64xf32, #tpu.memory_space<vmem>> -> memref<128x64xf32, #tpu.memory_space<vmem>>
      %dma_wait3A_319 = arith.constant 0 : i32
      %dma_wait3A_320 = tpu.memref_slice %arg5[%dma_wait3A_312, %dma_wait3A_319] : memref<7x1024xi32, #tpu.memory_space<vmem>> -> memref<1x128xi32, #tpu.memory_space<vmem>>
      %dma_wait3A_321 = tpu.memref_squeeze %dma_wait3A_320 : memref<1x128xi32, #tpu.memory_space<vmem>> -> memref<128xi32, #tpu.memory_space<vmem>>
      %dma_wait3A_322 = arith.constant 0 : i32
      %dma_wait3A_323 = arith.constant 0 : i32
      %dma_wait3A_324 = tpu.memref_slice %arg2[%dma_wait3A_322, %dma_wait3A_323] : memref<1000000x64xf32, #tpu.memory_space<hbm>> -> memref<1000000x64xf32, #tpu.memory_space<hbm>>
      %dma_wait3A_325 = tpu.memref_slice %arg7[%dma_wait3A_314] : memref<8x!tpu.dma_semaphore, #tpu.memory_space<semaphore_mem>> -> memref<1x!tpu.dma_semaphore, #tpu.memory_space<semaphore_mem>>
      %dma_wait3A_326 = tpu.memref_squeeze %dma_wait3A_325 : memref<1x!tpu.dma_semaphore, #tpu.memory_space<semaphore_mem>> -> memref<!tpu.dma_semaphore, #tpu.memory_space<semaphore_mem>>
      tpu.wait_indirect_dma semaphore(%dma_wait3A_326 : memref<!tpu.dma_semaphore, #tpu.memory_space<semaphore_mem>>) src(%dma_wait3A_324 : memref<1000000x64xf32, #tpu.memory_space<hbm>>) dst(%dma_wait3A_318 : memref<128x64xf32, #tpu.memory_space<vmem>>)
      %dma_start3A_327 = arith.constant 0 : i32
      %dma_start3A_328 = arith.constant 0 : i32
      %dma_start3A_329 = arith.constant 0 : i32
      %dma_start3A_330 = arith.constant 0 : i32
      %dma_start3A_331 = tpu.memref_slice %arg6[%dma_start3A_327, %dma_start3A_329, %dma_start3A_330] : memref<8x128x64xf32, #tpu.memory_space<vmem>> -> memref<1x128x64xf32, #tpu.memory_space<vmem>>
      %dma_start3A_332 = tpu.memref_squeeze %dma_start3A_331 : memref<1x128x64xf32, #tpu.memory_space<vmem>> -> memref<128x64xf32, #tpu.memory_space<vmem>>
      %dma_start3A_333 = arith.constant 0 : i32
      %dma_start3A_334 = arith.constant 0 : i32
      %dma_start3A_335 = tpu.memref_slice %arg4[%add3A_311, %dma_start3A_333, %dma_start3A_334] : memref<200x1024x64xf32, #tpu.memory_space<hbm>> -> memref<1x128x64xf32, #tpu.memory_space<hbm>>
      %dma_start3A_336 = tpu.memref_squeeze %dma_start3A_335 : memref<1x128x64xf32, #tpu.memory_space<hbm>> -> memref<128x64xf32, #tpu.memory_space<hbm>>
      %dma_start3A_337 = tpu.memref_slice %arg8[%dma_start3A_328] : memref<8x!tpu.dma_semaphore, #tpu.memory_space<semaphore_mem>> -> memref<1x!tpu.dma_semaphore, #tpu.memory_space<semaphore_mem>>
      %dma_start3A_338 = tpu.memref_squeeze %dma_start3A_337 : memref<1x!tpu.dma_semaphore, #tpu.memory_space<semaphore_mem>> -> memref<!tpu.dma_semaphore, #tpu.memory_space<semaphore_mem>>
      %dma_start3A_339 = arith.constant 0 : i32
      %dma_start3A_340 = arith.constant 0 : i32
      %dma_start3A_341 = tpu.memref_slice %arg4[%add3A_311, %dma_start3A_339, %dma_start3A_340] : memref<200x1024x64xf32, #tpu.memory_space<hbm>> -> memref<1x128x64xf32, #tpu.memory_space<hbm>>
      %dma_start3A_342 = tpu.memref_squeeze %dma_start3A_341 : memref<1x128x64xf32, #tpu.memory_space<hbm>> -> memref<128x64xf32, #tpu.memory_space<hbm>>
      %dma_start3A_343 = arith.constant 0 : i32
      %dma_start3A_344 = arith.constant 0 : i32
      %dma_start3A_345 = tpu.memref_slice %arg6[%dma_start3A_327, %dma_start3A_343, %dma_start3A_344] : memref<8x128x64xf32, #tpu.memory_space<vmem>> -> memref<1x128x64xf32, #tpu.memory_space<vmem>>
      %dma_start3A_346 = tpu.memref_squeeze %dma_start3A_345 : memref<1x128x64xf32, #tpu.memory_space<vmem>> -> memref<128x64xf32, #tpu.memory_space<vmem>>
      tpu.enqueue_dma source(%dma_start3A_346 : memref<128x64xf32, #tpu.memory_space<vmem>>) target(%dma_start3A_342 : memref<128x64xf32, #tpu.memory_space<hbm>>) target_semaphore(%dma_start3A_338 : memref<!tpu.dma_semaphore, #tpu.memory_space<semaphore_mem>>)
      %sub3A_347 = arith.constant 1 : i32
      %sub3A_348 = arith.subi %select_n3A_12, %sub3A_347 : i32
      %lt3A_349 = arith.cmpi slt, %while3A_310, %sub3A_348 : i32
      %convert_element_type3A_350 = arith.extui %lt3A_349 : i1 to i32
      %cond3A_351 = arith.constant 0 : i32
      %cond3A_352 = arith.cmpi ne, %convert_element_type3A_350, %cond3A_351 : i32
      scf.if %cond3A_352 {
        %dma_wait3A_640 = arith.constant 0 : i32
        %dma_wait3A_641 = arith.constant 0 : i32
        %dma_wait3A_642 = arith.constant 0 : i32
        %dma_wait3A_643 = arith.constant 0 : i32
        %dma_wait3A_644 = tpu.memref_slice %arg6[%dma_wait3A_640, %dma_wait3A_642, %dma_wait3A_643] : memref<8x128x64xf32, #tpu.memory_space<vmem>> -> memref<1x128x64xf32, #tpu.memory_space<vmem>>
        %dma_wait3A_645 = tpu.memref_squeeze %dma_wait3A_644 : memref<1x128x64xf32, #tpu.memory_space<vmem>> -> memref<128x64xf32, #tpu.memory_space<vmem>>
        %dma_wait3A_646 = arith.constant 0 : i32
        %dma_wait3A_647 = arith.constant 0 : i32
        %dma_wait3A_648 = tpu.memref_slice %arg4[%add3A_311, %dma_wait3A_646, %dma_wait3A_647] : memref<200x1024x64xf32, #tpu.memory_space<hbm>> -> memref<1x128x64xf32, #tpu.memory_space<hbm>>
        %dma_wait3A_649 = tpu.memref_squeeze %dma_wait3A_648 : memref<1x128x64xf32, #tpu.memory_space<hbm>> -> memref<128x64xf32, #tpu.memory_space<hbm>>
        %dma_wait3A_650 = tpu.memref_slice %arg8[%dma_wait3A_641] : memref<8x!tpu.dma_semaphore, #tpu.memory_space<semaphore_mem>> -> memref<1x!tpu.dma_semaphore, #tpu.memory_space<semaphore_mem>>
        %dma_wait3A_651 = tpu.memref_squeeze %dma_wait3A_650 : memref<1x!tpu.dma_semaphore, #tpu.memory_space<semaphore_mem>> -> memref<!tpu.dma_semaphore, #tpu.memory_space<semaphore_mem>>
        %dma_wait3A_652 = arith.constant 0 : i32
        %dma_wait3A_653 = arith.constant 0 : i32
        %dma_wait3A_654 = tpu.memref_slice %arg4[%add3A_311, %dma_wait3A_652, %dma_wait3A_653] : memref<200x1024x64xf32, #tpu.memory_space<hbm>> -> memref<1x128x64xf32, #tpu.memory_space<hbm>>
        %dma_wait3A_655 = tpu.memref_squeeze %dma_wait3A_654 : memref<1x128x64xf32, #tpu.memory_space<hbm>> -> memref<128x64xf32, #tpu.memory_space<hbm>>
        %dma_wait3A_656 = arith.constant 0 : i32
        %dma_wait3A_657 = arith.constant 0 : i32
        %dma_wait3A_658 = tpu.memref_slice %arg6[%dma_wait3A_640, %dma_wait3A_656, %dma_wait3A_657] : memref<8x128x64xf32, #tpu.memory_space<vmem>> -> memref<1x128x64xf32, #tpu.memory_space<vmem>>
        %dma_wait3A_659 = tpu.memref_squeeze %dma_wait3A_658 : memref<1x128x64xf32, #tpu.memory_space<vmem>> -> memref<128x64xf32, #tpu.memory_space<vmem>>
        tpu.wait_dma2 semaphore(%dma_wait3A_651 : memref<!tpu.dma_semaphore, #tpu.memory_space<semaphore_mem>>) src(%dma_wait3A_659 : memref<128x64xf32, #tpu.memory_space<vmem>>) dst(%dma_wait3A_655 : memref<128x64xf32, #tpu.memory_space<hbm>>)
        %add3A_660 = arith.constant 1 : i32
        %add3A_661 = arith.addi %while3A_310, %add3A_660 : i32
        %dma_start3A_662 = arith.constant 0 : i32
        %dma_start3A_663 = arith.constant 0 : i32
        %dma_start3A_664 = arith.constant 0 : i32
        %dma_start3A_665 = arith.constant 0 : i32
        %dma_start3A_666 = tpu.memref_slice %arg6[%dma_start3A_662, %dma_start3A_664, %dma_start3A_665] : memref<8x128x64xf32, #tpu.memory_space<vmem>> -> memref<1x128x64xf32, #tpu.memory_space<vmem>>
        %dma_start3A_667 = tpu.memref_squeeze %dma_start3A_666 : memref<1x128x64xf32, #tpu.memory_space<vmem>> -> memref<128x64xf32, #tpu.memory_space<vmem>>
        %dma_start3A_668 = arith.constant 0 : i32
        %dma_start3A_669 = tpu.memref_slice %arg5[%add3A_661, %dma_start3A_668] : memref<7x1024xi32, #tpu.memory_space<vmem>> -> memref<1x128xi32, #tpu.memory_space<vmem>>
        %dma_start3A_670 = tpu.memref_squeeze %dma_start3A_669 : memref<1x128xi32, #tpu.memory_space<vmem>> -> memref<128xi32, #tpu.memory_space<vmem>>
        %dma_start3A_671 = arith.constant 0 : i32
        %dma_start3A_672 = arith.constant 0 : i32
        %dma_start3A_673 = tpu.memref_slice %arg2[%dma_start3A_671, %dma_start3A_672] : memref<1000000x64xf32, #tpu.memory_space<hbm>> -> memref<1000000x64xf32, #tpu.memory_space<hbm>>
        %dma_start3A_674 = tpu.memref_slice %arg7[%dma_start3A_663] : memref<8x!tpu.dma_semaphore, #tpu.memory_space<semaphore_mem>> -> memref<1x!tpu.dma_semaphore, #tpu.memory_space<semaphore_mem>>
        %dma_start3A_675 = tpu.memref_squeeze %dma_start3A_674 : memref<1x!tpu.dma_semaphore, #tpu.memory_space<semaphore_mem>> -> memref<!tpu.dma_semaphore, #tpu.memory_space<semaphore_mem>>
        tpu.enqueue_indirect_dma source(%dma_start3A_673 : memref<1000000x64xf32, #tpu.memory_space<hbm>>) target(%dma_start3A_667 : memref<128x64xf32, #tpu.memory_space<vmem>>) offsets(%dma_start3A_670 : memref<128xi32, #tpu.memory_space<vmem>>) semaphore(%dma_start3A_675 : memref<!tpu.dma_semaphore, #tpu.memory_space<semaphore_mem>>)
      } else {
      }
      %dma_wait3A_353 = arith.constant 0 : i32
      %dma_wait3A_354 = arith.constant 1 : i32
      %dma_wait3A_355 = arith.constant 1 : i32
      %dma_wait3A_356 = arith.constant 0 : i32
      %dma_wait3A_357 = arith.constant 0 : i32
      %dma_wait3A_358 = tpu.memref_slice %arg6[%dma_wait3A_354, %dma_wait3A_356, %dma_wait3A_357] : memref<8x128x64xf32, #tpu.memory_space<vmem>> -> memref<1x128x64xf32, #tpu.memory_space<vmem>>
      %dma_wait3A_359 = tpu.memref_squeeze %dma_wait3A_358 : memref<1x128x64xf32, #tpu.memory_space<vmem>> -> memref<128x64xf32, #tpu.memory_space<vmem>>
      %dma_wait3A_360 = arith.constant 128 : i32
      %dma_wait3A_361 = tpu.memref_slice %arg5[%dma_wait3A_353, %dma_wait3A_360] : memref<7x1024xi32, #tpu.memory_space<vmem>> -> memref<1x128xi32, #tpu.memory_space<vmem>>
      %dma_wait3A_362 = tpu.memref_squeeze %dma_wait3A_361 : memref<1x128xi32, #tpu.memory_space<vmem>> -> memref<128xi32, #tpu.memory_space<vmem>>
      %dma_wait3A_363 = arith.constant 0 : i32
      %dma_wait3A_364 = arith.constant 0 : i32
      %dma_wait3A_365 = tpu.memref_slice %arg2[%dma_wait3A_363, %dma_wait3A_364] : memref<1000000x64xf32, #tpu.memory_space<hbm>> -> memref<1000000x64xf32, #tpu.memory_space<hbm>>
      %dma_wait3A_366 = tpu.memref_slice %arg7[%dma_wait3A_355] : memref<8x!tpu.dma_semaphore, #tpu.memory_space<semaphore_mem>> -> memref<1x!tpu.dma_semaphore, #tpu.memory_space<semaphore_mem>>
      %dma_wait3A_367 = tpu.memref_squeeze %dma_wait3A_366 : memref<1x!tpu.dma_semaphore, #tpu.memory_space<semaphore_mem>> -> memref<!tpu.dma_semaphore, #tpu.memory_space<semaphore_mem>>
      tpu.wait_indirect_dma semaphore(%dma_wait3A_367 : memref<!tpu.dma_semaphore, #tpu.memory_space<semaphore_mem>>) src(%dma_wait3A_365 : memref<1000000x64xf32, #tpu.memory_space<hbm>>) dst(%dma_wait3A_359 : memref<128x64xf32, #tpu.memory_space<vmem>>)
      %dma_start3A_368 = arith.constant 1 : i32
      %dma_start3A_369 = arith.constant 1 : i32
      %dma_start3A_370 = arith.constant 0 : i32
      %dma_start3A_371 = arith.constant 0 : i32
      %dma_start3A_372 = tpu.memref_slice %arg6[%dma_start3A_368, %dma_start3A_370, %dma_start3A_371] : memref<8x128x64xf32, #tpu.memory_space<vmem>> -> memref<1x128x64xf32, #tpu.memory_space<vmem>>
      %dma_start3A_373 = tpu.memref_squeeze %dma_start3A_372 : memref<1x128x64xf32, #tpu.memory_space<vmem>> -> memref<128x64xf32, #tpu.memory_space<vmem>>
      %dma_start3A_374 = arith.constant 128 : i32
      %dma_start3A_375 = arith.constant 0 : i32
      %dma_start3A_376 = tpu.memref_slice %arg4[%add3A_311, %dma_start3A_374, %dma_start3A_375] : memref<200x1024x64xf32, #tpu.memory_space<hbm>> -> memref<1x128x64xf32, #tpu.memory_space<hbm>>
      %dma_start3A_377 = tpu.memref_squeeze %dma_start3A_376 : memref<1x128x64xf32, #tpu.memory_space<hbm>> -> memref<128x64xf32, #tpu.memory_space<hbm>>
      %dma_start3A_378 = tpu.memref_slice %arg8[%dma_start3A_369] : memref<8x!tpu.dma_semaphore, #tpu.memory_space<semaphore_mem>> -> memref<1x!tpu.dma_semaphore, #tpu.memory_space<semaphore_mem>>
      %dma_start3A_379 = tpu.memref_squeeze %dma_start3A_378 : memref<1x!tpu.dma_semaphore, #tpu.memory_space<semaphore_mem>> -> memref<!tpu.dma_semaphore, #tpu.memory_space<semaphore_mem>>
      %dma_start3A_380 = arith.constant 128 : i32
      %dma_start3A_381 = arith.constant 0 : i32
      %dma_start3A_382 = tpu.memref_slice %arg4[%add3A_311, %dma_start3A_380, %dma_start3A_381] : memref<200x1024x64xf32, #tpu.memory_space<hbm>> -> memref<1x128x64xf32, #tpu.memory_space<hbm>>
      %dma_start3A_383 = tpu.memref_squeeze %dma_start3A_382 : memref<1x128x64xf32, #tpu.memory_space<hbm>> -> memref<128x64xf32, #tpu.memory_space<hbm>>
      %dma_start3A_384 = arith.constant 0 : i32
      %dma_start3A_385 = arith.constant 0 : i32
      %dma_start3A_386 = tpu.memref_slice %arg6[%dma_start3A_368, %dma_start3A_384, %dma_start3A_385] : memref<8x128x64xf32, #tpu.memory_space<vmem>> -> memref<1x128x64xf32, #tpu.memory_space<vmem>>
      %dma_start3A_387 = tpu.memref_squeeze %dma_start3A_386 : memref<1x128x64xf32, #tpu.memory_space<vmem>> -> memref<128x64xf32, #tpu.memory_space<vmem>>
      tpu.enqueue_dma source(%dma_start3A_387 : memref<128x64xf32, #tpu.memory_space<vmem>>) target(%dma_start3A_383 : memref<128x64xf32, #tpu.memory_space<hbm>>) target_semaphore(%dma_start3A_379 : memref<!tpu.dma_semaphore, #tpu.memory_space<semaphore_mem>>)
      %sub3A_388 = arith.constant 1 : i32
      %sub3A_389 = arith.subi %select_n3A_12, %sub3A_388 : i32
      %lt3A_390 = arith.cmpi slt, %while3A_310, %sub3A_389 : i32
      %convert_element_type3A_391 = arith.extui %lt3A_390 : i1 to i32
      %cond3A_392 = arith.constant 0 : i32
      %cond3A_393 = arith.cmpi ne, %convert_element_type3A_391, %cond3A_392 : i32
      scf.if %cond3A_393 {
        %dma_wait3A_640 = arith.constant 1 : i32
        %dma_wait3A_641 = arith.constant 1 : i32
        %dma_wait3A_642 = arith.constant 0 : i32
        %dma_wait3A_643 = arith.constant 0 : i32
        %dma_wait3A_644 = tpu.memref_slice %arg6[%dma_wait3A_640, %dma_wait3A_642, %dma_wait3A_643] : memref<8x128x64xf32, #tpu.memory_space<vmem>> -> memref<1x128x64xf32, #tpu.memory_space<vmem>>
        %dma_wait3A_645 = tpu.memref_squeeze %dma_wait3A_644 : memref<1x128x64xf32, #tpu.memory_space<vmem>> -> memref<128x64xf32, #tpu.memory_space<vmem>>
        %dma_wait3A_646 = arith.constant 128 : i32
        %dma_wait3A_647 = arith.constant 0 : i32
        %dma_wait3A_648 = tpu.memref_slice %arg4[%add3A_311, %dma_wait3A_646, %dma_wait3A_647] : memref<200x1024x64xf32, #tpu.memory_space<hbm>> -> memref<1x128x64xf32, #tpu.memory_space<hbm>>
        %dma_wait3A_649 = tpu.memref_squeeze %dma_wait3A_648 : memref<1x128x64xf32, #tpu.memory_space<hbm>> -> memref<128x64xf32, #tpu.memory_space<hbm>>
        %dma_wait3A_650 = tpu.memref_slice %arg8[%dma_wait3A_641] : memref<8x!tpu.dma_semaphore, #tpu.memory_space<semaphore_mem>> -> memref<1x!tpu.dma_semaphore, #tpu.memory_space<semaphore_mem>>
        %dma_wait3A_651 = tpu.memref_squeeze %dma_wait3A_650 : memref<1x!tpu.dma_semaphore, #tpu.memory_space<semaphore_mem>> -> memref<!tpu.dma_semaphore, #tpu.memory_space<semaphore_mem>>
        %dma_wait3A_652 = arith.constant 128 : i32
        %dma_wait3A_653 = arith.constant 0 : i32
        %dma_wait3A_654 = tpu.memref_slice %arg4[%add3A_311, %dma_wait3A_652, %dma_wait3A_653] : memref<200x1024x64xf32, #tpu.memory_space<hbm>> -> memref<1x128x64xf32, #tpu.memory_space<hbm>>
        %dma_wait3A_655 = tpu.memref_squeeze %dma_wait3A_654 : memref<1x128x64xf32, #tpu.memory_space<hbm>> -> memref<128x64xf32, #tpu.memory_space<hbm>>
        %dma_wait3A_656 = arith.constant 0 : i32
        %dma_wait3A_657 = arith.constant 0 : i32
        %dma_wait3A_658 = tpu.memref_slice %arg6[%dma_wait3A_640, %dma_wait3A_656, %dma_wait3A_657] : memref<8x128x64xf32, #tpu.memory_space<vmem>> -> memref<1x128x64xf32, #tpu.memory_space<vmem>>
        %dma_wait3A_659 = tpu.memref_squeeze %dma_wait3A_658 : memref<1x128x64xf32, #tpu.memory_space<vmem>> -> memref<128x64xf32, #tpu.memory_space<vmem>>
        tpu.wait_dma2 semaphore(%dma_wait3A_651 : memref<!tpu.dma_semaphore, #tpu.memory_space<semaphore_mem>>) src(%dma_wait3A_659 : memref<128x64xf32, #tpu.memory_space<vmem>>) dst(%dma_wait3A_655 : memref<128x64xf32, #tpu.memory_space<hbm>>)
        %add3A_660 = arith.constant 1 : i32
        %add3A_661 = arith.addi %while3A_310, %add3A_660 : i32
        %dma_start3A_662 = arith.constant 1 : i32
        %dma_start3A_663 = arith.constant 1 : i32
        %dma_start3A_664 = arith.constant 0 : i32
        %dma_start3A_665 = arith.constant 0 : i32
        %dma_start3A_666 = tpu.memref_slice %arg6[%dma_start3A_662, %dma_start3A_664, %dma_start3A_665] : memref<8x128x64xf32, #tpu.memory_space<vmem>> -> memref<1x128x64xf32, #tpu.memory_space<vmem>>
        %dma_start3A_667 = tpu.memref_squeeze %dma_start3A_666 : memref<1x128x64xf32, #tpu.memory_space<vmem>> -> memref<128x64xf32, #tpu.memory_space<vmem>>
        %dma_start3A_668 = arith.constant 128 : i32
        %dma_start3A_669 = tpu.memref_slice %arg5[%add3A_661, %dma_start3A_668] : memref<7x1024xi32, #tpu.memory_space<vmem>> -> memref<1x128xi32, #tpu.memory_space<vmem>>
        %dma_start3A_670 = tpu.memref_squeeze %dma_start3A_669 : memref<1x128xi32, #tpu.memory_space<vmem>> -> memref<128xi32, #tpu.memory_space<vmem>>
        %dma_start3A_671 = arith.constant 0 : i32
        %dma_start3A_672 = arith.constant 0 : i32
        %dma_start3A_673 = tpu.memref_slice %arg2[%dma_start3A_671, %dma_start3A_672] : memref<1000000x64xf32, #tpu.memory_space<hbm>> -> memref<1000000x64xf32, #tpu.memory_space<hbm>>
        %dma_start3A_674 = tpu.memref_slice %arg7[%dma_start3A_663] : memref<8x!tpu.dma_semaphore, #tpu.memory_space<semaphore_mem>> -> memref<1x!tpu.dma_semaphore, #tpu.memory_space<semaphore_mem>>
        %dma_start3A_675 = tpu.memref_squeeze %dma_start3A_674 : memref<1x!tpu.dma_semaphore, #tpu.memory_space<semaphore_mem>> -> memref<!tpu.dma_semaphore, #tpu.memory_space<semaphore_mem>>
        tpu.enqueue_indirect_dma source(%dma_start3A_673 : memref<1000000x64xf32, #tpu.memory_space<hbm>>) target(%dma_start3A_667 : memref<128x64xf32, #tpu.memory_space<vmem>>) offsets(%dma_start3A_670 : memref<128xi32, #tpu.memory_space<vmem>>) semaphore(%dma_start3A_675 : memref<!tpu.dma_semaphore, #tpu.memory_space<semaphore_mem>>)
      } else {
      }
      %dma_wait3A_394 = arith.constant 0 : i32
      %dma_wait3A_395 = arith.constant 2 : i32
      %dma_wait3A_396 = arith.constant 2 : i32
      %dma_wait3A_397 = arith.constant 0 : i32
      %dma_wait3A_398 = arith.constant 0 : i32
      %dma_wait3A_399 = tpu.memref_slice %arg6[%dma_wait3A_395, %dma_wait3A_397, %dma_wait3A_398] : memref<8x128x64xf32, #tpu.memory_space<vmem>> -> memref<1x128x64xf32, #tpu.memory_space<vmem>>
      %dma_wait3A_400 = tpu.memref_squeeze %dma_wait3A_399 : memref<1x128x64xf32, #tpu.memory_space<vmem>> -> memref<128x64xf32, #tpu.memory_space<vmem>>
      %dma_wait3A_401 = arith.constant 256 : i32
      %dma_wait3A_402 = tpu.memref_slice %arg5[%dma_wait3A_394, %dma_wait3A_401] : memref<7x1024xi32, #tpu.memory_space<vmem>> -> memref<1x128xi32, #tpu.memory_space<vmem>>
      %dma_wait3A_403 = tpu.memref_squeeze %dma_wait3A_402 : memref<1x128xi32, #tpu.memory_space<vmem>> -> memref<128xi32, #tpu.memory_space<vmem>>
      %dma_wait3A_404 = arith.constant 0 : i32
      %dma_wait3A_405 = arith.constant 0 : i32
      %dma_wait3A_406 = tpu.memref_slice %arg2[%dma_wait3A_404, %dma_wait3A_405] : memref<1000000x64xf32, #tpu.memory_space<hbm>> -> memref<1000000x64xf32, #tpu.memory_space<hbm>>
      %dma_wait3A_407 = tpu.memref_slice %arg7[%dma_wait3A_396] : memref<8x!tpu.dma_semaphore, #tpu.memory_space<semaphore_mem>> -> memref<1x!tpu.dma_semaphore, #tpu.memory_space<semaphore_mem>>
      %dma_wait3A_408 = tpu.memref_squeeze %dma_wait3A_407 : memref<1x!tpu.dma_semaphore, #tpu.memory_space<semaphore_mem>> -> memref<!tpu.dma_semaphore, #tpu.memory_space<semaphore_mem>>
      tpu.wait_indirect_dma semaphore(%dma_wait3A_408 : memref<!tpu.dma_semaphore, #tpu.memory_space<semaphore_mem>>) src(%dma_wait3A_406 : memref<1000000x64xf32, #tpu.memory_space<hbm>>) dst(%dma_wait3A_400 : memref<128x64xf32, #tpu.memory_space<vmem>>)
      %dma_start3A_409 = arith.constant 2 : i32
      %dma_start3A_410 = arith.constant 2 : i32
      %dma_start3A_411 = arith.constant 0 : i32
      %dma_start3A_412 = arith.constant 0 : i32
      %dma_start3A_413 = tpu.memref_slice %arg6[%dma_start3A_409, %dma_start3A_411, %dma_start3A_412] : memref<8x128x64xf32, #tpu.memory_space<vmem>> -> memref<1x128x64xf32, #tpu.memory_space<vmem>>
      %dma_start3A_414 = tpu.memref_squeeze %dma_start3A_413 : memref<1x128x64xf32, #tpu.memory_space<vmem>> -> memref<128x64xf32, #tpu.memory_space<vmem>>
      %dma_start3A_415 = arith.constant 256 : i32
      %dma_start3A_416 = arith.constant 0 : i32
      %dma_start3A_417 = tpu.memref_slice %arg4[%add3A_311, %dma_start3A_415, %dma_start3A_416] : memref<200x1024x64xf32, #tpu.memory_space<hbm>> -> memref<1x128x64xf32, #tpu.memory_space<hbm>>
      %dma_start3A_418 = tpu.memref_squeeze %dma_start3A_417 : memref<1x128x64xf32, #tpu.memory_space<hbm>> -> memref<128x64xf32, #tpu.memory_space<hbm>>
      %dma_start3A_419 = tpu.memref_slice %arg8[%dma_start3A_410] : memref<8x!tpu.dma_semaphore, #tpu.memory_space<semaphore_mem>> -> memref<1x!tpu.dma_semaphore, #tpu.memory_space<semaphore_mem>>
      %dma_start3A_420 = tpu.memref_squeeze %dma_start3A_419 : memref<1x!tpu.dma_semaphore, #tpu.memory_space<semaphore_mem>> -> memref<!tpu.dma_semaphore, #tpu.memory_space<semaphore_mem>>
      %dma_start3A_421 = arith.constant 256 : i32
      %dma_start3A_422 = arith.constant 0 : i32
      %dma_start3A_423 = tpu.memref_slice %arg4[%add3A_311, %dma_start3A_421, %dma_start3A_422] : memref<200x1024x64xf32, #tpu.memory_space<hbm>> -> memref<1x128x64xf32, #tpu.memory_space<hbm>>
      %dma_start3A_424 = tpu.memref_squeeze %dma_start3A_423 : memref<1x128x64xf32, #tpu.memory_space<hbm>> -> memref<128x64xf32, #tpu.memory_space<hbm>>
      %dma_start3A_425 = arith.constant 0 : i32
      %dma_start3A_426 = arith.constant 0 : i32
      %dma_start3A_427 = tpu.memref_slice %arg6[%dma_start3A_409, %dma_start3A_425, %dma_start3A_426] : memref<8x128x64xf32, #tpu.memory_space<vmem>> -> memref<1x128x64xf32, #tpu.memory_space<vmem>>
      %dma_start3A_428 = tpu.memref_squeeze %dma_start3A_427 : memref<1x128x64xf32, #tpu.memory_space<vmem>> -> memref<128x64xf32, #tpu.memory_space<vmem>>
      tpu.enqueue_dma source(%dma_start3A_428 : memref<128x64xf32, #tpu.memory_space<vmem>>) target(%dma_start3A_424 : memref<128x64xf32, #tpu.memory_space<hbm>>) target_semaphore(%dma_start3A_420 : memref<!tpu.dma_semaphore, #tpu.memory_space<semaphore_mem>>)
      %sub3A_429 = arith.constant 1 : i32
      %sub3A_430 = arith.subi %select_n3A_12, %sub3A_429 : i32
      %lt3A_431 = arith.cmpi slt, %while3A_310, %sub3A_430 : i32
      %convert_element_type3A_432 = arith.extui %lt3A_431 : i1 to i32
      %cond3A_433 = arith.constant 0 : i32
      %cond3A_434 = arith.cmpi ne, %convert_element_type3A_432, %cond3A_433 : i32
      scf.if %cond3A_434 {
        %dma_wait3A_640 = arith.constant 2 : i32
        %dma_wait3A_641 = arith.constant 2 : i32
        %dma_wait3A_642 = arith.constant 0 : i32
        %dma_wait3A_643 = arith.constant 0 : i32
        %dma_wait3A_644 = tpu.memref_slice %arg6[%dma_wait3A_640, %dma_wait3A_642, %dma_wait3A_643] : memref<8x128x64xf32, #tpu.memory_space<vmem>> -> memref<1x128x64xf32, #tpu.memory_space<vmem>>
        %dma_wait3A_645 = tpu.memref_squeeze %dma_wait3A_644 : memref<1x128x64xf32, #tpu.memory_space<vmem>> -> memref<128x64xf32, #tpu.memory_space<vmem>>
        %dma_wait3A_646 = arith.constant 256 : i32
        %dma_wait3A_647 = arith.constant 0 : i32
        %dma_wait3A_648 = tpu.memref_slice %arg4[%add3A_311, %dma_wait3A_646, %dma_wait3A_647] : memref<200x1024x64xf32, #tpu.memory_space<hbm>> -> memref<1x128x64xf32, #tpu.memory_space<hbm>>
        %dma_wait3A_649 = tpu.memref_squeeze %dma_wait3A_648 : memref<1x128x64xf32, #tpu.memory_space<hbm>> -> memref<128x64xf32, #tpu.memory_space<hbm>>
        %dma_wait3A_650 = tpu.memref_slice %arg8[%dma_wait3A_641] : memref<8x!tpu.dma_semaphore, #tpu.memory_space<semaphore_mem>> -> memref<1x!tpu.dma_semaphore, #tpu.memory_space<semaphore_mem>>
        %dma_wait3A_651 = tpu.memref_squeeze %dma_wait3A_650 : memref<1x!tpu.dma_semaphore, #tpu.memory_space<semaphore_mem>> -> memref<!tpu.dma_semaphore, #tpu.memory_space<semaphore_mem>>
        %dma_wait3A_652 = arith.constant 256 : i32
        %dma_wait3A_653 = arith.constant 0 : i32
        %dma_wait3A_654 = tpu.memref_slice %arg4[%add3A_311, %dma_wait3A_652, %dma_wait3A_653] : memref<200x1024x64xf32, #tpu.memory_space<hbm>> -> memref<1x128x64xf32, #tpu.memory_space<hbm>>
        %dma_wait3A_655 = tpu.memref_squeeze %dma_wait3A_654 : memref<1x128x64xf32, #tpu.memory_space<hbm>> -> memref<128x64xf32, #tpu.memory_space<hbm>>
        %dma_wait3A_656 = arith.constant 0 : i32
        %dma_wait3A_657 = arith.constant 0 : i32
        %dma_wait3A_658 = tpu.memref_slice %arg6[%dma_wait3A_640, %dma_wait3A_656, %dma_wait3A_657] : memref<8x128x64xf32, #tpu.memory_space<vmem>> -> memref<1x128x64xf32, #tpu.memory_space<vmem>>
        %dma_wait3A_659 = tpu.memref_squeeze %dma_wait3A_658 : memref<1x128x64xf32, #tpu.memory_space<vmem>> -> memref<128x64xf32, #tpu.memory_space<vmem>>
        tpu.wait_dma2 semaphore(%dma_wait3A_651 : memref<!tpu.dma_semaphore, #tpu.memory_space<semaphore_mem>>) src(%dma_wait3A_659 : memref<128x64xf32, #tpu.memory_space<vmem>>) dst(%dma_wait3A_655 : memref<128x64xf32, #tpu.memory_space<hbm>>)
        %add3A_660 = arith.constant 1 : i32
        %add3A_661 = arith.addi %while3A_310, %add3A_660 : i32
        %dma_start3A_662 = arith.constant 2 : i32
        %dma_start3A_663 = arith.constant 2 : i32
        %dma_start3A_664 = arith.constant 0 : i32
        %dma_start3A_665 = arith.constant 0 : i32
        %dma_start3A_666 = tpu.memref_slice %arg6[%dma_start3A_662, %dma_start3A_664, %dma_start3A_665] : memref<8x128x64xf32, #tpu.memory_space<vmem>> -> memref<1x128x64xf32, #tpu.memory_space<vmem>>
        %dma_start3A_667 = tpu.memref_squeeze %dma_start3A_666 : memref<1x128x64xf32, #tpu.memory_space<vmem>> -> memref<128x64xf32, #tpu.memory_space<vmem>>
        %dma_start3A_668 = arith.constant 256 : i32
        %dma_start3A_669 = tpu.memref_slice %arg5[%add3A_661, %dma_start3A_668] : memref<7x1024xi32, #tpu.memory_space<vmem>> -> memref<1x128xi32, #tpu.memory_space<vmem>>
        %dma_start3A_670 = tpu.memref_squeeze %dma_start3A_669 : memref<1x128xi32, #tpu.memory_space<vmem>> -> memref<128xi32, #tpu.memory_space<vmem>>
        %dma_start3A_671 = arith.constant 0 : i32
        %dma_start3A_672 = arith.constant 0 : i32
        %dma_start3A_673 = tpu.memref_slice %arg2[%dma_start3A_671, %dma_start3A_672] : memref<1000000x64xf32, #tpu.memory_space<hbm>> -> memref<1000000x64xf32, #tpu.memory_space<hbm>>
        %dma_start3A_674 = tpu.memref_slice %arg7[%dma_start3A_663] : memref<8x!tpu.dma_semaphore, #tpu.memory_space<semaphore_mem>> -> memref<1x!tpu.dma_semaphore, #tpu.memory_space<semaphore_mem>>
        %dma_start3A_675 = tpu.memref_squeeze %dma_start3A_674 : memref<1x!tpu.dma_semaphore, #tpu.memory_space<semaphore_mem>> -> memref<!tpu.dma_semaphore, #tpu.memory_space<semaphore_mem>>
        tpu.enqueue_indirect_dma source(%dma_start3A_673 : memref<1000000x64xf32, #tpu.memory_space<hbm>>) target(%dma_start3A_667 : memref<128x64xf32, #tpu.memory_space<vmem>>) offsets(%dma_start3A_670 : memref<128xi32, #tpu.memory_space<vmem>>) semaphore(%dma_start3A_675 : memref<!tpu.dma_semaphore, #tpu.memory_space<semaphore_mem>>)
      } else {
      }
      %dma_wait3A_435 = arith.constant 0 : i32
      %dma_wait3A_436 = arith.constant 3 : i32
      %dma_wait3A_437 = arith.constant 3 : i32
      %dma_wait3A_438 = arith.constant 0 : i32
      %dma_wait3A_439 = arith.constant 0 : i32
      %dma_wait3A_440 = tpu.memref_slice %arg6[%dma_wait3A_436, %dma_wait3A_438, %dma_wait3A_439] : memref<8x128x64xf32, #tpu.memory_space<vmem>> -> memref<1x128x64xf32, #tpu.memory_space<vmem>>
      %dma_wait3A_441 = tpu.memref_squeeze %dma_wait3A_440 : memref<1x128x64xf32, #tpu.memory_space<vmem>> -> memref<128x64xf32, #tpu.memory_space<vmem>>
      %dma_wait3A_442 = arith.constant 384 : i32
      %dma_wait3A_443 = tpu.memref_slice %arg5[%dma_wait3A_435, %dma_wait3A_442] : memref<7x1024xi32, #tpu.memory_space<vmem>> -> memref<1x128xi32, #tpu.memory_space<vmem>>
      %dma_wait3A_444 = tpu.memref_squeeze %dma_wait3A_443 : memref<1x128xi32, #tpu.memory_space<vmem>> -> memref<128xi32, #tpu.memory_space<vmem>>
      %dma_wait3A_445 = arith.constant 0 : i32
      %dma_wait3A_446 = arith.constant 0 : i32
      %dma_wait3A_447 = tpu.memref_slice %arg2[%dma_wait3A_445, %dma_wait3A_446] : memref<1000000x64xf32, #tpu.memory_space<hbm>> -> memref<1000000x64xf32, #tpu.memory_space<hbm>>
      %dma_wait3A_448 = tpu.memref_slice %arg7[%dma_wait3A_437] : memref<8x!tpu.dma_semaphore, #tpu.memory_space<semaphore_mem>> -> memref<1x!tpu.dma_semaphore, #tpu.memory_space<semaphore_mem>>
      %dma_wait3A_449 = tpu.memref_squeeze %dma_wait3A_448 : memref<1x!tpu.dma_semaphore, #tpu.memory_space<semaphore_mem>> -> memref<!tpu.dma_semaphore, #tpu.memory_space<semaphore_mem>>
      tpu.wait_indirect_dma semaphore(%dma_wait3A_449 : memref<!tpu.dma_semaphore, #tpu.memory_space<semaphore_mem>>) src(%dma_wait3A_447 : memref<1000000x64xf32, #tpu.memory_space<hbm>>) dst(%dma_wait3A_441 : memref<128x64xf32, #tpu.memory_space<vmem>>)
      %dma_start3A_450 = arith.constant 3 : i32
      %dma_start3A_451 = arith.constant 3 : i32
      %dma_start3A_452 = arith.constant 0 : i32
      %dma_start3A_453 = arith.constant 0 : i32
      %dma_start3A_454 = tpu.memref_slice %arg6[%dma_start3A_450, %dma_start3A_452, %dma_start3A_453] : memref<8x128x64xf32, #tpu.memory_space<vmem>> -> memref<1x128x64xf32, #tpu.memory_space<vmem>>
      %dma_start3A_455 = tpu.memref_squeeze %dma_start3A_454 : memref<1x128x64xf32, #tpu.memory_space<vmem>> -> memref<128x64xf32, #tpu.memory_space<vmem>>
      %dma_start3A_456 = arith.constant 384 : i32
      %dma_start3A_457 = arith.constant 0 : i32
      %dma_start3A_458 = tpu.memref_slice %arg4[%add3A_311, %dma_start3A_456, %dma_start3A_457] : memref<200x1024x64xf32, #tpu.memory_space<hbm>> -> memref<1x128x64xf32, #tpu.memory_space<hbm>>
      %dma_start3A_459 = tpu.memref_squeeze %dma_start3A_458 : memref<1x128x64xf32, #tpu.memory_space<hbm>> -> memref<128x64xf32, #tpu.memory_space<hbm>>
      %dma_start3A_460 = tpu.memref_slice %arg8[%dma_start3A_451] : memref<8x!tpu.dma_semaphore, #tpu.memory_space<semaphore_mem>> -> memref<1x!tpu.dma_semaphore, #tpu.memory_space<semaphore_mem>>
      %dma_start3A_461 = tpu.memref_squeeze %dma_start3A_460 : memref<1x!tpu.dma_semaphore, #tpu.memory_space<semaphore_mem>> -> memref<!tpu.dma_semaphore, #tpu.memory_space<semaphore_mem>>
      %dma_start3A_462 = arith.constant 384 : i32
      %dma_start3A_463 = arith.constant 0 : i32
      %dma_start3A_464 = tpu.memref_slice %arg4[%add3A_311, %dma_start3A_462, %dma_start3A_463] : memref<200x1024x64xf32, #tpu.memory_space<hbm>> -> memref<1x128x64xf32, #tpu.memory_space<hbm>>
      %dma_start3A_465 = tpu.memref_squeeze %dma_start3A_464 : memref<1x128x64xf32, #tpu.memory_space<hbm>> -> memref<128x64xf32, #tpu.memory_space<hbm>>
      %dma_start3A_466 = arith.constant 0 : i32
      %dma_start3A_467 = arith.constant 0 : i32
      %dma_start3A_468 = tpu.memref_slice %arg6[%dma_start3A_450, %dma_start3A_466, %dma_start3A_467] : memref<8x128x64xf32, #tpu.memory_space<vmem>> -> memref<1x128x64xf32, #tpu.memory_space<vmem>>
      %dma_start3A_469 = tpu.memref_squeeze %dma_start3A_468 : memref<1x128x64xf32, #tpu.memory_space<vmem>> -> memref<128x64xf32, #tpu.memory_space<vmem>>
      tpu.enqueue_dma source(%dma_start3A_469 : memref<128x64xf32, #tpu.memory_space<vmem>>) target(%dma_start3A_465 : memref<128x64xf32, #tpu.memory_space<hbm>>) target_semaphore(%dma_start3A_461 : memref<!tpu.dma_semaphore, #tpu.memory_space<semaphore_mem>>)
      %sub3A_470 = arith.constant 1 : i32
      %sub3A_471 = arith.subi %select_n3A_12, %sub3A_470 : i32
      %lt3A_472 = arith.cmpi slt, %while3A_310, %sub3A_471 : i32
      %convert_element_type3A_473 = arith.extui %lt3A_472 : i1 to i32
      %cond3A_474 = arith.constant 0 : i32
      %cond3A_475 = arith.cmpi ne, %convert_element_type3A_473, %cond3A_474 : i32
      scf.if %cond3A_475 {
        %dma_wait3A_640 = arith.constant 3 : i32
        %dma_wait3A_641 = arith.constant 3 : i32
        %dma_wait3A_642 = arith.constant 0 : i32
        %dma_wait3A_643 = arith.constant 0 : i32
        %dma_wait3A_644 = tpu.memref_slice %arg6[%dma_wait3A_640, %dma_wait3A_642, %dma_wait3A_643] : memref<8x128x64xf32, #tpu.memory_space<vmem>> -> memref<1x128x64xf32, #tpu.memory_space<vmem>>
        %dma_wait3A_645 = tpu.memref_squeeze %dma_wait3A_644 : memref<1x128x64xf32, #tpu.memory_space<vmem>> -> memref<128x64xf32, #tpu.memory_space<vmem>>
        %dma_wait3A_646 = arith.constant 384 : i32
        %dma_wait3A_647 = arith.constant 0 : i32
        %dma_wait3A_648 = tpu.memref_slice %arg4[%add3A_311, %dma_wait3A_646, %dma_wait3A_647] : memref<200x1024x64xf32, #tpu.memory_space<hbm>> -> memref<1x128x64xf32, #tpu.memory_space<hbm>>
        %dma_wait3A_649 = tpu.memref_squeeze %dma_wait3A_648 : memref<1x128x64xf32, #tpu.memory_space<hbm>> -> memref<128x64xf32, #tpu.memory_space<hbm>>
        %dma_wait3A_650 = tpu.memref_slice %arg8[%dma_wait3A_641] : memref<8x!tpu.dma_semaphore, #tpu.memory_space<semaphore_mem>> -> memref<1x!tpu.dma_semaphore, #tpu.memory_space<semaphore_mem>>
        %dma_wait3A_651 = tpu.memref_squeeze %dma_wait3A_650 : memref<1x!tpu.dma_semaphore, #tpu.memory_space<semaphore_mem>> -> memref<!tpu.dma_semaphore, #tpu.memory_space<semaphore_mem>>
        %dma_wait3A_652 = arith.constant 384 : i32
        %dma_wait3A_653 = arith.constant 0 : i32
        %dma_wait3A_654 = tpu.memref_slice %arg4[%add3A_311, %dma_wait3A_652, %dma_wait3A_653] : memref<200x1024x64xf32, #tpu.memory_space<hbm>> -> memref<1x128x64xf32, #tpu.memory_space<hbm>>
        %dma_wait3A_655 = tpu.memref_squeeze %dma_wait3A_654 : memref<1x128x64xf32, #tpu.memory_space<hbm>> -> memref<128x64xf32, #tpu.memory_space<hbm>>
        %dma_wait3A_656 = arith.constant 0 : i32
        %dma_wait3A_657 = arith.constant 0 : i32
        %dma_wait3A_658 = tpu.memref_slice %arg6[%dma_wait3A_640, %dma_wait3A_656, %dma_wait3A_657] : memref<8x128x64xf32, #tpu.memory_space<vmem>> -> memref<1x128x64xf32, #tpu.memory_space<vmem>>
        %dma_wait3A_659 = tpu.memref_squeeze %dma_wait3A_658 : memref<1x128x64xf32, #tpu.memory_space<vmem>> -> memref<128x64xf32, #tpu.memory_space<vmem>>
        tpu.wait_dma2 semaphore(%dma_wait3A_651 : memref<!tpu.dma_semaphore, #tpu.memory_space<semaphore_mem>>) src(%dma_wait3A_659 : memref<128x64xf32, #tpu.memory_space<vmem>>) dst(%dma_wait3A_655 : memref<128x64xf32, #tpu.memory_space<hbm>>)
        %add3A_660 = arith.constant 1 : i32
        %add3A_661 = arith.addi %while3A_310, %add3A_660 : i32
        %dma_start3A_662 = arith.constant 3 : i32
        %dma_start3A_663 = arith.constant 3 : i32
        %dma_start3A_664 = arith.constant 0 : i32
        %dma_start3A_665 = arith.constant 0 : i32
        %dma_start3A_666 = tpu.memref_slice %arg6[%dma_start3A_662, %dma_start3A_664, %dma_start3A_665] : memref<8x128x64xf32, #tpu.memory_space<vmem>> -> memref<1x128x64xf32, #tpu.memory_space<vmem>>
        %dma_start3A_667 = tpu.memref_squeeze %dma_start3A_666 : memref<1x128x64xf32, #tpu.memory_space<vmem>> -> memref<128x64xf32, #tpu.memory_space<vmem>>
        %dma_start3A_668 = arith.constant 384 : i32
        %dma_start3A_669 = tpu.memref_slice %arg5[%add3A_661, %dma_start3A_668] : memref<7x1024xi32, #tpu.memory_space<vmem>> -> memref<1x128xi32, #tpu.memory_space<vmem>>
        %dma_start3A_670 = tpu.memref_squeeze %dma_start3A_669 : memref<1x128xi32, #tpu.memory_space<vmem>> -> memref<128xi32, #tpu.memory_space<vmem>>
        %dma_start3A_671 = arith.constant 0 : i32
        %dma_start3A_672 = arith.constant 0 : i32
        %dma_start3A_673 = tpu.memref_slice %arg2[%dma_start3A_671, %dma_start3A_672] : memref<1000000x64xf32, #tpu.memory_space<hbm>> -> memref<1000000x64xf32, #tpu.memory_space<hbm>>
        %dma_start3A_674 = tpu.memref_slice %arg7[%dma_start3A_663] : memref<8x!tpu.dma_semaphore, #tpu.memory_space<semaphore_mem>> -> memref<1x!tpu.dma_semaphore, #tpu.memory_space<semaphore_mem>>
        %dma_start3A_675 = tpu.memref_squeeze %dma_start3A_674 : memref<1x!tpu.dma_semaphore, #tpu.memory_space<semaphore_mem>> -> memref<!tpu.dma_semaphore, #tpu.memory_space<semaphore_mem>>
        tpu.enqueue_indirect_dma source(%dma_start3A_673 : memref<1000000x64xf32, #tpu.memory_space<hbm>>) target(%dma_start3A_667 : memref<128x64xf32, #tpu.memory_space<vmem>>) offsets(%dma_start3A_670 : memref<128xi32, #tpu.memory_space<vmem>>) semaphore(%dma_start3A_675 : memref<!tpu.dma_semaphore, #tpu.memory_space<semaphore_mem>>)
      } else {
      }
      %dma_wait3A_476 = arith.constant 0 : i32
      %dma_wait3A_477 = arith.constant 4 : i32
      %dma_wait3A_478 = arith.constant 4 : i32
      %dma_wait3A_479 = arith.constant 0 : i32
      %dma_wait3A_480 = arith.constant 0 : i32
      %dma_wait3A_481 = tpu.memref_slice %arg6[%dma_wait3A_477, %dma_wait3A_479, %dma_wait3A_480] : memref<8x128x64xf32, #tpu.memory_space<vmem>> -> memref<1x128x64xf32, #tpu.memory_space<vmem>>
      %dma_wait3A_482 = tpu.memref_squeeze %dma_wait3A_481 : memref<1x128x64xf32, #tpu.memory_space<vmem>> -> memref<128x64xf32, #tpu.memory_space<vmem>>
      %dma_wait3A_483 = arith.constant 512 : i32
      %dma_wait3A_484 = tpu.memref_slice %arg5[%dma_wait3A_476, %dma_wait3A_483] : memref<7x1024xi32, #tpu.memory_space<vmem>> -> memref<1x128xi32, #tpu.memory_space<vmem>>
      %dma_wait3A_485 = tpu.memref_squeeze %dma_wait3A_484 : memref<1x128xi32, #tpu.memory_space<vmem>> -> memref<128xi32, #tpu.memory_space<vmem>>
      %dma_wait3A_486 = arith.constant 0 : i32
      %dma_wait3A_487 = arith.constant 0 : i32
      %dma_wait3A_488 = tpu.memref_slice %arg2[%dma_wait3A_486, %dma_wait3A_487] : memref<1000000x64xf32, #tpu.memory_space<hbm>> -> memref<1000000x64xf32, #tpu.memory_space<hbm>>
      %dma_wait3A_489 = tpu.memref_slice %arg7[%dma_wait3A_478] : memref<8x!tpu.dma_semaphore, #tpu.memory_space<semaphore_mem>> -> memref<1x!tpu.dma_semaphore, #tpu.memory_space<semaphore_mem>>
      %dma_wait3A_490 = tpu.memref_squeeze %dma_wait3A_489 : memref<1x!tpu.dma_semaphore, #tpu.memory_space<semaphore_mem>> -> memref<!tpu.dma_semaphore, #tpu.memory_space<semaphore_mem>>
      tpu.wait_indirect_dma semaphore(%dma_wait3A_490 : memref<!tpu.dma_semaphore, #tpu.memory_space<semaphore_mem>>) src(%dma_wait3A_488 : memref<1000000x64xf32, #tpu.memory_space<hbm>>) dst(%dma_wait3A_482 : memref<128x64xf32, #tpu.memory_space<vmem>>)
      %dma_start3A_491 = arith.constant 4 : i32
      %dma_start3A_492 = arith.constant 4 : i32
      %dma_start3A_493 = arith.constant 0 : i32
      %dma_start3A_494 = arith.constant 0 : i32
      %dma_start3A_495 = tpu.memref_slice %arg6[%dma_start3A_491, %dma_start3A_493, %dma_start3A_494] : memref<8x128x64xf32, #tpu.memory_space<vmem>> -> memref<1x128x64xf32, #tpu.memory_space<vmem>>
      %dma_start3A_496 = tpu.memref_squeeze %dma_start3A_495 : memref<1x128x64xf32, #tpu.memory_space<vmem>> -> memref<128x64xf32, #tpu.memory_space<vmem>>
      %dma_start3A_497 = arith.constant 512 : i32
      %dma_start3A_498 = arith.constant 0 : i32
      %dma_start3A_499 = tpu.memref_slice %arg4[%add3A_311, %dma_start3A_497, %dma_start3A_498] : memref<200x1024x64xf32, #tpu.memory_space<hbm>> -> memref<1x128x64xf32, #tpu.memory_space<hbm>>
      %dma_start3A_500 = tpu.memref_squeeze %dma_start3A_499 : memref<1x128x64xf32, #tpu.memory_space<hbm>> -> memref<128x64xf32, #tpu.memory_space<hbm>>
      %dma_start3A_501 = tpu.memref_slice %arg8[%dma_start3A_492] : memref<8x!tpu.dma_semaphore, #tpu.memory_space<semaphore_mem>> -> memref<1x!tpu.dma_semaphore, #tpu.memory_space<semaphore_mem>>
      %dma_start3A_502 = tpu.memref_squeeze %dma_start3A_501 : memref<1x!tpu.dma_semaphore, #tpu.memory_space<semaphore_mem>> -> memref<!tpu.dma_semaphore, #tpu.memory_space<semaphore_mem>>
      %dma_start3A_503 = arith.constant 512 : i32
      %dma_start3A_504 = arith.constant 0 : i32
      %dma_start3A_505 = tpu.memref_slice %arg4[%add3A_311, %dma_start3A_503, %dma_start3A_504] : memref<200x1024x64xf32, #tpu.memory_space<hbm>> -> memref<1x128x64xf32, #tpu.memory_space<hbm>>
      %dma_start3A_506 = tpu.memref_squeeze %dma_start3A_505 : memref<1x128x64xf32, #tpu.memory_space<hbm>> -> memref<128x64xf32, #tpu.memory_space<hbm>>
      %dma_start3A_507 = arith.constant 0 : i32
      %dma_start3A_508 = arith.constant 0 : i32
      %dma_start3A_509 = tpu.memref_slice %arg6[%dma_start3A_491, %dma_start3A_507, %dma_start3A_508] : memref<8x128x64xf32, #tpu.memory_space<vmem>> -> memref<1x128x64xf32, #tpu.memory_space<vmem>>
      %dma_start3A_510 = tpu.memref_squeeze %dma_start3A_509 : memref<1x128x64xf32, #tpu.memory_space<vmem>> -> memref<128x64xf32, #tpu.memory_space<vmem>>
      tpu.enqueue_dma source(%dma_start3A_510 : memref<128x64xf32, #tpu.memory_space<vmem>>) target(%dma_start3A_506 : memref<128x64xf32, #tpu.memory_space<hbm>>) target_semaphore(%dma_start3A_502 : memref<!tpu.dma_semaphore, #tpu.memory_space<semaphore_mem>>)
      %sub3A_511 = arith.constant 1 : i32
      %sub3A_512 = arith.subi %select_n3A_12, %sub3A_511 : i32
      %lt3A_513 = arith.cmpi slt, %while3A_310, %sub3A_512 : i32
      %convert_element_type3A_514 = arith.extui %lt3A_513 : i1 to i32
      %cond3A_515 = arith.constant 0 : i32
      %cond3A_516 = arith.cmpi ne, %convert_element_type3A_514, %cond3A_515 : i32
      scf.if %cond3A_516 {
        %dma_wait3A_640 = arith.constant 4 : i32
        %dma_wait3A_641 = arith.constant 4 : i32
        %dma_wait3A_642 = arith.constant 0 : i32
        %dma_wait3A_643 = arith.constant 0 : i32
        %dma_wait3A_644 = tpu.memref_slice %arg6[%dma_wait3A_640, %dma_wait3A_642, %dma_wait3A_643] : memref<8x128x64xf32, #tpu.memory_space<vmem>> -> memref<1x128x64xf32, #tpu.memory_space<vmem>>
        %dma_wait3A_645 = tpu.memref_squeeze %dma_wait3A_644 : memref<1x128x64xf32, #tpu.memory_space<vmem>> -> memref<128x64xf32, #tpu.memory_space<vmem>>
        %dma_wait3A_646 = arith.constant 512 : i32
        %dma_wait3A_647 = arith.constant 0 : i32
        %dma_wait3A_648 = tpu.memref_slice %arg4[%add3A_311, %dma_wait3A_646, %dma_wait3A_647] : memref<200x1024x64xf32, #tpu.memory_space<hbm>> -> memref<1x128x64xf32, #tpu.memory_space<hbm>>
        %dma_wait3A_649 = tpu.memref_squeeze %dma_wait3A_648 : memref<1x128x64xf32, #tpu.memory_space<hbm>> -> memref<128x64xf32, #tpu.memory_space<hbm>>
        %dma_wait3A_650 = tpu.memref_slice %arg8[%dma_wait3A_641] : memref<8x!tpu.dma_semaphore, #tpu.memory_space<semaphore_mem>> -> memref<1x!tpu.dma_semaphore, #tpu.memory_space<semaphore_mem>>
        %dma_wait3A_651 = tpu.memref_squeeze %dma_wait3A_650 : memref<1x!tpu.dma_semaphore, #tpu.memory_space<semaphore_mem>> -> memref<!tpu.dma_semaphore, #tpu.memory_space<semaphore_mem>>
        %dma_wait3A_652 = arith.constant 512 : i32
        %dma_wait3A_653 = arith.constant 0 : i32
        %dma_wait3A_654 = tpu.memref_slice %arg4[%add3A_311, %dma_wait3A_652, %dma_wait3A_653] : memref<200x1024x64xf32, #tpu.memory_space<hbm>> -> memref<1x128x64xf32, #tpu.memory_space<hbm>>
        %dma_wait3A_655 = tpu.memref_squeeze %dma_wait3A_654 : memref<1x128x64xf32, #tpu.memory_space<hbm>> -> memref<128x64xf32, #tpu.memory_space<hbm>>
        %dma_wait3A_656 = arith.constant 0 : i32
        %dma_wait3A_657 = arith.constant 0 : i32
        %dma_wait3A_658 = tpu.memref_slice %arg6[%dma_wait3A_640, %dma_wait3A_656, %dma_wait3A_657] : memref<8x128x64xf32, #tpu.memory_space<vmem>> -> memref<1x128x64xf32, #tpu.memory_space<vmem>>
        %dma_wait3A_659 = tpu.memref_squeeze %dma_wait3A_658 : memref<1x128x64xf32, #tpu.memory_space<vmem>> -> memref<128x64xf32, #tpu.memory_space<vmem>>
        tpu.wait_dma2 semaphore(%dma_wait3A_651 : memref<!tpu.dma_semaphore, #tpu.memory_space<semaphore_mem>>) src(%dma_wait3A_659 : memref<128x64xf32, #tpu.memory_space<vmem>>) dst(%dma_wait3A_655 : memref<128x64xf32, #tpu.memory_space<hbm>>)
        %add3A_660 = arith.constant 1 : i32
        %add3A_661 = arith.addi %while3A_310, %add3A_660 : i32
        %dma_start3A_662 = arith.constant 4 : i32
        %dma_start3A_663 = arith.constant 4 : i32
        %dma_start3A_664 = arith.constant 0 : i32
        %dma_start3A_665 = arith.constant 0 : i32
        %dma_start3A_666 = tpu.memref_slice %arg6[%dma_start3A_662, %dma_start3A_664, %dma_start3A_665] : memref<8x128x64xf32, #tpu.memory_space<vmem>> -> memref<1x128x64xf32, #tpu.memory_space<vmem>>
        %dma_start3A_667 = tpu.memref_squeeze %dma_start3A_666 : memref<1x128x64xf32, #tpu.memory_space<vmem>> -> memref<128x64xf32, #tpu.memory_space<vmem>>
        %dma_start3A_668 = arith.constant 512 : i32
        %dma_start3A_669 = tpu.memref_slice %arg5[%add3A_661, %dma_start3A_668] : memref<7x1024xi32, #tpu.memory_space<vmem>> -> memref<1x128xi32, #tpu.memory_space<vmem>>
        %dma_start3A_670 = tpu.memref_squeeze %dma_start3A_669 : memref<1x128xi32, #tpu.memory_space<vmem>> -> memref<128xi32, #tpu.memory_space<vmem>>
        %dma_start3A_671 = arith.constant 0 : i32
        %dma_start3A_672 = arith.constant 0 : i32
        %dma_start3A_673 = tpu.memref_slice %arg2[%dma_start3A_671, %dma_start3A_672] : memref<1000000x64xf32, #tpu.memory_space<hbm>> -> memref<1000000x64xf32, #tpu.memory_space<hbm>>
        %dma_start3A_674 = tpu.memref_slice %arg7[%dma_start3A_663] : memref<8x!tpu.dma_semaphore, #tpu.memory_space<semaphore_mem>> -> memref<1x!tpu.dma_semaphore, #tpu.memory_space<semaphore_mem>>
        %dma_start3A_675 = tpu.memref_squeeze %dma_start3A_674 : memref<1x!tpu.dma_semaphore, #tpu.memory_space<semaphore_mem>> -> memref<!tpu.dma_semaphore, #tpu.memory_space<semaphore_mem>>
        tpu.enqueue_indirect_dma source(%dma_start3A_673 : memref<1000000x64xf32, #tpu.memory_space<hbm>>) target(%dma_start3A_667 : memref<128x64xf32, #tpu.memory_space<vmem>>) offsets(%dma_start3A_670 : memref<128xi32, #tpu.memory_space<vmem>>) semaphore(%dma_start3A_675 : memref<!tpu.dma_semaphore, #tpu.memory_space<semaphore_mem>>)
      } else {
      }
      %dma_wait3A_517 = arith.constant 0 : i32
      %dma_wait3A_518 = arith.constant 5 : i32
      %dma_wait3A_519 = arith.constant 5 : i32
      %dma_wait3A_520 = arith.constant 0 : i32
      %dma_wait3A_521 = arith.constant 0 : i32
      %dma_wait3A_522 = tpu.memref_slice %arg6[%dma_wait3A_518, %dma_wait3A_520, %dma_wait3A_521] : memref<8x128x64xf32, #tpu.memory_space<vmem>> -> memref<1x128x64xf32, #tpu.memory_space<vmem>>
      %dma_wait3A_523 = tpu.memref_squeeze %dma_wait3A_522 : memref<1x128x64xf32, #tpu.memory_space<vmem>> -> memref<128x64xf32, #tpu.memory_space<vmem>>
      %dma_wait3A_524 = arith.constant 640 : i32
      %dma_wait3A_525 = tpu.memref_slice %arg5[%dma_wait3A_517, %dma_wait3A_524] : memref<7x1024xi32, #tpu.memory_space<vmem>> -> memref<1x128xi32, #tpu.memory_space<vmem>>
      %dma_wait3A_526 = tpu.memref_squeeze %dma_wait3A_525 : memref<1x128xi32, #tpu.memory_space<vmem>> -> memref<128xi32, #tpu.memory_space<vmem>>
      %dma_wait3A_527 = arith.constant 0 : i32
      %dma_wait3A_528 = arith.constant 0 : i32
      %dma_wait3A_529 = tpu.memref_slice %arg2[%dma_wait3A_527, %dma_wait3A_528] : memref<1000000x64xf32, #tpu.memory_space<hbm>> -> memref<1000000x64xf32, #tpu.memory_space<hbm>>
      %dma_wait3A_530 = tpu.memref_slice %arg7[%dma_wait3A_519] : memref<8x!tpu.dma_semaphore, #tpu.memory_space<semaphore_mem>> -> memref<1x!tpu.dma_semaphore, #tpu.memory_space<semaphore_mem>>
      %dma_wait3A_531 = tpu.memref_squeeze %dma_wait3A_530 : memref<1x!tpu.dma_semaphore, #tpu.memory_space<semaphore_mem>> -> memref<!tpu.dma_semaphore, #tpu.memory_space<semaphore_mem>>
      tpu.wait_indirect_dma semaphore(%dma_wait3A_531 : memref<!tpu.dma_semaphore, #tpu.memory_space<semaphore_mem>>) src(%dma_wait3A_529 : memref<1000000x64xf32, #tpu.memory_space<hbm>>) dst(%dma_wait3A_523 : memref<128x64xf32, #tpu.memory_space<vmem>>)
      %dma_start3A_532 = arith.constant 5 : i32
      %dma_start3A_533 = arith.constant 5 : i32
      %dma_start3A_534 = arith.constant 0 : i32
      %dma_start3A_535 = arith.constant 0 : i32
      %dma_start3A_536 = tpu.memref_slice %arg6[%dma_start3A_532, %dma_start3A_534, %dma_start3A_535] : memref<8x128x64xf32, #tpu.memory_space<vmem>> -> memref<1x128x64xf32, #tpu.memory_space<vmem>>
      %dma_start3A_537 = tpu.memref_squeeze %dma_start3A_536 : memref<1x128x64xf32, #tpu.memory_space<vmem>> -> memref<128x64xf32, #tpu.memory_space<vmem>>
      %dma_start3A_538 = arith.constant 640 : i32
      %dma_start3A_539 = arith.constant 0 : i32
      %dma_start3A_540 = tpu.memref_slice %arg4[%add3A_311, %dma_start3A_538, %dma_start3A_539] : memref<200x1024x64xf32, #tpu.memory_space<hbm>> -> memref<1x128x64xf32, #tpu.memory_space<hbm>>
      %dma_start3A_541 = tpu.memref_squeeze %dma_start3A_540 : memref<1x128x64xf32, #tpu.memory_space<hbm>> -> memref<128x64xf32, #tpu.memory_space<hbm>>
      %dma_start3A_542 = tpu.memref_slice %arg8[%dma_start3A_533] : memref<8x!tpu.dma_semaphore, #tpu.memory_space<semaphore_mem>> -> memref<1x!tpu.dma_semaphore, #tpu.memory_space<semaphore_mem>>
      %dma_start3A_543 = tpu.memref_squeeze %dma_start3A_542 : memref<1x!tpu.dma_semaphore, #tpu.memory_space<semaphore_mem>> -> memref<!tpu.dma_semaphore, #tpu.memory_space<semaphore_mem>>
      %dma_start3A_544 = arith.constant 640 : i32
      %dma_start3A_545 = arith.constant 0 : i32
      %dma_start3A_546 = tpu.memref_slice %arg4[%add3A_311, %dma_start3A_544, %dma_start3A_545] : memref<200x1024x64xf32, #tpu.memory_space<hbm>> -> memref<1x128x64xf32, #tpu.memory_space<hbm>>
      %dma_start3A_547 = tpu.memref_squeeze %dma_start3A_546 : memref<1x128x64xf32, #tpu.memory_space<hbm>> -> memref<128x64xf32, #tpu.memory_space<hbm>>
      %dma_start3A_548 = arith.constant 0 : i32
      %dma_start3A_549 = arith.constant 0 : i32
      %dma_start3A_550 = tpu.memref_slice %arg6[%dma_start3A_532, %dma_start3A_548, %dma_start3A_549] : memref<8x128x64xf32, #tpu.memory_space<vmem>> -> memref<1x128x64xf32, #tpu.memory_space<vmem>>
      %dma_start3A_551 = tpu.memref_squeeze %dma_start3A_550 : memref<1x128x64xf32, #tpu.memory_space<vmem>> -> memref<128x64xf32, #tpu.memory_space<vmem>>
      tpu.enqueue_dma source(%dma_start3A_551 : memref<128x64xf32, #tpu.memory_space<vmem>>) target(%dma_start3A_547 : memref<128x64xf32, #tpu.memory_space<hbm>>) target_semaphore(%dma_start3A_543 : memref<!tpu.dma_semaphore, #tpu.memory_space<semaphore_mem>>)
      %sub3A_552 = arith.constant 1 : i32
      %sub3A_553 = arith.subi %select_n3A_12, %sub3A_552 : i32
      %lt3A_554 = arith.cmpi slt, %while3A_310, %sub3A_553 : i32
      %convert_element_type3A_555 = arith.extui %lt3A_554 : i1 to i32
      %cond3A_556 = arith.constant 0 : i32
      %cond3A_557 = arith.cmpi ne, %convert_element_type3A_555, %cond3A_556 : i32
      scf.if %cond3A_557 {
        %dma_wait3A_640 = arith.constant 5 : i32
        %dma_wait3A_641 = arith.constant 5 : i32
        %dma_wait3A_642 = arith.constant 0 : i32
        %dma_wait3A_643 = arith.constant 0 : i32
        %dma_wait3A_644 = tpu.memref_slice %arg6[%dma_wait3A_640, %dma_wait3A_642, %dma_wait3A_643] : memref<8x128x64xf32, #tpu.memory_space<vmem>> -> memref<1x128x64xf32, #tpu.memory_space<vmem>>
        %dma_wait3A_645 = tpu.memref_squeeze %dma_wait3A_644 : memref<1x128x64xf32, #tpu.memory_space<vmem>> -> memref<128x64xf32, #tpu.memory_space<vmem>>
        %dma_wait3A_646 = arith.constant 640 : i32
        %dma_wait3A_647 = arith.constant 0 : i32
        %dma_wait3A_648 = tpu.memref_slice %arg4[%add3A_311, %dma_wait3A_646, %dma_wait3A_647] : memref<200x1024x64xf32, #tpu.memory_space<hbm>> -> memref<1x128x64xf32, #tpu.memory_space<hbm>>
        %dma_wait3A_649 = tpu.memref_squeeze %dma_wait3A_648 : memref<1x128x64xf32, #tpu.memory_space<hbm>> -> memref<128x64xf32, #tpu.memory_space<hbm>>
        %dma_wait3A_650 = tpu.memref_slice %arg8[%dma_wait3A_641] : memref<8x!tpu.dma_semaphore, #tpu.memory_space<semaphore_mem>> -> memref<1x!tpu.dma_semaphore, #tpu.memory_space<semaphore_mem>>
        %dma_wait3A_651 = tpu.memref_squeeze %dma_wait3A_650 : memref<1x!tpu.dma_semaphore, #tpu.memory_space<semaphore_mem>> -> memref<!tpu.dma_semaphore, #tpu.memory_space<semaphore_mem>>
        %dma_wait3A_652 = arith.constant 640 : i32
        %dma_wait3A_653 = arith.constant 0 : i32
        %dma_wait3A_654 = tpu.memref_slice %arg4[%add3A_311, %dma_wait3A_652, %dma_wait3A_653] : memref<200x1024x64xf32, #tpu.memory_space<hbm>> -> memref<1x128x64xf32, #tpu.memory_space<hbm>>
        %dma_wait3A_655 = tpu.memref_squeeze %dma_wait3A_654 : memref<1x128x64xf32, #tpu.memory_space<hbm>> -> memref<128x64xf32, #tpu.memory_space<hbm>>
        %dma_wait3A_656 = arith.constant 0 : i32
        %dma_wait3A_657 = arith.constant 0 : i32
        %dma_wait3A_658 = tpu.memref_slice %arg6[%dma_wait3A_640, %dma_wait3A_656, %dma_wait3A_657] : memref<8x128x64xf32, #tpu.memory_space<vmem>> -> memref<1x128x64xf32, #tpu.memory_space<vmem>>
        %dma_wait3A_659 = tpu.memref_squeeze %dma_wait3A_658 : memref<1x128x64xf32, #tpu.memory_space<vmem>> -> memref<128x64xf32, #tpu.memory_space<vmem>>
        tpu.wait_dma2 semaphore(%dma_wait3A_651 : memref<!tpu.dma_semaphore, #tpu.memory_space<semaphore_mem>>) src(%dma_wait3A_659 : memref<128x64xf32, #tpu.memory_space<vmem>>) dst(%dma_wait3A_655 : memref<128x64xf32, #tpu.memory_space<hbm>>)
        %add3A_660 = arith.constant 1 : i32
        %add3A_661 = arith.addi %while3A_310, %add3A_660 : i32
        %dma_start3A_662 = arith.constant 5 : i32
        %dma_start3A_663 = arith.constant 5 : i32
        %dma_start3A_664 = arith.constant 0 : i32
        %dma_start3A_665 = arith.constant 0 : i32
        %dma_start3A_666 = tpu.memref_slice %arg6[%dma_start3A_662, %dma_start3A_664, %dma_start3A_665] : memref<8x128x64xf32, #tpu.memory_space<vmem>> -> memref<1x128x64xf32, #tpu.memory_space<vmem>>
        %dma_start3A_667 = tpu.memref_squeeze %dma_start3A_666 : memref<1x128x64xf32, #tpu.memory_space<vmem>> -> memref<128x64xf32, #tpu.memory_space<vmem>>
        %dma_start3A_668 = arith.constant 640 : i32
        %dma_start3A_669 = tpu.memref_slice %arg5[%add3A_661, %dma_start3A_668] : memref<7x1024xi32, #tpu.memory_space<vmem>> -> memref<1x128xi32, #tpu.memory_space<vmem>>
        %dma_start3A_670 = tpu.memref_squeeze %dma_start3A_669 : memref<1x128xi32, #tpu.memory_space<vmem>> -> memref<128xi32, #tpu.memory_space<vmem>>
        %dma_start3A_671 = arith.constant 0 : i32
        %dma_start3A_672 = arith.constant 0 : i32
        %dma_start3A_673 = tpu.memref_slice %arg2[%dma_start3A_671, %dma_start3A_672] : memref<1000000x64xf32, #tpu.memory_space<hbm>> -> memref<1000000x64xf32, #tpu.memory_space<hbm>>
        %dma_start3A_674 = tpu.memref_slice %arg7[%dma_start3A_663] : memref<8x!tpu.dma_semaphore, #tpu.memory_space<semaphore_mem>> -> memref<1x!tpu.dma_semaphore, #tpu.memory_space<semaphore_mem>>
        %dma_start3A_675 = tpu.memref_squeeze %dma_start3A_674 : memref<1x!tpu.dma_semaphore, #tpu.memory_space<semaphore_mem>> -> memref<!tpu.dma_semaphore, #tpu.memory_space<semaphore_mem>>
        tpu.enqueue_indirect_dma source(%dma_start3A_673 : memref<1000000x64xf32, #tpu.memory_space<hbm>>) target(%dma_start3A_667 : memref<128x64xf32, #tpu.memory_space<vmem>>) offsets(%dma_start3A_670 : memref<128xi32, #tpu.memory_space<vmem>>) semaphore(%dma_start3A_675 : memref<!tpu.dma_semaphore, #tpu.memory_space<semaphore_mem>>)
      } else {
      }
      %dma_wait3A_558 = arith.constant 0 : i32
      %dma_wait3A_559 = arith.constant 6 : i32
      %dma_wait3A_560 = arith.constant 6 : i32
      %dma_wait3A_561 = arith.constant 0 : i32
      %dma_wait3A_562 = arith.constant 0 : i32
      %dma_wait3A_563 = tpu.memref_slice %arg6[%dma_wait3A_559, %dma_wait3A_561, %dma_wait3A_562] : memref<8x128x64xf32, #tpu.memory_space<vmem>> -> memref<1x128x64xf32, #tpu.memory_space<vmem>>
      %dma_wait3A_564 = tpu.memref_squeeze %dma_wait3A_563 : memref<1x128x64xf32, #tpu.memory_space<vmem>> -> memref<128x64xf32, #tpu.memory_space<vmem>>
      %dma_wait3A_565 = arith.constant 768 : i32
      %dma_wait3A_566 = tpu.memref_slice %arg5[%dma_wait3A_558, %dma_wait3A_565] : memref<7x1024xi32, #tpu.memory_space<vmem>> -> memref<1x128xi32, #tpu.memory_space<vmem>>
      %dma_wait3A_567 = tpu.memref_squeeze %dma_wait3A_566 : memref<1x128xi32, #tpu.memory_space<vmem>> -> memref<128xi32, #tpu.memory_space<vmem>>
      %dma_wait3A_568 = arith.constant 0 : i32
      %dma_wait3A_569 = arith.constant 0 : i32
      %dma_wait3A_570 = tpu.memref_slice %arg2[%dma_wait3A_568, %dma_wait3A_569] : memref<1000000x64xf32, #tpu.memory_space<hbm>> -> memref<1000000x64xf32, #tpu.memory_space<hbm>>
      %dma_wait3A_571 = tpu.memref_slice %arg7[%dma_wait3A_560] : memref<8x!tpu.dma_semaphore, #tpu.memory_space<semaphore_mem>> -> memref<1x!tpu.dma_semaphore, #tpu.memory_space<semaphore_mem>>
      %dma_wait3A_572 = tpu.memref_squeeze %dma_wait3A_571 : memref<1x!tpu.dma_semaphore, #tpu.memory_space<semaphore_mem>> -> memref<!tpu.dma_semaphore, #tpu.memory_space<semaphore_mem>>
      tpu.wait_indirect_dma semaphore(%dma_wait3A_572 : memref<!tpu.dma_semaphore, #tpu.memory_space<semaphore_mem>>) src(%dma_wait3A_570 : memref<1000000x64xf32, #tpu.memory_space<hbm>>) dst(%dma_wait3A_564 : memref<128x64xf32, #tpu.memory_space<vmem>>)
      %dma_start3A_573 = arith.constant 6 : i32
      %dma_start3A_574 = arith.constant 6 : i32
      %dma_start3A_575 = arith.constant 0 : i32
      %dma_start3A_576 = arith.constant 0 : i32
      %dma_start3A_577 = tpu.memref_slice %arg6[%dma_start3A_573, %dma_start3A_575, %dma_start3A_576] : memref<8x128x64xf32, #tpu.memory_space<vmem>> -> memref<1x128x64xf32, #tpu.memory_space<vmem>>
      %dma_start3A_578 = tpu.memref_squeeze %dma_start3A_577 : memref<1x128x64xf32, #tpu.memory_space<vmem>> -> memref<128x64xf32, #tpu.memory_space<vmem>>
      %dma_start3A_579 = arith.constant 768 : i32
      %dma_start3A_580 = arith.constant 0 : i32
      %dma_start3A_581 = tpu.memref_slice %arg4[%add3A_311, %dma_start3A_579, %dma_start3A_580] : memref<200x1024x64xf32, #tpu.memory_space<hbm>> -> memref<1x128x64xf32, #tpu.memory_space<hbm>>
      %dma_start3A_582 = tpu.memref_squeeze %dma_start3A_581 : memref<1x128x64xf32, #tpu.memory_space<hbm>> -> memref<128x64xf32, #tpu.memory_space<hbm>>
      %dma_start3A_583 = tpu.memref_slice %arg8[%dma_start3A_574] : memref<8x!tpu.dma_semaphore, #tpu.memory_space<semaphore_mem>> -> memref<1x!tpu.dma_semaphore, #tpu.memory_space<semaphore_mem>>
      %dma_start3A_584 = tpu.memref_squeeze %dma_start3A_583 : memref<1x!tpu.dma_semaphore, #tpu.memory_space<semaphore_mem>> -> memref<!tpu.dma_semaphore, #tpu.memory_space<semaphore_mem>>
      %dma_start3A_585 = arith.constant 768 : i32
      %dma_start3A_586 = arith.constant 0 : i32
      %dma_start3A_587 = tpu.memref_slice %arg4[%add3A_311, %dma_start3A_585, %dma_start3A_586] : memref<200x1024x64xf32, #tpu.memory_space<hbm>> -> memref<1x128x64xf32, #tpu.memory_space<hbm>>
      %dma_start3A_588 = tpu.memref_squeeze %dma_start3A_587 : memref<1x128x64xf32, #tpu.memory_space<hbm>> -> memref<128x64xf32, #tpu.memory_space<hbm>>
      %dma_start3A_589 = arith.constant 0 : i32
      %dma_start3A_590 = arith.constant 0 : i32
      %dma_start3A_591 = tpu.memref_slice %arg6[%dma_start3A_573, %dma_start3A_589, %dma_start3A_590] : memref<8x128x64xf32, #tpu.memory_space<vmem>> -> memref<1x128x64xf32, #tpu.memory_space<vmem>>
      %dma_start3A_592 = tpu.memref_squeeze %dma_start3A_591 : memref<1x128x64xf32, #tpu.memory_space<vmem>> -> memref<128x64xf32, #tpu.memory_space<vmem>>
      tpu.enqueue_dma source(%dma_start3A_592 : memref<128x64xf32, #tpu.memory_space<vmem>>) target(%dma_start3A_588 : memref<128x64xf32, #tpu.memory_space<hbm>>) target_semaphore(%dma_start3A_584 : memref<!tpu.dma_semaphore, #tpu.memory_space<semaphore_mem>>)
      %sub3A_593 = arith.constant 1 : i32
      %sub3A_594 = arith.subi %select_n3A_12, %sub3A_593 : i32
      %lt3A_595 = arith.cmpi slt, %while3A_310, %sub3A_594 : i32
      %convert_element_type3A_596 = arith.extui %lt3A_595 : i1 to i32
      %cond3A_597 = arith.constant 0 : i32
      %cond3A_598 = arith.cmpi ne, %convert_element_type3A_596, %cond3A_597 : i32
      scf.if %cond3A_598 {
        %dma_wait3A_640 = arith.constant 6 : i32
        %dma_wait3A_641 = arith.constant 6 : i32
        %dma_wait3A_642 = arith.constant 0 : i32
        %dma_wait3A_643 = arith.constant 0 : i32
        %dma_wait3A_644 = tpu.memref_slice %arg6[%dma_wait3A_640, %dma_wait3A_642, %dma_wait3A_643] : memref<8x128x64xf32, #tpu.memory_space<vmem>> -> memref<1x128x64xf32, #tpu.memory_space<vmem>>
        %dma_wait3A_645 = tpu.memref_squeeze %dma_wait3A_644 : memref<1x128x64xf32, #tpu.memory_space<vmem>> -> memref<128x64xf32, #tpu.memory_space<vmem>>
        %dma_wait3A_646 = arith.constant 768 : i32
        %dma_wait3A_647 = arith.constant 0 : i32
        %dma_wait3A_648 = tpu.memref_slice %arg4[%add3A_311, %dma_wait3A_646, %dma_wait3A_647] : memref<200x1024x64xf32, #tpu.memory_space<hbm>> -> memref<1x128x64xf32, #tpu.memory_space<hbm>>
        %dma_wait3A_649 = tpu.memref_squeeze %dma_wait3A_648 : memref<1x128x64xf32, #tpu.memory_space<hbm>> -> memref<128x64xf32, #tpu.memory_space<hbm>>
        %dma_wait3A_650 = tpu.memref_slice %arg8[%dma_wait3A_641] : memref<8x!tpu.dma_semaphore, #tpu.memory_space<semaphore_mem>> -> memref<1x!tpu.dma_semaphore, #tpu.memory_space<semaphore_mem>>
        %dma_wait3A_651 = tpu.memref_squeeze %dma_wait3A_650 : memref<1x!tpu.dma_semaphore, #tpu.memory_space<semaphore_mem>> -> memref<!tpu.dma_semaphore, #tpu.memory_space<semaphore_mem>>
        %dma_wait3A_652 = arith.constant 768 : i32
        %dma_wait3A_653 = arith.constant 0 : i32
        %dma_wait3A_654 = tpu.memref_slice %arg4[%add3A_311, %dma_wait3A_652, %dma_wait3A_653] : memref<200x1024x64xf32, #tpu.memory_space<hbm>> -> memref<1x128x64xf32, #tpu.memory_space<hbm>>
        %dma_wait3A_655 = tpu.memref_squeeze %dma_wait3A_654 : memref<1x128x64xf32, #tpu.memory_space<hbm>> -> memref<128x64xf32, #tpu.memory_space<hbm>>
        %dma_wait3A_656 = arith.constant 0 : i32
        %dma_wait3A_657 = arith.constant 0 : i32
        %dma_wait3A_658 = tpu.memref_slice %arg6[%dma_wait3A_640, %dma_wait3A_656, %dma_wait3A_657] : memref<8x128x64xf32, #tpu.memory_space<vmem>> -> memref<1x128x64xf32, #tpu.memory_space<vmem>>
        %dma_wait3A_659 = tpu.memref_squeeze %dma_wait3A_658 : memref<1x128x64xf32, #tpu.memory_space<vmem>> -> memref<128x64xf32, #tpu.memory_space<vmem>>
        tpu.wait_dma2 semaphore(%dma_wait3A_651 : memref<!tpu.dma_semaphore, #tpu.memory_space<semaphore_mem>>) src(%dma_wait3A_659 : memref<128x64xf32, #tpu.memory_space<vmem>>) dst(%dma_wait3A_655 : memref<128x64xf32, #tpu.memory_space<hbm>>)
        %add3A_660 = arith.constant 1 : i32
        %add3A_661 = arith.addi %while3A_310, %add3A_660 : i32
        %dma_start3A_662 = arith.constant 6 : i32
        %dma_start3A_663 = arith.constant 6 : i32
        %dma_start3A_664 = arith.constant 0 : i32
        %dma_start3A_665 = arith.constant 0 : i32
        %dma_start3A_666 = tpu.memref_slice %arg6[%dma_start3A_662, %dma_start3A_664, %dma_start3A_665] : memref<8x128x64xf32, #tpu.memory_space<vmem>> -> memref<1x128x64xf32, #tpu.memory_space<vmem>>
        %dma_start3A_667 = tpu.memref_squeeze %dma_start3A_666 : memref<1x128x64xf32, #tpu.memory_space<vmem>> -> memref<128x64xf32, #tpu.memory_space<vmem>>
        %dma_start3A_668 = arith.constant 768 : i32
        %dma_start3A_669 = tpu.memref_slice %arg5[%add3A_661, %dma_start3A_668] : memref<7x1024xi32, #tpu.memory_space<vmem>> -> memref<1x128xi32, #tpu.memory_space<vmem>>
        %dma_start3A_670 = tpu.memref_squeeze %dma_start3A_669 : memref<1x128xi32, #tpu.memory_space<vmem>> -> memref<128xi32, #tpu.memory_space<vmem>>
        %dma_start3A_671 = arith.constant 0 : i32
        %dma_start3A_672 = arith.constant 0 : i32
        %dma_start3A_673 = tpu.memref_slice %arg2[%dma_start3A_671, %dma_start3A_672] : memref<1000000x64xf32, #tpu.memory_space<hbm>> -> memref<1000000x64xf32, #tpu.memory_space<hbm>>
        %dma_start3A_674 = tpu.memref_slice %arg7[%dma_start3A_663] : memref<8x!tpu.dma_semaphore, #tpu.memory_space<semaphore_mem>> -> memref<1x!tpu.dma_semaphore, #tpu.memory_space<semaphore_mem>>
        %dma_start3A_675 = tpu.memref_squeeze %dma_start3A_674 : memref<1x!tpu.dma_semaphore, #tpu.memory_space<semaphore_mem>> -> memref<!tpu.dma_semaphore, #tpu.memory_space<semaphore_mem>>
        tpu.enqueue_indirect_dma source(%dma_start3A_673 : memref<1000000x64xf32, #tpu.memory_space<hbm>>) target(%dma_start3A_667 : memref<128x64xf32, #tpu.memory_space<vmem>>) offsets(%dma_start3A_670 : memref<128xi32, #tpu.memory_space<vmem>>) semaphore(%dma_start3A_675 : memref<!tpu.dma_semaphore, #tpu.memory_space<semaphore_mem>>)
      } else {
      }
      %dma_wait3A_599 = arith.constant 0 : i32
      %dma_wait3A_600 = arith.constant 7 : i32
      %dma_wait3A_601 = arith.constant 7 : i32
      %dma_wait3A_602 = arith.constant 0 : i32
      %dma_wait3A_603 = arith.constant 0 : i32
      %dma_wait3A_604 = tpu.memref_slice %arg6[%dma_wait3A_600, %dma_wait3A_602, %dma_wait3A_603] : memref<8x128x64xf32, #tpu.memory_space<vmem>> -> memref<1x128x64xf32, #tpu.memory_space<vmem>>
      %dma_wait3A_605 = tpu.memref_squeeze %dma_wait3A_604 : memref<1x128x64xf32, #tpu.memory_space<vmem>> -> memref<128x64xf32, #tpu.memory_space<vmem>>
      %dma_wait3A_606 = arith.constant 896 : i32
      %dma_wait3A_607 = tpu.memref_slice %arg5[%dma_wait3A_599, %dma_wait3A_606] : memref<7x1024xi32, #tpu.memory_space<vmem>> -> memref<1x128xi32, #tpu.memory_space<vmem>>
      %dma_wait3A_608 = tpu.memref_squeeze %dma_wait3A_607 : memref<1x128xi32, #tpu.memory_space<vmem>> -> memref<128xi32, #tpu.memory_space<vmem>>
      %dma_wait3A_609 = arith.constant 0 : i32
      %dma_wait3A_610 = arith.constant 0 : i32
      %dma_wait3A_611 = tpu.memref_slice %arg2[%dma_wait3A_609, %dma_wait3A_610] : memref<1000000x64xf32, #tpu.memory_space<hbm>> -> memref<1000000x64xf32, #tpu.memory_space<hbm>>
      %dma_wait3A_612 = tpu.memref_slice %arg7[%dma_wait3A_601] : memref<8x!tpu.dma_semaphore, #tpu.memory_space<semaphore_mem>> -> memref<1x!tpu.dma_semaphore, #tpu.memory_space<semaphore_mem>>
      %dma_wait3A_613 = tpu.memref_squeeze %dma_wait3A_612 : memref<1x!tpu.dma_semaphore, #tpu.memory_space<semaphore_mem>> -> memref<!tpu.dma_semaphore, #tpu.memory_space<semaphore_mem>>
      tpu.wait_indirect_dma semaphore(%dma_wait3A_613 : memref<!tpu.dma_semaphore, #tpu.memory_space<semaphore_mem>>) src(%dma_wait3A_611 : memref<1000000x64xf32, #tpu.memory_space<hbm>>) dst(%dma_wait3A_605 : memref<128x64xf32, #tpu.memory_space<vmem>>)
      %dma_start3A_614 = arith.constant 7 : i32
      %dma_start3A_615 = arith.constant 7 : i32
      %dma_start3A_616 = arith.constant 0 : i32
      %dma_start3A_617 = arith.constant 0 : i32
      %dma_start3A_618 = tpu.memref_slice %arg6[%dma_start3A_614, %dma_start3A_616, %dma_start3A_617] : memref<8x128x64xf32, #tpu.memory_space<vmem>> -> memref<1x128x64xf32, #tpu.memory_space<vmem>>
      %dma_start3A_619 = tpu.memref_squeeze %dma_start3A_618 : memref<1x128x64xf32, #tpu.memory_space<vmem>> -> memref<128x64xf32, #tpu.memory_space<vmem>>
      %dma_start3A_620 = arith.constant 896 : i32
      %dma_start3A_621 = arith.constant 0 : i32
      %dma_start3A_622 = tpu.memref_slice %arg4[%add3A_311, %dma_start3A_620, %dma_start3A_621] : memref<200x1024x64xf32, #tpu.memory_space<hbm>> -> memref<1x128x64xf32, #tpu.memory_space<hbm>>
      %dma_start3A_623 = tpu.memref_squeeze %dma_start3A_622 : memref<1x128x64xf32, #tpu.memory_space<hbm>> -> memref<128x64xf32, #tpu.memory_space<hbm>>
      %dma_start3A_624 = tpu.memref_slice %arg8[%dma_start3A_615] : memref<8x!tpu.dma_semaphore, #tpu.memory_space<semaphore_mem>> -> memref<1x!tpu.dma_semaphore, #tpu.memory_space<semaphore_mem>>
      %dma_start3A_625 = tpu.memref_squeeze %dma_start3A_624 : memref<1x!tpu.dma_semaphore, #tpu.memory_space<semaphore_mem>> -> memref<!tpu.dma_semaphore, #tpu.memory_space<semaphore_mem>>
      %dma_start3A_626 = arith.constant 896 : i32
      %dma_start3A_627 = arith.constant 0 : i32
      %dma_start3A_628 = tpu.memref_slice %arg4[%add3A_311, %dma_start3A_626, %dma_start3A_627] : memref<200x1024x64xf32, #tpu.memory_space<hbm>> -> memref<1x128x64xf32, #tpu.memory_space<hbm>>
      %dma_start3A_629 = tpu.memref_squeeze %dma_start3A_628 : memref<1x128x64xf32, #tpu.memory_space<hbm>> -> memref<128x64xf32, #tpu.memory_space<hbm>>
      %dma_start3A_630 = arith.constant 0 : i32
      %dma_start3A_631 = arith.constant 0 : i32
      %dma_start3A_632 = tpu.memref_slice %arg6[%dma_start3A_614, %dma_start3A_630, %dma_start3A_631] : memref<8x128x64xf32, #tpu.memory_space<vmem>> -> memref<1x128x64xf32, #tpu.memory_space<vmem>>
      %dma_start3A_633 = tpu.memref_squeeze %dma_start3A_632 : memref<1x128x64xf32, #tpu.memory_space<vmem>> -> memref<128x64xf32, #tpu.memory_space<vmem>>
      tpu.enqueue_dma source(%dma_start3A_633 : memref<128x64xf32, #tpu.memory_space<vmem>>) target(%dma_start3A_629 : memref<128x64xf32, #tpu.memory_space<hbm>>) target_semaphore(%dma_start3A_625 : memref<!tpu.dma_semaphore, #tpu.memory_space<semaphore_mem>>)
      %sub3A_634 = arith.constant 1 : i32
      %sub3A_635 = arith.subi %select_n3A_12, %sub3A_634 : i32
      %lt3A_636 = arith.cmpi slt, %while3A_310, %sub3A_635 : i32
      %convert_element_type3A_637 = arith.extui %lt3A_636 : i1 to i32
      %cond3A_638 = arith.constant 0 : i32
      %cond3A_639 = arith.cmpi ne, %convert_element_type3A_637, %cond3A_638 : i32
      scf.if %cond3A_639 {
        %dma_wait3A_640 = arith.constant 7 : i32
        %dma_wait3A_641 = arith.constant 7 : i32
        %dma_wait3A_642 = arith.constant 0 : i32
        %dma_wait3A_643 = arith.constant 0 : i32
        %dma_wait3A_644 = tpu.memref_slice %arg6[%dma_wait3A_640, %dma_wait3A_642, %dma_wait3A_643] : memref<8x128x64xf32, #tpu.memory_space<vmem>> -> memref<1x128x64xf32, #tpu.memory_space<vmem>>
        %dma_wait3A_645 = tpu.memref_squeeze %dma_wait3A_644 : memref<1x128x64xf32, #tpu.memory_space<vmem>> -> memref<128x64xf32, #tpu.memory_space<vmem>>
        %dma_wait3A_646 = arith.constant 896 : i32
        %dma_wait3A_647 = arith.constant 0 : i32
        %dma_wait3A_648 = tpu.memref_slice %arg4[%add3A_311, %dma_wait3A_646, %dma_wait3A_647] : memref<200x1024x64xf32, #tpu.memory_space<hbm>> -> memref<1x128x64xf32, #tpu.memory_space<hbm>>
        %dma_wait3A_649 = tpu.memref_squeeze %dma_wait3A_648 : memref<1x128x64xf32, #tpu.memory_space<hbm>> -> memref<128x64xf32, #tpu.memory_space<hbm>>
        %dma_wait3A_650 = tpu.memref_slice %arg8[%dma_wait3A_641] : memref<8x!tpu.dma_semaphore, #tpu.memory_space<semaphore_mem>> -> memref<1x!tpu.dma_semaphore, #tpu.memory_space<semaphore_mem>>
        %dma_wait3A_651 = tpu.memref_squeeze %dma_wait3A_650 : memref<1x!tpu.dma_semaphore, #tpu.memory_space<semaphore_mem>> -> memref<!tpu.dma_semaphore, #tpu.memory_space<semaphore_mem>>
        %dma_wait3A_652 = arith.constant 896 : i32
        %dma_wait3A_653 = arith.constant 0 : i32
        %dma_wait3A_654 = tpu.memref_slice %arg4[%add3A_311, %dma_wait3A_652, %dma_wait3A_653] : memref<200x1024x64xf32, #tpu.memory_space<hbm>> -> memref<1x128x64xf32, #tpu.memory_space<hbm>>
        %dma_wait3A_655 = tpu.memref_squeeze %dma_wait3A_654 : memref<1x128x64xf32, #tpu.memory_space<hbm>> -> memref<128x64xf32, #tpu.memory_space<hbm>>
        %dma_wait3A_656 = arith.constant 0 : i32
        %dma_wait3A_657 = arith.constant 0 : i32
        %dma_wait3A_658 = tpu.memref_slice %arg6[%dma_wait3A_640, %dma_wait3A_656, %dma_wait3A_657] : memref<8x128x64xf32, #tpu.memory_space<vmem>> -> memref<1x128x64xf32, #tpu.memory_space<vmem>>
        %dma_wait3A_659 = tpu.memref_squeeze %dma_wait3A_658 : memref<1x128x64xf32, #tpu.memory_space<vmem>> -> memref<128x64xf32, #tpu.memory_space<vmem>>
        tpu.wait_dma2 semaphore(%dma_wait3A_651 : memref<!tpu.dma_semaphore, #tpu.memory_space<semaphore_mem>>) src(%dma_wait3A_659 : memref<128x64xf32, #tpu.memory_space<vmem>>) dst(%dma_wait3A_655 : memref<128x64xf32, #tpu.memory_space<hbm>>)
        %add3A_660 = arith.constant 1 : i32
        %add3A_661 = arith.addi %while3A_310, %add3A_660 : i32
        %dma_start3A_662 = arith.constant 7 : i32
        %dma_start3A_663 = arith.constant 7 : i32
        %dma_start3A_664 = arith.constant 0 : i32
        %dma_start3A_665 = arith.constant 0 : i32
        %dma_start3A_666 = tpu.memref_slice %arg6[%dma_start3A_662, %dma_start3A_664, %dma_start3A_665] : memref<8x128x64xf32, #tpu.memory_space<vmem>> -> memref<1x128x64xf32, #tpu.memory_space<vmem>>
        %dma_start3A_667 = tpu.memref_squeeze %dma_start3A_666 : memref<1x128x64xf32, #tpu.memory_space<vmem>> -> memref<128x64xf32, #tpu.memory_space<vmem>>
        %dma_start3A_668 = arith.constant 896 : i32
        %dma_start3A_669 = tpu.memref_slice %arg5[%add3A_661, %dma_start3A_668] : memref<7x1024xi32, #tpu.memory_space<vmem>> -> memref<1x128xi32, #tpu.memory_space<vmem>>
        %dma_start3A_670 = tpu.memref_squeeze %dma_start3A_669 : memref<1x128xi32, #tpu.memory_space<vmem>> -> memref<128xi32, #tpu.memory_space<vmem>>
        %dma_start3A_671 = arith.constant 0 : i32
        %dma_start3A_672 = arith.constant 0 : i32
        %dma_start3A_673 = tpu.memref_slice %arg2[%dma_start3A_671, %dma_start3A_672] : memref<1000000x64xf32, #tpu.memory_space<hbm>> -> memref<1000000x64xf32, #tpu.memory_space<hbm>>
        %dma_start3A_674 = tpu.memref_slice %arg7[%dma_start3A_663] : memref<8x!tpu.dma_semaphore, #tpu.memory_space<semaphore_mem>> -> memref<1x!tpu.dma_semaphore, #tpu.memory_space<semaphore_mem>>
        %dma_start3A_675 = tpu.memref_squeeze %dma_start3A_674 : memref<1x!tpu.dma_semaphore, #tpu.memory_space<semaphore_mem>> -> memref<!tpu.dma_semaphore, #tpu.memory_space<semaphore_mem>>
        tpu.enqueue_indirect_dma source(%dma_start3A_673 : memref<1000000x64xf32, #tpu.memory_space<hbm>>) target(%dma_start3A_667 : memref<128x64xf32, #tpu.memory_space<vmem>>) offsets(%dma_start3A_670 : memref<128xi32, #tpu.memory_space<vmem>>) semaphore(%dma_start3A_675 : memref<!tpu.dma_semaphore, #tpu.memory_space<semaphore_mem>>)
      } else {
      }
    }
    %while3A_142 = arith.constant 1 : i32
    scf.for %while3A_310 = %while3A_140 to %while3A_136 step %while3A_142  : i32 {
      %add3A_311 = arith.addi %select_n3A, %while3A_310 : i32
      %dma_wait3A_312 = arith.constant 0 : i32
      %dma_wait3A_313 = arith.constant 0 : i32
      %dma_wait3A_314 = arith.constant 0 : i32
      %dma_wait3A_315 = arith.constant 0 : i32
      %dma_wait3A_316 = arith.constant 0 : i32
      %dma_wait3A_317 = tpu.memref_slice %arg6[%dma_wait3A_313, %dma_wait3A_315, %dma_wait3A_316] : memref<8x128x64xf32, #tpu.memory_space<vmem>> -> memref<1x128x64xf32, #tpu.memory_space<vmem>>
      %dma_wait3A_318 = tpu.memref_squeeze %dma_wait3A_317 : memref<1x128x64xf32, #tpu.memory_space<vmem>> -> memref<128x64xf32, #tpu.memory_space<vmem>>
      %dma_wait3A_319 = arith.constant 0 : i32
      %dma_wait3A_320 = tpu.memref_slice %arg5[%dma_wait3A_312, %dma_wait3A_319] : memref<7x1024xi32, #tpu.memory_space<vmem>> -> memref<1x128xi32, #tpu.memory_space<vmem>>
      %dma_wait3A_321 = tpu.memref_squeeze %dma_wait3A_320 : memref<1x128xi32, #tpu.memory_space<vmem>> -> memref<128xi32, #tpu.memory_space<vmem>>
      %dma_wait3A_322 = arith.constant 0 : i32
      %dma_wait3A_323 = arith.constant 0 : i32
      %dma_wait3A_324 = tpu.memref_slice %arg2[%dma_wait3A_322, %dma_wait3A_323] : memref<1000000x64xf32, #tpu.memory_space<hbm>> -> memref<1000000x64xf32, #tpu.memory_space<hbm>>
      %dma_wait3A_325 = tpu.memref_slice %arg7[%dma_wait3A_314] : memref<8x!tpu.dma_semaphore, #tpu.memory_space<semaphore_mem>> -> memref<1x!tpu.dma_semaphore, #tpu.memory_space<semaphore_mem>>
      %dma_wait3A_326 = tpu.memref_squeeze %dma_wait3A_325 : memref<1x!tpu.dma_semaphore, #tpu.memory_space<semaphore_mem>> -> memref<!tpu.dma_semaphore, #tpu.memory_space<semaphore_mem>>
      tpu.wait_indirect_dma semaphore(%dma_wait3A_326 : memref<!tpu.dma_semaphore, #tpu.memory_space<semaphore_mem>>) src(%dma_wait3A_324 : memref<1000000x64xf32, #tpu.memory_space<hbm>>) dst(%dma_wait3A_318 : memref<128x64xf32, #tpu.memory_space<vmem>>)
      %dma_start3A_327 = arith.constant 0 : i32
      %dma_start3A_328 = arith.constant 0 : i32
      %dma_start3A_329 = arith.constant 0 : i32
      %dma_start3A_330 = arith.constant 0 : i32
      %dma_start3A_331 = tpu.memref_slice %arg6[%dma_start3A_327, %dma_start3A_329, %dma_start3A_330] : memref<8x128x64xf32, #tpu.memory_space<vmem>> -> memref<1x128x64xf32, #tpu.memory_space<vmem>>
      %dma_start3A_332 = tpu.memref_squeeze %dma_start3A_331 : memref<1x128x64xf32, #tpu.memory_space<vmem>> -> memref<128x64xf32, #tpu.memory_space<vmem>>
      %dma_start3A_333 = arith.constant 0 : i32
      %dma_start3A_334 = arith.constant 0 : i32
      %dma_start3A_335 = tpu.memref_slice %arg4[%add3A_311, %dma_start3A_333, %dma_start3A_334] : memref<200x1024x64xf32, #tpu.memory_space<hbm>> -> memref<1x128x64xf32, #tpu.memory_space<hbm>>
      %dma_start3A_336 = tpu.memref_squeeze %dma_start3A_335 : memref<1x128x64xf32, #tpu.memory_space<hbm>> -> memref<128x64xf32, #tpu.memory_space<hbm>>
      %dma_start3A_337 = tpu.memref_slice %arg8[%dma_start3A_328] : memref<8x!tpu.dma_semaphore, #tpu.memory_space<semaphore_mem>> -> memref<1x!tpu.dma_semaphore, #tpu.memory_space<semaphore_mem>>
      %dma_start3A_338 = tpu.memref_squeeze %dma_start3A_337 : memref<1x!tpu.dma_semaphore, #tpu.memory_space<semaphore_mem>> -> memref<!tpu.dma_semaphore, #tpu.memory_space<semaphore_mem>>
      %dma_start3A_339 = arith.constant 0 : i32
      %dma_start3A_340 = arith.constant 0 : i32
      %dma_start3A_341 = tpu.memref_slice %arg4[%add3A_311, %dma_start3A_339, %dma_start3A_340] : memref<200x1024x64xf32, #tpu.memory_space<hbm>> -> memref<1x128x64xf32, #tpu.memory_space<hbm>>
      %dma_start3A_342 = tpu.memref_squeeze %dma_start3A_341 : memref<1x128x64xf32, #tpu.memory_space<hbm>> -> memref<128x64xf32, #tpu.memory_space<hbm>>
      %dma_start3A_343 = arith.constant 0 : i32
      %dma_start3A_344 = arith.constant 0 : i32
      %dma_start3A_345 = tpu.memref_slice %arg6[%dma_start3A_327, %dma_start3A_343, %dma_start3A_344] : memref<8x128x64xf32, #tpu.memory_space<vmem>> -> memref<1x128x64xf32, #tpu.memory_space<vmem>>
      %dma_start3A_346 = tpu.memref_squeeze %dma_start3A_345 : memref<1x128x64xf32, #tpu.memory_space<vmem>> -> memref<128x64xf32, #tpu.memory_space<vmem>>
      tpu.enqueue_dma source(%dma_start3A_346 : memref<128x64xf32, #tpu.memory_space<vmem>>) target(%dma_start3A_342 : memref<128x64xf32, #tpu.memory_space<hbm>>) target_semaphore(%dma_start3A_338 : memref<!tpu.dma_semaphore, #tpu.memory_space<semaphore_mem>>)
      %sub3A_347 = arith.constant 1 : i32
      %sub3A_348 = arith.subi %select_n3A_12, %sub3A_347 : i32
      %lt3A_349 = arith.cmpi slt, %while3A_310, %sub3A_348 : i32
      %convert_element_type3A_350 = arith.extui %lt3A_349 : i1 to i32
      %cond3A_351 = arith.constant 0 : i32
      %cond3A_352 = arith.cmpi ne, %convert_element_type3A_350, %cond3A_351 : i32
      scf.if %cond3A_352 {
        %dma_wait3A_640 = arith.constant 0 : i32
        %dma_wait3A_641 = arith.constant 0 : i32
        %dma_wait3A_642 = arith.constant 0 : i32
        %dma_wait3A_643 = arith.constant 0 : i32
        %dma_wait3A_644 = tpu.memref_slice %arg6[%dma_wait3A_640, %dma_wait3A_642, %dma_wait3A_643] : memref<8x128x64xf32, #tpu.memory_space<vmem>> -> memref<1x128x64xf32, #tpu.memory_space<vmem>>
        %dma_wait3A_645 = tpu.memref_squeeze %dma_wait3A_644 : memref<1x128x64xf32, #tpu.memory_space<vmem>> -> memref<128x64xf32, #tpu.memory_space<vmem>>
        %dma_wait3A_646 = arith.constant 0 : i32
        %dma_wait3A_647 = arith.constant 0 : i32
        %dma_wait3A_648 = tpu.memref_slice %arg4[%add3A_311, %dma_wait3A_646, %dma_wait3A_647] : memref<200x1024x64xf32, #tpu.memory_space<hbm>> -> memref<1x128x64xf32, #tpu.memory_space<hbm>>
        %dma_wait3A_649 = tpu.memref_squeeze %dma_wait3A_648 : memref<1x128x64xf32, #tpu.memory_space<hbm>> -> memref<128x64xf32, #tpu.memory_space<hbm>>
        %dma_wait3A_650 = tpu.memref_slice %arg8[%dma_wait3A_641] : memref<8x!tpu.dma_semaphore, #tpu.memory_space<semaphore_mem>> -> memref<1x!tpu.dma_semaphore, #tpu.memory_space<semaphore_mem>>
        %dma_wait3A_651 = tpu.memref_squeeze %dma_wait3A_650 : memref<1x!tpu.dma_semaphore, #tpu.memory_space<semaphore_mem>> -> memref<!tpu.dma_semaphore, #tpu.memory_space<semaphore_mem>>
        %dma_wait3A_652 = arith.constant 0 : i32
        %dma_wait3A_653 = arith.constant 0 : i32
        %dma_wait3A_654 = tpu.memref_slice %arg4[%add3A_311, %dma_wait3A_652, %dma_wait3A_653] : memref<200x1024x64xf32, #tpu.memory_space<hbm>> -> memref<1x128x64xf32, #tpu.memory_space<hbm>>
        %dma_wait3A_655 = tpu.memref_squeeze %dma_wait3A_654 : memref<1x128x64xf32, #tpu.memory_space<hbm>> -> memref<128x64xf32, #tpu.memory_space<hbm>>
        %dma_wait3A_656 = arith.constant 0 : i32
        %dma_wait3A_657 = arith.constant 0 : i32
        %dma_wait3A_658 = tpu.memref_slice %arg6[%dma_wait3A_640, %dma_wait3A_656, %dma_wait3A_657] : memref<8x128x64xf32, #tpu.memory_space<vmem>> -> memref<1x128x64xf32, #tpu.memory_space<vmem>>
        %dma_wait3A_659 = tpu.memref_squeeze %dma_wait3A_658 : memref<1x128x64xf32, #tpu.memory_space<vmem>> -> memref<128x64xf32, #tpu.memory_space<vmem>>
        tpu.wait_dma2 semaphore(%dma_wait3A_651 : memref<!tpu.dma_semaphore, #tpu.memory_space<semaphore_mem>>) src(%dma_wait3A_659 : memref<128x64xf32, #tpu.memory_space<vmem>>) dst(%dma_wait3A_655 : memref<128x64xf32, #tpu.memory_space<hbm>>)
        %add3A_660 = arith.constant 1 : i32
        %add3A_661 = arith.addi %while3A_310, %add3A_660 : i32
        %dma_start3A_662 = arith.constant 0 : i32
        %dma_start3A_663 = arith.constant 0 : i32
        %dma_start3A_664 = arith.constant 0 : i32
        %dma_start3A_665 = arith.constant 0 : i32
        %dma_start3A_666 = tpu.memref_slice %arg6[%dma_start3A_662, %dma_start3A_664, %dma_start3A_665] : memref<8x128x64xf32, #tpu.memory_space<vmem>> -> memref<1x128x64xf32, #tpu.memory_space<vmem>>
        %dma_start3A_667 = tpu.memref_squeeze %dma_start3A_666 : memref<1x128x64xf32, #tpu.memory_space<vmem>> -> memref<128x64xf32, #tpu.memory_space<vmem>>
        %dma_start3A_668 = arith.constant 0 : i32
        %dma_start3A_669 = tpu.memref_slice %arg5[%add3A_661, %dma_start3A_668] : memref<7x1024xi32, #tpu.memory_space<vmem>> -> memref<1x128xi32, #tpu.memory_space<vmem>>
        %dma_start3A_670 = tpu.memref_squeeze %dma_start3A_669 : memref<1x128xi32, #tpu.memory_space<vmem>> -> memref<128xi32, #tpu.memory_space<vmem>>
        %dma_start3A_671 = arith.constant 0 : i32
        %dma_start3A_672 = arith.constant 0 : i32
        %dma_start3A_673 = tpu.memref_slice %arg2[%dma_start3A_671, %dma_start3A_672] : memref<1000000x64xf32, #tpu.memory_space<hbm>> -> memref<1000000x64xf32, #tpu.memory_space<hbm>>
        %dma_start3A_674 = tpu.memref_slice %arg7[%dma_start3A_663] : memref<8x!tpu.dma_semaphore, #tpu.memory_space<semaphore_mem>> -> memref<1x!tpu.dma_semaphore, #tpu.memory_space<semaphore_mem>>
        %dma_start3A_675 = tpu.memref_squeeze %dma_start3A_674 : memref<1x!tpu.dma_semaphore, #tpu.memory_space<semaphore_mem>> -> memref<!tpu.dma_semaphore, #tpu.memory_space<semaphore_mem>>
        tpu.enqueue_indirect_dma source(%dma_start3A_673 : memref<1000000x64xf32, #tpu.memory_space<hbm>>) target(%dma_start3A_667 : memref<128x64xf32, #tpu.memory_space<vmem>>) offsets(%dma_start3A_670 : memref<128xi32, #tpu.memory_space<vmem>>) semaphore(%dma_start3A_675 : memref<!tpu.dma_semaphore, #tpu.memory_space<semaphore_mem>>)
      } else {
      }
      %dma_wait3A_353 = arith.constant 0 : i32
      %dma_wait3A_354 = arith.constant 1 : i32
      %dma_wait3A_355 = arith.constant 1 : i32
      %dma_wait3A_356 = arith.constant 0 : i32
      %dma_wait3A_357 = arith.constant 0 : i32
      %dma_wait3A_358 = tpu.memref_slice %arg6[%dma_wait3A_354, %dma_wait3A_356, %dma_wait3A_357] : memref<8x128x64xf32, #tpu.memory_space<vmem>> -> memref<1x128x64xf32, #tpu.memory_space<vmem>>
      %dma_wait3A_359 = tpu.memref_squeeze %dma_wait3A_358 : memref<1x128x64xf32, #tpu.memory_space<vmem>> -> memref<128x64xf32, #tpu.memory_space<vmem>>
      %dma_wait3A_360 = arith.constant 128 : i32
      %dma_wait3A_361 = tpu.memref_slice %arg5[%dma_wait3A_353, %dma_wait3A_360] : memref<7x1024xi32, #tpu.memory_space<vmem>> -> memref<1x128xi32, #tpu.memory_space<vmem>>
      %dma_wait3A_362 = tpu.memref_squeeze %dma_wait3A_361 : memref<1x128xi32, #tpu.memory_space<vmem>> -> memref<128xi32, #tpu.memory_space<vmem>>
      %dma_wait3A_363 = arith.constant 0 : i32
      %dma_wait3A_364 = arith.constant 0 : i32
      %dma_wait3A_365 = tpu.memref_slice %arg2[%dma_wait3A_363, %dma_wait3A_364] : memref<1000000x64xf32, #tpu.memory_space<hbm>> -> memref<1000000x64xf32, #tpu.memory_space<hbm>>
      %dma_wait3A_366 = tpu.memref_slice %arg7[%dma_wait3A_355] : memref<8x!tpu.dma_semaphore, #tpu.memory_space<semaphore_mem>> -> memref<1x!tpu.dma_semaphore, #tpu.memory_space<semaphore_mem>>
      %dma_wait3A_367 = tpu.memref_squeeze %dma_wait3A_366 : memref<1x!tpu.dma_semaphore, #tpu.memory_space<semaphore_mem>> -> memref<!tpu.dma_semaphore, #tpu.memory_space<semaphore_mem>>
      tpu.wait_indirect_dma semaphore(%dma_wait3A_367 : memref<!tpu.dma_semaphore, #tpu.memory_space<semaphore_mem>>) src(%dma_wait3A_365 : memref<1000000x64xf32, #tpu.memory_space<hbm>>) dst(%dma_wait3A_359 : memref<128x64xf32, #tpu.memory_space<vmem>>)
      %dma_start3A_368 = arith.constant 1 : i32
      %dma_start3A_369 = arith.constant 1 : i32
      %dma_start3A_370 = arith.constant 0 : i32
      %dma_start3A_371 = arith.constant 0 : i32
      %dma_start3A_372 = tpu.memref_slice %arg6[%dma_start3A_368, %dma_start3A_370, %dma_start3A_371] : memref<8x128x64xf32, #tpu.memory_space<vmem>> -> memref<1x128x64xf32, #tpu.memory_space<vmem>>
      %dma_start3A_373 = tpu.memref_squeeze %dma_start3A_372 : memref<1x128x64xf32, #tpu.memory_space<vmem>> -> memref<128x64xf32, #tpu.memory_space<vmem>>
      %dma_start3A_374 = arith.constant 128 : i32
      %dma_start3A_375 = arith.constant 0 : i32
      %dma_start3A_376 = tpu.memref_slice %arg4[%add3A_311, %dma_start3A_374, %dma_start3A_375] : memref<200x1024x64xf32, #tpu.memory_space<hbm>> -> memref<1x128x64xf32, #tpu.memory_space<hbm>>
      %dma_start3A_377 = tpu.memref_squeeze %dma_start3A_376 : memref<1x128x64xf32, #tpu.memory_space<hbm>> -> memref<128x64xf32, #tpu.memory_space<hbm>>
      %dma_start3A_378 = tpu.memref_slice %arg8[%dma_start3A_369] : memref<8x!tpu.dma_semaphore, #tpu.memory_space<semaphore_mem>> -> memref<1x!tpu.dma_semaphore, #tpu.memory_space<semaphore_mem>>
      %dma_start3A_379 = tpu.memref_squeeze %dma_start3A_378 : memref<1x!tpu.dma_semaphore, #tpu.memory_space<semaphore_mem>> -> memref<!tpu.dma_semaphore, #tpu.memory_space<semaphore_mem>>
      %dma_start3A_380 = arith.constant 128 : i32
      %dma_start3A_381 = arith.constant 0 : i32
      %dma_start3A_382 = tpu.memref_slice %arg4[%add3A_311, %dma_start3A_380, %dma_start3A_381] : memref<200x1024x64xf32, #tpu.memory_space<hbm>> -> memref<1x128x64xf32, #tpu.memory_space<hbm>>
      %dma_start3A_383 = tpu.memref_squeeze %dma_start3A_382 : memref<1x128x64xf32, #tpu.memory_space<hbm>> -> memref<128x64xf32, #tpu.memory_space<hbm>>
      %dma_start3A_384 = arith.constant 0 : i32
      %dma_start3A_385 = arith.constant 0 : i32
      %dma_start3A_386 = tpu.memref_slice %arg6[%dma_start3A_368, %dma_start3A_384, %dma_start3A_385] : memref<8x128x64xf32, #tpu.memory_space<vmem>> -> memref<1x128x64xf32, #tpu.memory_space<vmem>>
      %dma_start3A_387 = tpu.memref_squeeze %dma_start3A_386 : memref<1x128x64xf32, #tpu.memory_space<vmem>> -> memref<128x64xf32, #tpu.memory_space<vmem>>
      tpu.enqueue_dma source(%dma_start3A_387 : memref<128x64xf32, #tpu.memory_space<vmem>>) target(%dma_start3A_383 : memref<128x64xf32, #tpu.memory_space<hbm>>) target_semaphore(%dma_start3A_379 : memref<!tpu.dma_semaphore, #tpu.memory_space<semaphore_mem>>)
      %sub3A_388 = arith.constant 1 : i32
      %sub3A_389 = arith.subi %select_n3A_12, %sub3A_388 : i32
      %lt3A_390 = arith.cmpi slt, %while3A_310, %sub3A_389 : i32
      %convert_element_type3A_391 = arith.extui %lt3A_390 : i1 to i32
      %cond3A_392 = arith.constant 0 : i32
      %cond3A_393 = arith.cmpi ne, %convert_element_type3A_391, %cond3A_392 : i32
      scf.if %cond3A_393 {
        %dma_wait3A_640 = arith.constant 1 : i32
        %dma_wait3A_641 = arith.constant 1 : i32
        %dma_wait3A_642 = arith.constant 0 : i32
        %dma_wait3A_643 = arith.constant 0 : i32
        %dma_wait3A_644 = tpu.memref_slice %arg6[%dma_wait3A_640, %dma_wait3A_642, %dma_wait3A_643] : memref<8x128x64xf32, #tpu.memory_space<vmem>> -> memref<1x128x64xf32, #tpu.memory_space<vmem>>
        %dma_wait3A_645 = tpu.memref_squeeze %dma_wait3A_644 : memref<1x128x64xf32, #tpu.memory_space<vmem>> -> memref<128x64xf32, #tpu.memory_space<vmem>>
        %dma_wait3A_646 = arith.constant 128 : i32
        %dma_wait3A_647 = arith.constant 0 : i32
        %dma_wait3A_648 = tpu.memref_slice %arg4[%add3A_311, %dma_wait3A_646, %dma_wait3A_647] : memref<200x1024x64xf32, #tpu.memory_space<hbm>> -> memref<1x128x64xf32, #tpu.memory_space<hbm>>
        %dma_wait3A_649 = tpu.memref_squeeze %dma_wait3A_648 : memref<1x128x64xf32, #tpu.memory_space<hbm>> -> memref<128x64xf32, #tpu.memory_space<hbm>>
        %dma_wait3A_650 = tpu.memref_slice %arg8[%dma_wait3A_641] : memref<8x!tpu.dma_semaphore, #tpu.memory_space<semaphore_mem>> -> memref<1x!tpu.dma_semaphore, #tpu.memory_space<semaphore_mem>>
        %dma_wait3A_651 = tpu.memref_squeeze %dma_wait3A_650 : memref<1x!tpu.dma_semaphore, #tpu.memory_space<semaphore_mem>> -> memref<!tpu.dma_semaphore, #tpu.memory_space<semaphore_mem>>
        %dma_wait3A_652 = arith.constant 128 : i32
        %dma_wait3A_653 = arith.constant 0 : i32
        %dma_wait3A_654 = tpu.memref_slice %arg4[%add3A_311, %dma_wait3A_652, %dma_wait3A_653] : memref<200x1024x64xf32, #tpu.memory_space<hbm>> -> memref<1x128x64xf32, #tpu.memory_space<hbm>>
        %dma_wait3A_655 = tpu.memref_squeeze %dma_wait3A_654 : memref<1x128x64xf32, #tpu.memory_space<hbm>> -> memref<128x64xf32, #tpu.memory_space<hbm>>
        %dma_wait3A_656 = arith.constant 0 : i32
        %dma_wait3A_657 = arith.constant 0 : i32
        %dma_wait3A_658 = tpu.memref_slice %arg6[%dma_wait3A_640, %dma_wait3A_656, %dma_wait3A_657] : memref<8x128x64xf32, #tpu.memory_space<vmem>> -> memref<1x128x64xf32, #tpu.memory_space<vmem>>
        %dma_wait3A_659 = tpu.memref_squeeze %dma_wait3A_658 : memref<1x128x64xf32, #tpu.memory_space<vmem>> -> memref<128x64xf32, #tpu.memory_space<vmem>>
        tpu.wait_dma2 semaphore(%dma_wait3A_651 : memref<!tpu.dma_semaphore, #tpu.memory_space<semaphore_mem>>) src(%dma_wait3A_659 : memref<128x64xf32, #tpu.memory_space<vmem>>) dst(%dma_wait3A_655 : memref<128x64xf32, #tpu.memory_space<hbm>>)
        %add3A_660 = arith.constant 1 : i32
        %add3A_661 = arith.addi %while3A_310, %add3A_660 : i32
        %dma_start3A_662 = arith.constant 1 : i32
        %dma_start3A_663 = arith.constant 1 : i32
        %dma_start3A_664 = arith.constant 0 : i32
        %dma_start3A_665 = arith.constant 0 : i32
        %dma_start3A_666 = tpu.memref_slice %arg6[%dma_start3A_662, %dma_start3A_664, %dma_start3A_665] : memref<8x128x64xf32, #tpu.memory_space<vmem>> -> memref<1x128x64xf32, #tpu.memory_space<vmem>>
        %dma_start3A_667 = tpu.memref_squeeze %dma_start3A_666 : memref<1x128x64xf32, #tpu.memory_space<vmem>> -> memref<128x64xf32, #tpu.memory_space<vmem>>
        %dma_start3A_668 = arith.constant 128 : i32
        %dma_start3A_669 = tpu.memref_slice %arg5[%add3A_661, %dma_start3A_668] : memref<7x1024xi32, #tpu.memory_space<vmem>> -> memref<1x128xi32, #tpu.memory_space<vmem>>
        %dma_start3A_670 = tpu.memref_squeeze %dma_start3A_669 : memref<1x128xi32, #tpu.memory_space<vmem>> -> memref<128xi32, #tpu.memory_space<vmem>>
        %dma_start3A_671 = arith.constant 0 : i32
        %dma_start3A_672 = arith.constant 0 : i32
        %dma_start3A_673 = tpu.memref_slice %arg2[%dma_start3A_671, %dma_start3A_672] : memref<1000000x64xf32, #tpu.memory_space<hbm>> -> memref<1000000x64xf32, #tpu.memory_space<hbm>>
        %dma_start3A_674 = tpu.memref_slice %arg7[%dma_start3A_663] : memref<8x!tpu.dma_semaphore, #tpu.memory_space<semaphore_mem>> -> memref<1x!tpu.dma_semaphore, #tpu.memory_space<semaphore_mem>>
        %dma_start3A_675 = tpu.memref_squeeze %dma_start3A_674 : memref<1x!tpu.dma_semaphore, #tpu.memory_space<semaphore_mem>> -> memref<!tpu.dma_semaphore, #tpu.memory_space<semaphore_mem>>
        tpu.enqueue_indirect_dma source(%dma_start3A_673 : memref<1000000x64xf32, #tpu.memory_space<hbm>>) target(%dma_start3A_667 : memref<128x64xf32, #tpu.memory_space<vmem>>) offsets(%dma_start3A_670 : memref<128xi32, #tpu.memory_space<vmem>>) semaphore(%dma_start3A_675 : memref<!tpu.dma_semaphore, #tpu.memory_space<semaphore_mem>>)
      } else {
      }
      %dma_wait3A_394 = arith.constant 0 : i32
      %dma_wait3A_395 = arith.constant 2 : i32
      %dma_wait3A_396 = arith.constant 2 : i32
      %dma_wait3A_397 = arith.constant 0 : i32
      %dma_wait3A_398 = arith.constant 0 : i32
      %dma_wait3A_399 = tpu.memref_slice %arg6[%dma_wait3A_395, %dma_wait3A_397, %dma_wait3A_398] : memref<8x128x64xf32, #tpu.memory_space<vmem>> -> memref<1x128x64xf32, #tpu.memory_space<vmem>>
      %dma_wait3A_400 = tpu.memref_squeeze %dma_wait3A_399 : memref<1x128x64xf32, #tpu.memory_space<vmem>> -> memref<128x64xf32, #tpu.memory_space<vmem>>
      %dma_wait3A_401 = arith.constant 256 : i32
      %dma_wait3A_402 = tpu.memref_slice %arg5[%dma_wait3A_394, %dma_wait3A_401] : memref<7x1024xi32, #tpu.memory_space<vmem>> -> memref<1x128xi32, #tpu.memory_space<vmem>>
      %dma_wait3A_403 = tpu.memref_squeeze %dma_wait3A_402 : memref<1x128xi32, #tpu.memory_space<vmem>> -> memref<128xi32, #tpu.memory_space<vmem>>
      %dma_wait3A_404 = arith.constant 0 : i32
      %dma_wait3A_405 = arith.constant 0 : i32
      %dma_wait3A_406 = tpu.memref_slice %arg2[%dma_wait3A_404, %dma_wait3A_405] : memref<1000000x64xf32, #tpu.memory_space<hbm>> -> memref<1000000x64xf32, #tpu.memory_space<hbm>>
      %dma_wait3A_407 = tpu.memref_slice %arg7[%dma_wait3A_396] : memref<8x!tpu.dma_semaphore, #tpu.memory_space<semaphore_mem>> -> memref<1x!tpu.dma_semaphore, #tpu.memory_space<semaphore_mem>>
      %dma_wait3A_408 = tpu.memref_squeeze %dma_wait3A_407 : memref<1x!tpu.dma_semaphore, #tpu.memory_space<semaphore_mem>> -> memref<!tpu.dma_semaphore, #tpu.memory_space<semaphore_mem>>
      tpu.wait_indirect_dma semaphore(%dma_wait3A_408 : memref<!tpu.dma_semaphore, #tpu.memory_space<semaphore_mem>>) src(%dma_wait3A_406 : memref<1000000x64xf32, #tpu.memory_space<hbm>>) dst(%dma_wait3A_400 : memref<128x64xf32, #tpu.memory_space<vmem>>)
      %dma_start3A_409 = arith.constant 2 : i32
      %dma_start3A_410 = arith.constant 2 : i32
      %dma_start3A_411 = arith.constant 0 : i32
      %dma_start3A_412 = arith.constant 0 : i32
      %dma_start3A_413 = tpu.memref_slice %arg6[%dma_start3A_409, %dma_start3A_411, %dma_start3A_412] : memref<8x128x64xf32, #tpu.memory_space<vmem>> -> memref<1x128x64xf32, #tpu.memory_space<vmem>>
      %dma_start3A_414 = tpu.memref_squeeze %dma_start3A_413 : memref<1x128x64xf32, #tpu.memory_space<vmem>> -> memref<128x64xf32, #tpu.memory_space<vmem>>
      %dma_start3A_415 = arith.constant 256 : i32
      %dma_start3A_416 = arith.constant 0 : i32
      %dma_start3A_417 = tpu.memref_slice %arg4[%add3A_311, %dma_start3A_415, %dma_start3A_416] : memref<200x1024x64xf32, #tpu.memory_space<hbm>> -> memref<1x128x64xf32, #tpu.memory_space<hbm>>
      %dma_start3A_418 = tpu.memref_squeeze %dma_start3A_417 : memref<1x128x64xf32, #tpu.memory_space<hbm>> -> memref<128x64xf32, #tpu.memory_space<hbm>>
      %dma_start3A_419 = tpu.memref_slice %arg8[%dma_start3A_410] : memref<8x!tpu.dma_semaphore, #tpu.memory_space<semaphore_mem>> -> memref<1x!tpu.dma_semaphore, #tpu.memory_space<semaphore_mem>>
      %dma_start3A_420 = tpu.memref_squeeze %dma_start3A_419 : memref<1x!tpu.dma_semaphore, #tpu.memory_space<semaphore_mem>> -> memref<!tpu.dma_semaphore, #tpu.memory_space<semaphore_mem>>
      %dma_start3A_421 = arith.constant 256 : i32
      %dma_start3A_422 = arith.constant 0 : i32
      %dma_start3A_423 = tpu.memref_slice %arg4[%add3A_311, %dma_start3A_421, %dma_start3A_422] : memref<200x1024x64xf32, #tpu.memory_space<hbm>> -> memref<1x128x64xf32, #tpu.memory_space<hbm>>
      %dma_start3A_424 = tpu.memref_squeeze %dma_start3A_423 : memref<1x128x64xf32, #tpu.memory_space<hbm>> -> memref<128x64xf32, #tpu.memory_space<hbm>>
      %dma_start3A_425 = arith.constant 0 : i32
      %dma_start3A_426 = arith.constant 0 : i32
      %dma_start3A_427 = tpu.memref_slice %arg6[%dma_start3A_409, %dma_start3A_425, %dma_start3A_426] : memref<8x128x64xf32, #tpu.memory_space<vmem>> -> memref<1x128x64xf32, #tpu.memory_space<vmem>>
      %dma_start3A_428 = tpu.memref_squeeze %dma_start3A_427 : memref<1x128x64xf32, #tpu.memory_space<vmem>> -> memref<128x64xf32, #tpu.memory_space<vmem>>
      tpu.enqueue_dma source(%dma_start3A_428 : memref<128x64xf32, #tpu.memory_space<vmem>>) target(%dma_start3A_424 : memref<128x64xf32, #tpu.memory_space<hbm>>) target_semaphore(%dma_start3A_420 : memref<!tpu.dma_semaphore, #tpu.memory_space<semaphore_mem>>)
      %sub3A_429 = arith.constant 1 : i32
      %sub3A_430 = arith.subi %select_n3A_12, %sub3A_429 : i32
      %lt3A_431 = arith.cmpi slt, %while3A_310, %sub3A_430 : i32
      %convert_element_type3A_432 = arith.extui %lt3A_431 : i1 to i32
      %cond3A_433 = arith.constant 0 : i32
      %cond3A_434 = arith.cmpi ne, %convert_element_type3A_432, %cond3A_433 : i32
      scf.if %cond3A_434 {
        %dma_wait3A_640 = arith.constant 2 : i32
        %dma_wait3A_641 = arith.constant 2 : i32
        %dma_wait3A_642 = arith.constant 0 : i32
        %dma_wait3A_643 = arith.constant 0 : i32
        %dma_wait3A_644 = tpu.memref_slice %arg6[%dma_wait3A_640, %dma_wait3A_642, %dma_wait3A_643] : memref<8x128x64xf32, #tpu.memory_space<vmem>> -> memref<1x128x64xf32, #tpu.memory_space<vmem>>
        %dma_wait3A_645 = tpu.memref_squeeze %dma_wait3A_644 : memref<1x128x64xf32, #tpu.memory_space<vmem>> -> memref<128x64xf32, #tpu.memory_space<vmem>>
        %dma_wait3A_646 = arith.constant 256 : i32
        %dma_wait3A_647 = arith.constant 0 : i32
        %dma_wait3A_648 = tpu.memref_slice %arg4[%add3A_311, %dma_wait3A_646, %dma_wait3A_647] : memref<200x1024x64xf32, #tpu.memory_space<hbm>> -> memref<1x128x64xf32, #tpu.memory_space<hbm>>
        %dma_wait3A_649 = tpu.memref_squeeze %dma_wait3A_648 : memref<1x128x64xf32, #tpu.memory_space<hbm>> -> memref<128x64xf32, #tpu.memory_space<hbm>>
        %dma_wait3A_650 = tpu.memref_slice %arg8[%dma_wait3A_641] : memref<8x!tpu.dma_semaphore, #tpu.memory_space<semaphore_mem>> -> memref<1x!tpu.dma_semaphore, #tpu.memory_space<semaphore_mem>>
        %dma_wait3A_651 = tpu.memref_squeeze %dma_wait3A_650 : memref<1x!tpu.dma_semaphore, #tpu.memory_space<semaphore_mem>> -> memref<!tpu.dma_semaphore, #tpu.memory_space<semaphore_mem>>
        %dma_wait3A_652 = arith.constant 256 : i32
        %dma_wait3A_653 = arith.constant 0 : i32
        %dma_wait3A_654 = tpu.memref_slice %arg4[%add3A_311, %dma_wait3A_652, %dma_wait3A_653] : memref<200x1024x64xf32, #tpu.memory_space<hbm>> -> memref<1x128x64xf32, #tpu.memory_space<hbm>>
        %dma_wait3A_655 = tpu.memref_squeeze %dma_wait3A_654 : memref<1x128x64xf32, #tpu.memory_space<hbm>> -> memref<128x64xf32, #tpu.memory_space<hbm>>
        %dma_wait3A_656 = arith.constant 0 : i32
        %dma_wait3A_657 = arith.constant 0 : i32
        %dma_wait3A_658 = tpu.memref_slice %arg6[%dma_wait3A_640, %dma_wait3A_656, %dma_wait3A_657] : memref<8x128x64xf32, #tpu.memory_space<vmem>> -> memref<1x128x64xf32, #tpu.memory_space<vmem>>
        %dma_wait3A_659 = tpu.memref_squeeze %dma_wait3A_658 : memref<1x128x64xf32, #tpu.memory_space<vmem>> -> memref<128x64xf32, #tpu.memory_space<vmem>>
        tpu.wait_dma2 semaphore(%dma_wait3A_651 : memref<!tpu.dma_semaphore, #tpu.memory_space<semaphore_mem>>) src(%dma_wait3A_659 : memref<128x64xf32, #tpu.memory_space<vmem>>) dst(%dma_wait3A_655 : memref<128x64xf32, #tpu.memory_space<hbm>>)
        %add3A_660 = arith.constant 1 : i32
        %add3A_661 = arith.addi %while3A_310, %add3A_660 : i32
        %dma_start3A_662 = arith.constant 2 : i32
        %dma_start3A_663 = arith.constant 2 : i32
        %dma_start3A_664 = arith.constant 0 : i32
        %dma_start3A_665 = arith.constant 0 : i32
        %dma_start3A_666 = tpu.memref_slice %arg6[%dma_start3A_662, %dma_start3A_664, %dma_start3A_665] : memref<8x128x64xf32, #tpu.memory_space<vmem>> -> memref<1x128x64xf32, #tpu.memory_space<vmem>>
        %dma_start3A_667 = tpu.memref_squeeze %dma_start3A_666 : memref<1x128x64xf32, #tpu.memory_space<vmem>> -> memref<128x64xf32, #tpu.memory_space<vmem>>
        %dma_start3A_668 = arith.constant 256 : i32
        %dma_start3A_669 = tpu.memref_slice %arg5[%add3A_661, %dma_start3A_668] : memref<7x1024xi32, #tpu.memory_space<vmem>> -> memref<1x128xi32, #tpu.memory_space<vmem>>
        %dma_start3A_670 = tpu.memref_squeeze %dma_start3A_669 : memref<1x128xi32, #tpu.memory_space<vmem>> -> memref<128xi32, #tpu.memory_space<vmem>>
        %dma_start3A_671 = arith.constant 0 : i32
        %dma_start3A_672 = arith.constant 0 : i32
        %dma_start3A_673 = tpu.memref_slice %arg2[%dma_start3A_671, %dma_start3A_672] : memref<1000000x64xf32, #tpu.memory_space<hbm>> -> memref<1000000x64xf32, #tpu.memory_space<hbm>>
        %dma_start3A_674 = tpu.memref_slice %arg7[%dma_start3A_663] : memref<8x!tpu.dma_semaphore, #tpu.memory_space<semaphore_mem>> -> memref<1x!tpu.dma_semaphore, #tpu.memory_space<semaphore_mem>>
        %dma_start3A_675 = tpu.memref_squeeze %dma_start3A_674 : memref<1x!tpu.dma_semaphore, #tpu.memory_space<semaphore_mem>> -> memref<!tpu.dma_semaphore, #tpu.memory_space<semaphore_mem>>
        tpu.enqueue_indirect_dma source(%dma_start3A_673 : memref<1000000x64xf32, #tpu.memory_space<hbm>>) target(%dma_start3A_667 : memref<128x64xf32, #tpu.memory_space<vmem>>) offsets(%dma_start3A_670 : memref<128xi32, #tpu.memory_space<vmem>>) semaphore(%dma_start3A_675 : memref<!tpu.dma_semaphore, #tpu.memory_space<semaphore_mem>>)
      } else {
      }
      %dma_wait3A_435 = arith.constant 0 : i32
      %dma_wait3A_436 = arith.constant 3 : i32
      %dma_wait3A_437 = arith.constant 3 : i32
      %dma_wait3A_438 = arith.constant 0 : i32
      %dma_wait3A_439 = arith.constant 0 : i32
      %dma_wait3A_440 = tpu.memref_slice %arg6[%dma_wait3A_436, %dma_wait3A_438, %dma_wait3A_439] : memref<8x128x64xf32, #tpu.memory_space<vmem>> -> memref<1x128x64xf32, #tpu.memory_space<vmem>>
      %dma_wait3A_441 = tpu.memref_squeeze %dma_wait3A_440 : memref<1x128x64xf32, #tpu.memory_space<vmem>> -> memref<128x64xf32, #tpu.memory_space<vmem>>
      %dma_wait3A_442 = arith.constant 384 : i32
      %dma_wait3A_443 = tpu.memref_slice %arg5[%dma_wait3A_435, %dma_wait3A_442] : memref<7x1024xi32, #tpu.memory_space<vmem>> -> memref<1x128xi32, #tpu.memory_space<vmem>>
      %dma_wait3A_444 = tpu.memref_squeeze %dma_wait3A_443 : memref<1x128xi32, #tpu.memory_space<vmem>> -> memref<128xi32, #tpu.memory_space<vmem>>
      %dma_wait3A_445 = arith.constant 0 : i32
      %dma_wait3A_446 = arith.constant 0 : i32
      %dma_wait3A_447 = tpu.memref_slice %arg2[%dma_wait3A_445, %dma_wait3A_446] : memref<1000000x64xf32, #tpu.memory_space<hbm>> -> memref<1000000x64xf32, #tpu.memory_space<hbm>>
      %dma_wait3A_448 = tpu.memref_slice %arg7[%dma_wait3A_437] : memref<8x!tpu.dma_semaphore, #tpu.memory_space<semaphore_mem>> -> memref<1x!tpu.dma_semaphore, #tpu.memory_space<semaphore_mem>>
      %dma_wait3A_449 = tpu.memref_squeeze %dma_wait3A_448 : memref<1x!tpu.dma_semaphore, #tpu.memory_space<semaphore_mem>> -> memref<!tpu.dma_semaphore, #tpu.memory_space<semaphore_mem>>
      tpu.wait_indirect_dma semaphore(%dma_wait3A_449 : memref<!tpu.dma_semaphore, #tpu.memory_space<semaphore_mem>>) src(%dma_wait3A_447 : memref<1000000x64xf32, #tpu.memory_space<hbm>>) dst(%dma_wait3A_441 : memref<128x64xf32, #tpu.memory_space<vmem>>)
      %dma_start3A_450 = arith.constant 3 : i32
      %dma_start3A_451 = arith.constant 3 : i32
      %dma_start3A_452 = arith.constant 0 : i32
      %dma_start3A_453 = arith.constant 0 : i32
      %dma_start3A_454 = tpu.memref_slice %arg6[%dma_start3A_450, %dma_start3A_452, %dma_start3A_453] : memref<8x128x64xf32, #tpu.memory_space<vmem>> -> memref<1x128x64xf32, #tpu.memory_space<vmem>>
      %dma_start3A_455 = tpu.memref_squeeze %dma_start3A_454 : memref<1x128x64xf32, #tpu.memory_space<vmem>> -> memref<128x64xf32, #tpu.memory_space<vmem>>
      %dma_start3A_456 = arith.constant 384 : i32
      %dma_start3A_457 = arith.constant 0 : i32
      %dma_start3A_458 = tpu.memref_slice %arg4[%add3A_311, %dma_start3A_456, %dma_start3A_457] : memref<200x1024x64xf32, #tpu.memory_space<hbm>> -> memref<1x128x64xf32, #tpu.memory_space<hbm>>
      %dma_start3A_459 = tpu.memref_squeeze %dma_start3A_458 : memref<1x128x64xf32, #tpu.memory_space<hbm>> -> memref<128x64xf32, #tpu.memory_space<hbm>>
      %dma_start3A_460 = tpu.memref_slice %arg8[%dma_start3A_451] : memref<8x!tpu.dma_semaphore, #tpu.memory_space<semaphore_mem>> -> memref<1x!tpu.dma_semaphore, #tpu.memory_space<semaphore_mem>>
      %dma_start3A_461 = tpu.memref_squeeze %dma_start3A_460 : memref<1x!tpu.dma_semaphore, #tpu.memory_space<semaphore_mem>> -> memref<!tpu.dma_semaphore, #tpu.memory_space<semaphore_mem>>
      %dma_start3A_462 = arith.constant 384 : i32
      %dma_start3A_463 = arith.constant 0 : i32
      %dma_start3A_464 = tpu.memref_slice %arg4[%add3A_311, %dma_start3A_462, %dma_start3A_463] : memref<200x1024x64xf32, #tpu.memory_space<hbm>> -> memref<1x128x64xf32, #tpu.memory_space<hbm>>
      %dma_start3A_465 = tpu.memref_squeeze %dma_start3A_464 : memref<1x128x64xf32, #tpu.memory_space<hbm>> -> memref<128x64xf32, #tpu.memory_space<hbm>>
      %dma_start3A_466 = arith.constant 0 : i32
      %dma_start3A_467 = arith.constant 0 : i32
      %dma_start3A_468 = tpu.memref_slice %arg6[%dma_start3A_450, %dma_start3A_466, %dma_start3A_467] : memref<8x128x64xf32, #tpu.memory_space<vmem>> -> memref<1x128x64xf32, #tpu.memory_space<vmem>>
      %dma_start3A_469 = tpu.memref_squeeze %dma_start3A_468 : memref<1x128x64xf32, #tpu.memory_space<vmem>> -> memref<128x64xf32, #tpu.memory_space<vmem>>
      tpu.enqueue_dma source(%dma_start3A_469 : memref<128x64xf32, #tpu.memory_space<vmem>>) target(%dma_start3A_465 : memref<128x64xf32, #tpu.memory_space<hbm>>) target_semaphore(%dma_start3A_461 : memref<!tpu.dma_semaphore, #tpu.memory_space<semaphore_mem>>)
      %sub3A_470 = arith.constant 1 : i32
      %sub3A_471 = arith.subi %select_n3A_12, %sub3A_470 : i32
      %lt3A_472 = arith.cmpi slt, %while3A_310, %sub3A_471 : i32
      %convert_element_type3A_473 = arith.extui %lt3A_472 : i1 to i32
      %cond3A_474 = arith.constant 0 : i32
      %cond3A_475 = arith.cmpi ne, %convert_element_type3A_473, %cond3A_474 : i32
      scf.if %cond3A_475 {
        %dma_wait3A_640 = arith.constant 3 : i32
        %dma_wait3A_641 = arith.constant 3 : i32
        %dma_wait3A_642 = arith.constant 0 : i32
        %dma_wait3A_643 = arith.constant 0 : i32
        %dma_wait3A_644 = tpu.memref_slice %arg6[%dma_wait3A_640, %dma_wait3A_642, %dma_wait3A_643] : memref<8x128x64xf32, #tpu.memory_space<vmem>> -> memref<1x128x64xf32, #tpu.memory_space<vmem>>
        %dma_wait3A_645 = tpu.memref_squeeze %dma_wait3A_644 : memref<1x128x64xf32, #tpu.memory_space<vmem>> -> memref<128x64xf32, #tpu.memory_space<vmem>>
        %dma_wait3A_646 = arith.constant 384 : i32
        %dma_wait3A_647 = arith.constant 0 : i32
        %dma_wait3A_648 = tpu.memref_slice %arg4[%add3A_311, %dma_wait3A_646, %dma_wait3A_647] : memref<200x1024x64xf32, #tpu.memory_space<hbm>> -> memref<1x128x64xf32, #tpu.memory_space<hbm>>
        %dma_wait3A_649 = tpu.memref_squeeze %dma_wait3A_648 : memref<1x128x64xf32, #tpu.memory_space<hbm>> -> memref<128x64xf32, #tpu.memory_space<hbm>>
        %dma_wait3A_650 = tpu.memref_slice %arg8[%dma_wait3A_641] : memref<8x!tpu.dma_semaphore, #tpu.memory_space<semaphore_mem>> -> memref<1x!tpu.dma_semaphore, #tpu.memory_space<semaphore_mem>>
        %dma_wait3A_651 = tpu.memref_squeeze %dma_wait3A_650 : memref<1x!tpu.dma_semaphore, #tpu.memory_space<semaphore_mem>> -> memref<!tpu.dma_semaphore, #tpu.memory_space<semaphore_mem>>
        %dma_wait3A_652 = arith.constant 384 : i32
        %dma_wait3A_653 = arith.constant 0 : i32
        %dma_wait3A_654 = tpu.memref_slice %arg4[%add3A_311, %dma_wait3A_652, %dma_wait3A_653] : memref<200x1024x64xf32, #tpu.memory_space<hbm>> -> memref<1x128x64xf32, #tpu.memory_space<hbm>>
        %dma_wait3A_655 = tpu.memref_squeeze %dma_wait3A_654 : memref<1x128x64xf32, #tpu.memory_space<hbm>> -> memref<128x64xf32, #tpu.memory_space<hbm>>
        %dma_wait3A_656 = arith.constant 0 : i32
        %dma_wait3A_657 = arith.constant 0 : i32
        %dma_wait3A_658 = tpu.memref_slice %arg6[%dma_wait3A_640, %dma_wait3A_656, %dma_wait3A_657] : memref<8x128x64xf32, #tpu.memory_space<vmem>> -> memref<1x128x64xf32, #tpu.memory_space<vmem>>
        %dma_wait3A_659 = tpu.memref_squeeze %dma_wait3A_658 : memref<1x128x64xf32, #tpu.memory_space<vmem>> -> memref<128x64xf32, #tpu.memory_space<vmem>>
        tpu.wait_dma2 semaphore(%dma_wait3A_651 : memref<!tpu.dma_semaphore, #tpu.memory_space<semaphore_mem>>) src(%dma_wait3A_659 : memref<128x64xf32, #tpu.memory_space<vmem>>) dst(%dma_wait3A_655 : memref<128x64xf32, #tpu.memory_space<hbm>>)
        %add3A_660 = arith.constant 1 : i32
        %add3A_661 = arith.addi %while3A_310, %add3A_660 : i32
        %dma_start3A_662 = arith.constant 3 : i32
        %dma_start3A_663 = arith.constant 3 : i32
        %dma_start3A_664 = arith.constant 0 : i32
        %dma_start3A_665 = arith.constant 0 : i32
        %dma_start3A_666 = tpu.memref_slice %arg6[%dma_start3A_662, %dma_start3A_664, %dma_start3A_665] : memref<8x128x64xf32, #tpu.memory_space<vmem>> -> memref<1x128x64xf32, #tpu.memory_space<vmem>>
        %dma_start3A_667 = tpu.memref_squeeze %dma_start3A_666 : memref<1x128x64xf32, #tpu.memory_space<vmem>> -> memref<128x64xf32, #tpu.memory_space<vmem>>
        %dma_start3A_668 = arith.constant 384 : i32
        %dma_start3A_669 = tpu.memref_slice %arg5[%add3A_661, %dma_start3A_668] : memref<7x1024xi32, #tpu.memory_space<vmem>> -> memref<1x128xi32, #tpu.memory_space<vmem>>
        %dma_start3A_670 = tpu.memref_squeeze %dma_start3A_669 : memref<1x128xi32, #tpu.memory_space<vmem>> -> memref<128xi32, #tpu.memory_space<vmem>>
        %dma_start3A_671 = arith.constant 0 : i32
        %dma_start3A_672 = arith.constant 0 : i32
        %dma_start3A_673 = tpu.memref_slice %arg2[%dma_start3A_671, %dma_start3A_672] : memref<1000000x64xf32, #tpu.memory_space<hbm>> -> memref<1000000x64xf32, #tpu.memory_space<hbm>>
        %dma_start3A_674 = tpu.memref_slice %arg7[%dma_start3A_663] : memref<8x!tpu.dma_semaphore, #tpu.memory_space<semaphore_mem>> -> memref<1x!tpu.dma_semaphore, #tpu.memory_space<semaphore_mem>>
        %dma_start3A_675 = tpu.memref_squeeze %dma_start3A_674 : memref<1x!tpu.dma_semaphore, #tpu.memory_space<semaphore_mem>> -> memref<!tpu.dma_semaphore, #tpu.memory_space<semaphore_mem>>
        tpu.enqueue_indirect_dma source(%dma_start3A_673 : memref<1000000x64xf32, #tpu.memory_space<hbm>>) target(%dma_start3A_667 : memref<128x64xf32, #tpu.memory_space<vmem>>) offsets(%dma_start3A_670 : memref<128xi32, #tpu.memory_space<vmem>>) semaphore(%dma_start3A_675 : memref<!tpu.dma_semaphore, #tpu.memory_space<semaphore_mem>>)
      } else {
      }
      %dma_wait3A_476 = arith.constant 0 : i32
      %dma_wait3A_477 = arith.constant 4 : i32
      %dma_wait3A_478 = arith.constant 4 : i32
      %dma_wait3A_479 = arith.constant 0 : i32
      %dma_wait3A_480 = arith.constant 0 : i32
      %dma_wait3A_481 = tpu.memref_slice %arg6[%dma_wait3A_477, %dma_wait3A_479, %dma_wait3A_480] : memref<8x128x64xf32, #tpu.memory_space<vmem>> -> memref<1x128x64xf32, #tpu.memory_space<vmem>>
      %dma_wait3A_482 = tpu.memref_squeeze %dma_wait3A_481 : memref<1x128x64xf32, #tpu.memory_space<vmem>> -> memref<128x64xf32, #tpu.memory_space<vmem>>
      %dma_wait3A_483 = arith.constant 512 : i32
      %dma_wait3A_484 = tpu.memref_slice %arg5[%dma_wait3A_476, %dma_wait3A_483] : memref<7x1024xi32, #tpu.memory_space<vmem>> -> memref<1x128xi32, #tpu.memory_space<vmem>>
      %dma_wait3A_485 = tpu.memref_squeeze %dma_wait3A_484 : memref<1x128xi32, #tpu.memory_space<vmem>> -> memref<128xi32, #tpu.memory_space<vmem>>
      %dma_wait3A_486 = arith.constant 0 : i32
      %dma_wait3A_487 = arith.constant 0 : i32
      %dma_wait3A_488 = tpu.memref_slice %arg2[%dma_wait3A_486, %dma_wait3A_487] : memref<1000000x64xf32, #tpu.memory_space<hbm>> -> memref<1000000x64xf32, #tpu.memory_space<hbm>>
      %dma_wait3A_489 = tpu.memref_slice %arg7[%dma_wait3A_478] : memref<8x!tpu.dma_semaphore, #tpu.memory_space<semaphore_mem>> -> memref<1x!tpu.dma_semaphore, #tpu.memory_space<semaphore_mem>>
      %dma_wait3A_490 = tpu.memref_squeeze %dma_wait3A_489 : memref<1x!tpu.dma_semaphore, #tpu.memory_space<semaphore_mem>> -> memref<!tpu.dma_semaphore, #tpu.memory_space<semaphore_mem>>
      tpu.wait_indirect_dma semaphore(%dma_wait3A_490 : memref<!tpu.dma_semaphore, #tpu.memory_space<semaphore_mem>>) src(%dma_wait3A_488 : memref<1000000x64xf32, #tpu.memory_space<hbm>>) dst(%dma_wait3A_482 : memref<128x64xf32, #tpu.memory_space<vmem>>)
      %dma_start3A_491 = arith.constant 4 : i32
      %dma_start3A_492 = arith.constant 4 : i32
      %dma_start3A_493 = arith.constant 0 : i32
      %dma_start3A_494 = arith.constant 0 : i32
      %dma_start3A_495 = tpu.memref_slice %arg6[%dma_start3A_491, %dma_start3A_493, %dma_start3A_494] : memref<8x128x64xf32, #tpu.memory_space<vmem>> -> memref<1x128x64xf32, #tpu.memory_space<vmem>>
      %dma_start3A_496 = tpu.memref_squeeze %dma_start3A_495 : memref<1x128x64xf32, #tpu.memory_space<vmem>> -> memref<128x64xf32, #tpu.memory_space<vmem>>
      %dma_start3A_497 = arith.constant 512 : i32
      %dma_start3A_498 = arith.constant 0 : i32
      %dma_start3A_499 = tpu.memref_slice %arg4[%add3A_311, %dma_start3A_497, %dma_start3A_498] : memref<200x1024x64xf32, #tpu.memory_space<hbm>> -> memref<1x128x64xf32, #tpu.memory_space<hbm>>
      %dma_start3A_500 = tpu.memref_squeeze %dma_start3A_499 : memref<1x128x64xf32, #tpu.memory_space<hbm>> -> memref<128x64xf32, #tpu.memory_space<hbm>>
      %dma_start3A_501 = tpu.memref_slice %arg8[%dma_start3A_492] : memref<8x!tpu.dma_semaphore, #tpu.memory_space<semaphore_mem>> -> memref<1x!tpu.dma_semaphore, #tpu.memory_space<semaphore_mem>>
      %dma_start3A_502 = tpu.memref_squeeze %dma_start3A_501 : memref<1x!tpu.dma_semaphore, #tpu.memory_space<semaphore_mem>> -> memref<!tpu.dma_semaphore, #tpu.memory_space<semaphore_mem>>
      %dma_start3A_503 = arith.constant 512 : i32
      %dma_start3A_504 = arith.constant 0 : i32
      %dma_start3A_505 = tpu.memref_slice %arg4[%add3A_311, %dma_start3A_503, %dma_start3A_504] : memref<200x1024x64xf32, #tpu.memory_space<hbm>> -> memref<1x128x64xf32, #tpu.memory_space<hbm>>
      %dma_start3A_506 = tpu.memref_squeeze %dma_start3A_505 : memref<1x128x64xf32, #tpu.memory_space<hbm>> -> memref<128x64xf32, #tpu.memory_space<hbm>>
      %dma_start3A_507 = arith.constant 0 : i32
      %dma_start3A_508 = arith.constant 0 : i32
      %dma_start3A_509 = tpu.memref_slice %arg6[%dma_start3A_491, %dma_start3A_507, %dma_start3A_508] : memref<8x128x64xf32, #tpu.memory_space<vmem>> -> memref<1x128x64xf32, #tpu.memory_space<vmem>>
      %dma_start3A_510 = tpu.memref_squeeze %dma_start3A_509 : memref<1x128x64xf32, #tpu.memory_space<vmem>> -> memref<128x64xf32, #tpu.memory_space<vmem>>
      tpu.enqueue_dma source(%dma_start3A_510 : memref<128x64xf32, #tpu.memory_space<vmem>>) target(%dma_start3A_506 : memref<128x64xf32, #tpu.memory_space<hbm>>) target_semaphore(%dma_start3A_502 : memref<!tpu.dma_semaphore, #tpu.memory_space<semaphore_mem>>)
      %sub3A_511 = arith.constant 1 : i32
      %sub3A_512 = arith.subi %select_n3A_12, %sub3A_511 : i32
      %lt3A_513 = arith.cmpi slt, %while3A_310, %sub3A_512 : i32
      %convert_element_type3A_514 = arith.extui %lt3A_513 : i1 to i32
      %cond3A_515 = arith.constant 0 : i32
      %cond3A_516 = arith.cmpi ne, %convert_element_type3A_514, %cond3A_515 : i32
      scf.if %cond3A_516 {
        %dma_wait3A_640 = arith.constant 4 : i32
        %dma_wait3A_641 = arith.constant 4 : i32
        %dma_wait3A_642 = arith.constant 0 : i32
        %dma_wait3A_643 = arith.constant 0 : i32
        %dma_wait3A_644 = tpu.memref_slice %arg6[%dma_wait3A_640, %dma_wait3A_642, %dma_wait3A_643] : memref<8x128x64xf32, #tpu.memory_space<vmem>> -> memref<1x128x64xf32, #tpu.memory_space<vmem>>
        %dma_wait3A_645 = tpu.memref_squeeze %dma_wait3A_644 : memref<1x128x64xf32, #tpu.memory_space<vmem>> -> memref<128x64xf32, #tpu.memory_space<vmem>>
        %dma_wait3A_646 = arith.constant 512 : i32
        %dma_wait3A_647 = arith.constant 0 : i32
        %dma_wait3A_648 = tpu.memref_slice %arg4[%add3A_311, %dma_wait3A_646, %dma_wait3A_647] : memref<200x1024x64xf32, #tpu.memory_space<hbm>> -> memref<1x128x64xf32, #tpu.memory_space<hbm>>
        %dma_wait3A_649 = tpu.memref_squeeze %dma_wait3A_648 : memref<1x128x64xf32, #tpu.memory_space<hbm>> -> memref<128x64xf32, #tpu.memory_space<hbm>>
        %dma_wait3A_650 = tpu.memref_slice %arg8[%dma_wait3A_641] : memref<8x!tpu.dma_semaphore, #tpu.memory_space<semaphore_mem>> -> memref<1x!tpu.dma_semaphore, #tpu.memory_space<semaphore_mem>>
        %dma_wait3A_651 = tpu.memref_squeeze %dma_wait3A_650 : memref<1x!tpu.dma_semaphore, #tpu.memory_space<semaphore_mem>> -> memref<!tpu.dma_semaphore, #tpu.memory_space<semaphore_mem>>
        %dma_wait3A_652 = arith.constant 512 : i32
        %dma_wait3A_653 = arith.constant 0 : i32
        %dma_wait3A_654 = tpu.memref_slice %arg4[%add3A_311, %dma_wait3A_652, %dma_wait3A_653] : memref<200x1024x64xf32, #tpu.memory_space<hbm>> -> memref<1x128x64xf32, #tpu.memory_space<hbm>>
        %dma_wait3A_655 = tpu.memref_squeeze %dma_wait3A_654 : memref<1x128x64xf32, #tpu.memory_space<hbm>> -> memref<128x64xf32, #tpu.memory_space<hbm>>
        %dma_wait3A_656 = arith.constant 0 : i32
        %dma_wait3A_657 = arith.constant 0 : i32
        %dma_wait3A_658 = tpu.memref_slice %arg6[%dma_wait3A_640, %dma_wait3A_656, %dma_wait3A_657] : memref<8x128x64xf32, #tpu.memory_space<vmem>> -> memref<1x128x64xf32, #tpu.memory_space<vmem>>
        %dma_wait3A_659 = tpu.memref_squeeze %dma_wait3A_658 : memref<1x128x64xf32, #tpu.memory_space<vmem>> -> memref<128x64xf32, #tpu.memory_space<vmem>>
        tpu.wait_dma2 semaphore(%dma_wait3A_651 : memref<!tpu.dma_semaphore, #tpu.memory_space<semaphore_mem>>) src(%dma_wait3A_659 : memref<128x64xf32, #tpu.memory_space<vmem>>) dst(%dma_wait3A_655 : memref<128x64xf32, #tpu.memory_space<hbm>>)
        %add3A_660 = arith.constant 1 : i32
        %add3A_661 = arith.addi %while3A_310, %add3A_660 : i32
        %dma_start3A_662 = arith.constant 4 : i32
        %dma_start3A_663 = arith.constant 4 : i32
        %dma_start3A_664 = arith.constant 0 : i32
        %dma_start3A_665 = arith.constant 0 : i32
        %dma_start3A_666 = tpu.memref_slice %arg6[%dma_start3A_662, %dma_start3A_664, %dma_start3A_665] : memref<8x128x64xf32, #tpu.memory_space<vmem>> -> memref<1x128x64xf32, #tpu.memory_space<vmem>>
        %dma_start3A_667 = tpu.memref_squeeze %dma_start3A_666 : memref<1x128x64xf32, #tpu.memory_space<vmem>> -> memref<128x64xf32, #tpu.memory_space<vmem>>
        %dma_start3A_668 = arith.constant 512 : i32
        %dma_start3A_669 = tpu.memref_slice %arg5[%add3A_661, %dma_start3A_668] : memref<7x1024xi32, #tpu.memory_space<vmem>> -> memref<1x128xi32, #tpu.memory_space<vmem>>
        %dma_start3A_670 = tpu.memref_squeeze %dma_start3A_669 : memref<1x128xi32, #tpu.memory_space<vmem>> -> memref<128xi32, #tpu.memory_space<vmem>>
        %dma_start3A_671 = arith.constant 0 : i32
        %dma_start3A_672 = arith.constant 0 : i32
        %dma_start3A_673 = tpu.memref_slice %arg2[%dma_start3A_671, %dma_start3A_672] : memref<1000000x64xf32, #tpu.memory_space<hbm>> -> memref<1000000x64xf32, #tpu.memory_space<hbm>>
        %dma_start3A_674 = tpu.memref_slice %arg7[%dma_start3A_663] : memref<8x!tpu.dma_semaphore, #tpu.memory_space<semaphore_mem>> -> memref<1x!tpu.dma_semaphore, #tpu.memory_space<semaphore_mem>>
        %dma_start3A_675 = tpu.memref_squeeze %dma_start3A_674 : memref<1x!tpu.dma_semaphore, #tpu.memory_space<semaphore_mem>> -> memref<!tpu.dma_semaphore, #tpu.memory_space<semaphore_mem>>
        tpu.enqueue_indirect_dma source(%dma_start3A_673 : memref<1000000x64xf32, #tpu.memory_space<hbm>>) target(%dma_start3A_667 : memref<128x64xf32, #tpu.memory_space<vmem>>) offsets(%dma_start3A_670 : memref<128xi32, #tpu.memory_space<vmem>>) semaphore(%dma_start3A_675 : memref<!tpu.dma_semaphore, #tpu.memory_space<semaphore_mem>>)
      } else {
      }
      %dma_wait3A_517 = arith.constant 0 : i32
      %dma_wait3A_518 = arith.constant 5 : i32
      %dma_wait3A_519 = arith.constant 5 : i32
      %dma_wait3A_520 = arith.constant 0 : i32
      %dma_wait3A_521 = arith.constant 0 : i32
      %dma_wait3A_522 = tpu.memref_slice %arg6[%dma_wait3A_518, %dma_wait3A_520, %dma_wait3A_521] : memref<8x128x64xf32, #tpu.memory_space<vmem>> -> memref<1x128x64xf32, #tpu.memory_space<vmem>>
      %dma_wait3A_523 = tpu.memref_squeeze %dma_wait3A_522 : memref<1x128x64xf32, #tpu.memory_space<vmem>> -> memref<128x64xf32, #tpu.memory_space<vmem>>
      %dma_wait3A_524 = arith.constant 640 : i32
      %dma_wait3A_525 = tpu.memref_slice %arg5[%dma_wait3A_517, %dma_wait3A_524] : memref<7x1024xi32, #tpu.memory_space<vmem>> -> memref<1x128xi32, #tpu.memory_space<vmem>>
      %dma_wait3A_526 = tpu.memref_squeeze %dma_wait3A_525 : memref<1x128xi32, #tpu.memory_space<vmem>> -> memref<128xi32, #tpu.memory_space<vmem>>
      %dma_wait3A_527 = arith.constant 0 : i32
      %dma_wait3A_528 = arith.constant 0 : i32
      %dma_wait3A_529 = tpu.memref_slice %arg2[%dma_wait3A_527, %dma_wait3A_528] : memref<1000000x64xf32, #tpu.memory_space<hbm>> -> memref<1000000x64xf32, #tpu.memory_space<hbm>>
      %dma_wait3A_530 = tpu.memref_slice %arg7[%dma_wait3A_519] : memref<8x!tpu.dma_semaphore, #tpu.memory_space<semaphore_mem>> -> memref<1x!tpu.dma_semaphore, #tpu.memory_space<semaphore_mem>>
      %dma_wait3A_531 = tpu.memref_squeeze %dma_wait3A_530 : memref<1x!tpu.dma_semaphore, #tpu.memory_space<semaphore_mem>> -> memref<!tpu.dma_semaphore, #tpu.memory_space<semaphore_mem>>
      tpu.wait_indirect_dma semaphore(%dma_wait3A_531 : memref<!tpu.dma_semaphore, #tpu.memory_space<semaphore_mem>>) src(%dma_wait3A_529 : memref<1000000x64xf32, #tpu.memory_space<hbm>>) dst(%dma_wait3A_523 : memref<128x64xf32, #tpu.memory_space<vmem>>)
      %dma_start3A_532 = arith.constant 5 : i32
      %dma_start3A_533 = arith.constant 5 : i32
      %dma_start3A_534 = arith.constant 0 : i32
      %dma_start3A_535 = arith.constant 0 : i32
      %dma_start3A_536 = tpu.memref_slice %arg6[%dma_start3A_532, %dma_start3A_534, %dma_start3A_535] : memref<8x128x64xf32, #tpu.memory_space<vmem>> -> memref<1x128x64xf32, #tpu.memory_space<vmem>>
      %dma_start3A_537 = tpu.memref_squeeze %dma_start3A_536 : memref<1x128x64xf32, #tpu.memory_space<vmem>> -> memref<128x64xf32, #tpu.memory_space<vmem>>
      %dma_start3A_538 = arith.constant 640 : i32
      %dma_start3A_539 = arith.constant 0 : i32
      %dma_start3A_540 = tpu.memref_slice %arg4[%add3A_311, %dma_start3A_538, %dma_start3A_539] : memref<200x1024x64xf32, #tpu.memory_space<hbm>> -> memref<1x128x64xf32, #tpu.memory_space<hbm>>
      %dma_start3A_541 = tpu.memref_squeeze %dma_start3A_540 : memref<1x128x64xf32, #tpu.memory_space<hbm>> -> memref<128x64xf32, #tpu.memory_space<hbm>>
      %dma_start3A_542 = tpu.memref_slice %arg8[%dma_start3A_533] : memref<8x!tpu.dma_semaphore, #tpu.memory_space<semaphore_mem>> -> memref<1x!tpu.dma_semaphore, #tpu.memory_space<semaphore_mem>>
      %dma_start3A_543 = tpu.memref_squeeze %dma_start3A_542 : memref<1x!tpu.dma_semaphore, #tpu.memory_space<semaphore_mem>> -> memref<!tpu.dma_semaphore, #tpu.memory_space<semaphore_mem>>
      %dma_start3A_544 = arith.constant 640 : i32
      %dma_start3A_545 = arith.constant 0 : i32
      %dma_start3A_546 = tpu.memref_slice %arg4[%add3A_311, %dma_start3A_544, %dma_start3A_545] : memref<200x1024x64xf32, #tpu.memory_space<hbm>> -> memref<1x128x64xf32, #tpu.memory_space<hbm>>
      %dma_start3A_547 = tpu.memref_squeeze %dma_start3A_546 : memref<1x128x64xf32, #tpu.memory_space<hbm>> -> memref<128x64xf32, #tpu.memory_space<hbm>>
      %dma_start3A_548 = arith.constant 0 : i32
      %dma_start3A_549 = arith.constant 0 : i32
      %dma_start3A_550 = tpu.memref_slice %arg6[%dma_start3A_532, %dma_start3A_548, %dma_start3A_549] : memref<8x128x64xf32, #tpu.memory_space<vmem>> -> memref<1x128x64xf32, #tpu.memory_space<vmem>>
      %dma_start3A_551 = tpu.memref_squeeze %dma_start3A_550 : memref<1x128x64xf32, #tpu.memory_space<vmem>> -> memref<128x64xf32, #tpu.memory_space<vmem>>
      tpu.enqueue_dma source(%dma_start3A_551 : memref<128x64xf32, #tpu.memory_space<vmem>>) target(%dma_start3A_547 : memref<128x64xf32, #tpu.memory_space<hbm>>) target_semaphore(%dma_start3A_543 : memref<!tpu.dma_semaphore, #tpu.memory_space<semaphore_mem>>)
      %sub3A_552 = arith.constant 1 : i32
      %sub3A_553 = arith.subi %select_n3A_12, %sub3A_552 : i32
      %lt3A_554 = arith.cmpi slt, %while3A_310, %sub3A_553 : i32
      %convert_element_type3A_555 = arith.extui %lt3A_554 : i1 to i32
      %cond3A_556 = arith.constant 0 : i32
      %cond3A_557 = arith.cmpi ne, %convert_element_type3A_555, %cond3A_556 : i32
      scf.if %cond3A_557 {
        %dma_wait3A_640 = arith.constant 5 : i32
        %dma_wait3A_641 = arith.constant 5 : i32
        %dma_wait3A_642 = arith.constant 0 : i32
        %dma_wait3A_643 = arith.constant 0 : i32
        %dma_wait3A_644 = tpu.memref_slice %arg6[%dma_wait3A_640, %dma_wait3A_642, %dma_wait3A_643] : memref<8x128x64xf32, #tpu.memory_space<vmem>> -> memref<1x128x64xf32, #tpu.memory_space<vmem>>
        %dma_wait3A_645 = tpu.memref_squeeze %dma_wait3A_644 : memref<1x128x64xf32, #tpu.memory_space<vmem>> -> memref<128x64xf32, #tpu.memory_space<vmem>>
        %dma_wait3A_646 = arith.constant 640 : i32
        %dma_wait3A_647 = arith.constant 0 : i32
        %dma_wait3A_648 = tpu.memref_slice %arg4[%add3A_311, %dma_wait3A_646, %dma_wait3A_647] : memref<200x1024x64xf32, #tpu.memory_space<hbm>> -> memref<1x128x64xf32, #tpu.memory_space<hbm>>
        %dma_wait3A_649 = tpu.memref_squeeze %dma_wait3A_648 : memref<1x128x64xf32, #tpu.memory_space<hbm>> -> memref<128x64xf32, #tpu.memory_space<hbm>>
        %dma_wait3A_650 = tpu.memref_slice %arg8[%dma_wait3A_641] : memref<8x!tpu.dma_semaphore, #tpu.memory_space<semaphore_mem>> -> memref<1x!tpu.dma_semaphore, #tpu.memory_space<semaphore_mem>>
        %dma_wait3A_651 = tpu.memref_squeeze %dma_wait3A_650 : memref<1x!tpu.dma_semaphore, #tpu.memory_space<semaphore_mem>> -> memref<!tpu.dma_semaphore, #tpu.memory_space<semaphore_mem>>
        %dma_wait3A_652 = arith.constant 640 : i32
        %dma_wait3A_653 = arith.constant 0 : i32
        %dma_wait3A_654 = tpu.memref_slice %arg4[%add3A_311, %dma_wait3A_652, %dma_wait3A_653] : memref<200x1024x64xf32, #tpu.memory_space<hbm>> -> memref<1x128x64xf32, #tpu.memory_space<hbm>>
        %dma_wait3A_655 = tpu.memref_squeeze %dma_wait3A_654 : memref<1x128x64xf32, #tpu.memory_space<hbm>> -> memref<128x64xf32, #tpu.memory_space<hbm>>
        %dma_wait3A_656 = arith.constant 0 : i32
        %dma_wait3A_657 = arith.constant 0 : i32
        %dma_wait3A_658 = tpu.memref_slice %arg6[%dma_wait3A_640, %dma_wait3A_656, %dma_wait3A_657] : memref<8x128x64xf32, #tpu.memory_space<vmem>> -> memref<1x128x64xf32, #tpu.memory_space<vmem>>
        %dma_wait3A_659 = tpu.memref_squeeze %dma_wait3A_658 : memref<1x128x64xf32, #tpu.memory_space<vmem>> -> memref<128x64xf32, #tpu.memory_space<vmem>>
        tpu.wait_dma2 semaphore(%dma_wait3A_651 : memref<!tpu.dma_semaphore, #tpu.memory_space<semaphore_mem>>) src(%dma_wait3A_659 : memref<128x64xf32, #tpu.memory_space<vmem>>) dst(%dma_wait3A_655 : memref<128x64xf32, #tpu.memory_space<hbm>>)
        %add3A_660 = arith.constant 1 : i32
        %add3A_661 = arith.addi %while3A_310, %add3A_660 : i32
        %dma_start3A_662 = arith.constant 5 : i32
        %dma_start3A_663 = arith.constant 5 : i32
        %dma_start3A_664 = arith.constant 0 : i32
        %dma_start3A_665 = arith.constant 0 : i32
        %dma_start3A_666 = tpu.memref_slice %arg6[%dma_start3A_662, %dma_start3A_664, %dma_start3A_665] : memref<8x128x64xf32, #tpu.memory_space<vmem>> -> memref<1x128x64xf32, #tpu.memory_space<vmem>>
        %dma_start3A_667 = tpu.memref_squeeze %dma_start3A_666 : memref<1x128x64xf32, #tpu.memory_space<vmem>> -> memref<128x64xf32, #tpu.memory_space<vmem>>
        %dma_start3A_668 = arith.constant 640 : i32
        %dma_start3A_669 = tpu.memref_slice %arg5[%add3A_661, %dma_start3A_668] : memref<7x1024xi32, #tpu.memory_space<vmem>> -> memref<1x128xi32, #tpu.memory_space<vmem>>
        %dma_start3A_670 = tpu.memref_squeeze %dma_start3A_669 : memref<1x128xi32, #tpu.memory_space<vmem>> -> memref<128xi32, #tpu.memory_space<vmem>>
        %dma_start3A_671 = arith.constant 0 : i32
        %dma_start3A_672 = arith.constant 0 : i32
        %dma_start3A_673 = tpu.memref_slice %arg2[%dma_start3A_671, %dma_start3A_672] : memref<1000000x64xf32, #tpu.memory_space<hbm>> -> memref<1000000x64xf32, #tpu.memory_space<hbm>>
        %dma_start3A_674 = tpu.memref_slice %arg7[%dma_start3A_663] : memref<8x!tpu.dma_semaphore, #tpu.memory_space<semaphore_mem>> -> memref<1x!tpu.dma_semaphore, #tpu.memory_space<semaphore_mem>>
        %dma_start3A_675 = tpu.memref_squeeze %dma_start3A_674 : memref<1x!tpu.dma_semaphore, #tpu.memory_space<semaphore_mem>> -> memref<!tpu.dma_semaphore, #tpu.memory_space<semaphore_mem>>
        tpu.enqueue_indirect_dma source(%dma_start3A_673 : memref<1000000x64xf32, #tpu.memory_space<hbm>>) target(%dma_start3A_667 : memref<128x64xf32, #tpu.memory_space<vmem>>) offsets(%dma_start3A_670 : memref<128xi32, #tpu.memory_space<vmem>>) semaphore(%dma_start3A_675 : memref<!tpu.dma_semaphore, #tpu.memory_space<semaphore_mem>>)
      } else {
      }
      %dma_wait3A_558 = arith.constant 0 : i32
      %dma_wait3A_559 = arith.constant 6 : i32
      %dma_wait3A_560 = arith.constant 6 : i32
      %dma_wait3A_561 = arith.constant 0 : i32
      %dma_wait3A_562 = arith.constant 0 : i32
      %dma_wait3A_563 = tpu.memref_slice %arg6[%dma_wait3A_559, %dma_wait3A_561, %dma_wait3A_562] : memref<8x128x64xf32, #tpu.memory_space<vmem>> -> memref<1x128x64xf32, #tpu.memory_space<vmem>>
      %dma_wait3A_564 = tpu.memref_squeeze %dma_wait3A_563 : memref<1x128x64xf32, #tpu.memory_space<vmem>> -> memref<128x64xf32, #tpu.memory_space<vmem>>
      %dma_wait3A_565 = arith.constant 768 : i32
      %dma_wait3A_566 = tpu.memref_slice %arg5[%dma_wait3A_558, %dma_wait3A_565] : memref<7x1024xi32, #tpu.memory_space<vmem>> -> memref<1x128xi32, #tpu.memory_space<vmem>>
      %dma_wait3A_567 = tpu.memref_squeeze %dma_wait3A_566 : memref<1x128xi32, #tpu.memory_space<vmem>> -> memref<128xi32, #tpu.memory_space<vmem>>
      %dma_wait3A_568 = arith.constant 0 : i32
      %dma_wait3A_569 = arith.constant 0 : i32
      %dma_wait3A_570 = tpu.memref_slice %arg2[%dma_wait3A_568, %dma_wait3A_569] : memref<1000000x64xf32, #tpu.memory_space<hbm>> -> memref<1000000x64xf32, #tpu.memory_space<hbm>>
      %dma_wait3A_571 = tpu.memref_slice %arg7[%dma_wait3A_560] : memref<8x!tpu.dma_semaphore, #tpu.memory_space<semaphore_mem>> -> memref<1x!tpu.dma_semaphore, #tpu.memory_space<semaphore_mem>>
      %dma_wait3A_572 = tpu.memref_squeeze %dma_wait3A_571 : memref<1x!tpu.dma_semaphore, #tpu.memory_space<semaphore_mem>> -> memref<!tpu.dma_semaphore, #tpu.memory_space<semaphore_mem>>
      tpu.wait_indirect_dma semaphore(%dma_wait3A_572 : memref<!tpu.dma_semaphore, #tpu.memory_space<semaphore_mem>>) src(%dma_wait3A_570 : memref<1000000x64xf32, #tpu.memory_space<hbm>>) dst(%dma_wait3A_564 : memref<128x64xf32, #tpu.memory_space<vmem>>)
      %dma_start3A_573 = arith.constant 6 : i32
      %dma_start3A_574 = arith.constant 6 : i32
      %dma_start3A_575 = arith.constant 0 : i32
      %dma_start3A_576 = arith.constant 0 : i32
      %dma_start3A_577 = tpu.memref_slice %arg6[%dma_start3A_573, %dma_start3A_575, %dma_start3A_576] : memref<8x128x64xf32, #tpu.memory_space<vmem>> -> memref<1x128x64xf32, #tpu.memory_space<vmem>>
      %dma_start3A_578 = tpu.memref_squeeze %dma_start3A_577 : memref<1x128x64xf32, #tpu.memory_space<vmem>> -> memref<128x64xf32, #tpu.memory_space<vmem>>
      %dma_start3A_579 = arith.constant 768 : i32
      %dma_start3A_580 = arith.constant 0 : i32
      %dma_start3A_581 = tpu.memref_slice %arg4[%add3A_311, %dma_start3A_579, %dma_start3A_580] : memref<200x1024x64xf32, #tpu.memory_space<hbm>> -> memref<1x128x64xf32, #tpu.memory_space<hbm>>
      %dma_start3A_582 = tpu.memref_squeeze %dma_start3A_581 : memref<1x128x64xf32, #tpu.memory_space<hbm>> -> memref<128x64xf32, #tpu.memory_space<hbm>>
      %dma_start3A_583 = tpu.memref_slice %arg8[%dma_start3A_574] : memref<8x!tpu.dma_semaphore, #tpu.memory_space<semaphore_mem>> -> memref<1x!tpu.dma_semaphore, #tpu.memory_space<semaphore_mem>>
      %dma_start3A_584 = tpu.memref_squeeze %dma_start3A_583 : memref<1x!tpu.dma_semaphore, #tpu.memory_space<semaphore_mem>> -> memref<!tpu.dma_semaphore, #tpu.memory_space<semaphore_mem>>
      %dma_start3A_585 = arith.constant 768 : i32
      %dma_start3A_586 = arith.constant 0 : i32
      %dma_start3A_587 = tpu.memref_slice %arg4[%add3A_311, %dma_start3A_585, %dma_start3A_586] : memref<200x1024x64xf32, #tpu.memory_space<hbm>> -> memref<1x128x64xf32, #tpu.memory_space<hbm>>
      %dma_start3A_588 = tpu.memref_squeeze %dma_start3A_587 : memref<1x128x64xf32, #tpu.memory_space<hbm>> -> memref<128x64xf32, #tpu.memory_space<hbm>>
      %dma_start3A_589 = arith.constant 0 : i32
      %dma_start3A_590 = arith.constant 0 : i32
      %dma_start3A_591 = tpu.memref_slice %arg6[%dma_start3A_573, %dma_start3A_589, %dma_start3A_590] : memref<8x128x64xf32, #tpu.memory_space<vmem>> -> memref<1x128x64xf32, #tpu.memory_space<vmem>>
      %dma_start3A_592 = tpu.memref_squeeze %dma_start3A_591 : memref<1x128x64xf32, #tpu.memory_space<vmem>> -> memref<128x64xf32, #tpu.memory_space<vmem>>
      tpu.enqueue_dma source(%dma_start3A_592 : memref<128x64xf32, #tpu.memory_space<vmem>>) target(%dma_start3A_588 : memref<128x64xf32, #tpu.memory_space<hbm>>) target_semaphore(%dma_start3A_584 : memref<!tpu.dma_semaphore, #tpu.memory_space<semaphore_mem>>)
      %sub3A_593 = arith.constant 1 : i32
      %sub3A_594 = arith.subi %select_n3A_12, %sub3A_593 : i32
      %lt3A_595 = arith.cmpi slt, %while3A_310, %sub3A_594 : i32
      %convert_element_type3A_596 = arith.extui %lt3A_595 : i1 to i32
      %cond3A_597 = arith.constant 0 : i32
      %cond3A_598 = arith.cmpi ne, %convert_element_type3A_596, %cond3A_597 : i32
      scf.if %cond3A_598 {
        %dma_wait3A_640 = arith.constant 6 : i32
        %dma_wait3A_641 = arith.constant 6 : i32
        %dma_wait3A_642 = arith.constant 0 : i32
        %dma_wait3A_643 = arith.constant 0 : i32
        %dma_wait3A_644 = tpu.memref_slice %arg6[%dma_wait3A_640, %dma_wait3A_642, %dma_wait3A_643] : memref<8x128x64xf32, #tpu.memory_space<vmem>> -> memref<1x128x64xf32, #tpu.memory_space<vmem>>
        %dma_wait3A_645 = tpu.memref_squeeze %dma_wait3A_644 : memref<1x128x64xf32, #tpu.memory_space<vmem>> -> memref<128x64xf32, #tpu.memory_space<vmem>>
        %dma_wait3A_646 = arith.constant 768 : i32
        %dma_wait3A_647 = arith.constant 0 : i32
        %dma_wait3A_648 = tpu.memref_slice %arg4[%add3A_311, %dma_wait3A_646, %dma_wait3A_647] : memref<200x1024x64xf32, #tpu.memory_space<hbm>> -> memref<1x128x64xf32, #tpu.memory_space<hbm>>
        %dma_wait3A_649 = tpu.memref_squeeze %dma_wait3A_648 : memref<1x128x64xf32, #tpu.memory_space<hbm>> -> memref<128x64xf32, #tpu.memory_space<hbm>>
        %dma_wait3A_650 = tpu.memref_slice %arg8[%dma_wait3A_641] : memref<8x!tpu.dma_semaphore, #tpu.memory_space<semaphore_mem>> -> memref<1x!tpu.dma_semaphore, #tpu.memory_space<semaphore_mem>>
        %dma_wait3A_651 = tpu.memref_squeeze %dma_wait3A_650 : memref<1x!tpu.dma_semaphore, #tpu.memory_space<semaphore_mem>> -> memref<!tpu.dma_semaphore, #tpu.memory_space<semaphore_mem>>
        %dma_wait3A_652 = arith.constant 768 : i32
        %dma_wait3A_653 = arith.constant 0 : i32
        %dma_wait3A_654 = tpu.memref_slice %arg4[%add3A_311, %dma_wait3A_652, %dma_wait3A_653] : memref<200x1024x64xf32, #tpu.memory_space<hbm>> -> memref<1x128x64xf32, #tpu.memory_space<hbm>>
        %dma_wait3A_655 = tpu.memref_squeeze %dma_wait3A_654 : memref<1x128x64xf32, #tpu.memory_space<hbm>> -> memref<128x64xf32, #tpu.memory_space<hbm>>
        %dma_wait3A_656 = arith.constant 0 : i32
        %dma_wait3A_657 = arith.constant 0 : i32
        %dma_wait3A_658 = tpu.memref_slice %arg6[%dma_wait3A_640, %dma_wait3A_656, %dma_wait3A_657] : memref<8x128x64xf32, #tpu.memory_space<vmem>> -> memref<1x128x64xf32, #tpu.memory_space<vmem>>
        %dma_wait3A_659 = tpu.memref_squeeze %dma_wait3A_658 : memref<1x128x64xf32, #tpu.memory_space<vmem>> -> memref<128x64xf32, #tpu.memory_space<vmem>>
        tpu.wait_dma2 semaphore(%dma_wait3A_651 : memref<!tpu.dma_semaphore, #tpu.memory_space<semaphore_mem>>) src(%dma_wait3A_659 : memref<128x64xf32, #tpu.memory_space<vmem>>) dst(%dma_wait3A_655 : memref<128x64xf32, #tpu.memory_space<hbm>>)
        %add3A_660 = arith.constant 1 : i32
        %add3A_661 = arith.addi %while3A_310, %add3A_660 : i32
        %dma_start3A_662 = arith.constant 6 : i32
        %dma_start3A_663 = arith.constant 6 : i32
        %dma_start3A_664 = arith.constant 0 : i32
        %dma_start3A_665 = arith.constant 0 : i32
        %dma_start3A_666 = tpu.memref_slice %arg6[%dma_start3A_662, %dma_start3A_664, %dma_start3A_665] : memref<8x128x64xf32, #tpu.memory_space<vmem>> -> memref<1x128x64xf32, #tpu.memory_space<vmem>>
        %dma_start3A_667 = tpu.memref_squeeze %dma_start3A_666 : memref<1x128x64xf32, #tpu.memory_space<vmem>> -> memref<128x64xf32, #tpu.memory_space<vmem>>
        %dma_start3A_668 = arith.constant 768 : i32
        %dma_start3A_669 = tpu.memref_slice %arg5[%add3A_661, %dma_start3A_668] : memref<7x1024xi32, #tpu.memory_space<vmem>> -> memref<1x128xi32, #tpu.memory_space<vmem>>
        %dma_start3A_670 = tpu.memref_squeeze %dma_start3A_669 : memref<1x128xi32, #tpu.memory_space<vmem>> -> memref<128xi32, #tpu.memory_space<vmem>>
        %dma_start3A_671 = arith.constant 0 : i32
        %dma_start3A_672 = arith.constant 0 : i32
        %dma_start3A_673 = tpu.memref_slice %arg2[%dma_start3A_671, %dma_start3A_672] : memref<1000000x64xf32, #tpu.memory_space<hbm>> -> memref<1000000x64xf32, #tpu.memory_space<hbm>>
        %dma_start3A_674 = tpu.memref_slice %arg7[%dma_start3A_663] : memref<8x!tpu.dma_semaphore, #tpu.memory_space<semaphore_mem>> -> memref<1x!tpu.dma_semaphore, #tpu.memory_space<semaphore_mem>>
        %dma_start3A_675 = tpu.memref_squeeze %dma_start3A_674 : memref<1x!tpu.dma_semaphore, #tpu.memory_space<semaphore_mem>> -> memref<!tpu.dma_semaphore, #tpu.memory_space<semaphore_mem>>
        tpu.enqueue_indirect_dma source(%dma_start3A_673 : memref<1000000x64xf32, #tpu.memory_space<hbm>>) target(%dma_start3A_667 : memref<128x64xf32, #tpu.memory_space<vmem>>) offsets(%dma_start3A_670 : memref<128xi32, #tpu.memory_space<vmem>>) semaphore(%dma_start3A_675 : memref<!tpu.dma_semaphore, #tpu.memory_space<semaphore_mem>>)
      } else {
      }
      %dma_wait3A_599 = arith.constant 0 : i32
      %dma_wait3A_600 = arith.constant 7 : i32
      %dma_wait3A_601 = arith.constant 7 : i32
      %dma_wait3A_602 = arith.constant 0 : i32
      %dma_wait3A_603 = arith.constant 0 : i32
      %dma_wait3A_604 = tpu.memref_slice %arg6[%dma_wait3A_600, %dma_wait3A_602, %dma_wait3A_603] : memref<8x128x64xf32, #tpu.memory_space<vmem>> -> memref<1x128x64xf32, #tpu.memory_space<vmem>>
      %dma_wait3A_605 = tpu.memref_squeeze %dma_wait3A_604 : memref<1x128x64xf32, #tpu.memory_space<vmem>> -> memref<128x64xf32, #tpu.memory_space<vmem>>
      %dma_wait3A_606 = arith.constant 896 : i32
      %dma_wait3A_607 = tpu.memref_slice %arg5[%dma_wait3A_599, %dma_wait3A_606] : memref<7x1024xi32, #tpu.memory_space<vmem>> -> memref<1x128xi32, #tpu.memory_space<vmem>>
      %dma_wait3A_608 = tpu.memref_squeeze %dma_wait3A_607 : memref<1x128xi32, #tpu.memory_space<vmem>> -> memref<128xi32, #tpu.memory_space<vmem>>
      %dma_wait3A_609 = arith.constant 0 : i32
      %dma_wait3A_610 = arith.constant 0 : i32
      %dma_wait3A_611 = tpu.memref_slice %arg2[%dma_wait3A_609, %dma_wait3A_610] : memref<1000000x64xf32, #tpu.memory_space<hbm>> -> memref<1000000x64xf32, #tpu.memory_space<hbm>>
      %dma_wait3A_612 = tpu.memref_slice %arg7[%dma_wait3A_601] : memref<8x!tpu.dma_semaphore, #tpu.memory_space<semaphore_mem>> -> memref<1x!tpu.dma_semaphore, #tpu.memory_space<semaphore_mem>>
      %dma_wait3A_613 = tpu.memref_squeeze %dma_wait3A_612 : memref<1x!tpu.dma_semaphore, #tpu.memory_space<semaphore_mem>> -> memref<!tpu.dma_semaphore, #tpu.memory_space<semaphore_mem>>
      tpu.wait_indirect_dma semaphore(%dma_wait3A_613 : memref<!tpu.dma_semaphore, #tpu.memory_space<semaphore_mem>>) src(%dma_wait3A_611 : memref<1000000x64xf32, #tpu.memory_space<hbm>>) dst(%dma_wait3A_605 : memref<128x64xf32, #tpu.memory_space<vmem>>)
      %dma_start3A_614 = arith.constant 7 : i32
      %dma_start3A_615 = arith.constant 7 : i32
      %dma_start3A_616 = arith.constant 0 : i32
      %dma_start3A_617 = arith.constant 0 : i32
      %dma_start3A_618 = tpu.memref_slice %arg6[%dma_start3A_614, %dma_start3A_616, %dma_start3A_617] : memref<8x128x64xf32, #tpu.memory_space<vmem>> -> memref<1x128x64xf32, #tpu.memory_space<vmem>>
      %dma_start3A_619 = tpu.memref_squeeze %dma_start3A_618 : memref<1x128x64xf32, #tpu.memory_space<vmem>> -> memref<128x64xf32, #tpu.memory_space<vmem>>
      %dma_start3A_620 = arith.constant 896 : i32
      %dma_start3A_621 = arith.constant 0 : i32
      %dma_start3A_622 = tpu.memref_slice %arg4[%add3A_311, %dma_start3A_620, %dma_start3A_621] : memref<200x1024x64xf32, #tpu.memory_space<hbm>> -> memref<1x128x64xf32, #tpu.memory_space<hbm>>
      %dma_start3A_623 = tpu.memref_squeeze %dma_start3A_622 : memref<1x128x64xf32, #tpu.memory_space<hbm>> -> memref<128x64xf32, #tpu.memory_space<hbm>>
      %dma_start3A_624 = tpu.memref_slice %arg8[%dma_start3A_615] : memref<8x!tpu.dma_semaphore, #tpu.memory_space<semaphore_mem>> -> memref<1x!tpu.dma_semaphore, #tpu.memory_space<semaphore_mem>>
      %dma_start3A_625 = tpu.memref_squeeze %dma_start3A_624 : memref<1x!tpu.dma_semaphore, #tpu.memory_space<semaphore_mem>> -> memref<!tpu.dma_semaphore, #tpu.memory_space<semaphore_mem>>
      %dma_start3A_626 = arith.constant 896 : i32
      %dma_start3A_627 = arith.constant 0 : i32
      %dma_start3A_628 = tpu.memref_slice %arg4[%add3A_311, %dma_start3A_626, %dma_start3A_627] : memref<200x1024x64xf32, #tpu.memory_space<hbm>> -> memref<1x128x64xf32, #tpu.memory_space<hbm>>
      %dma_start3A_629 = tpu.memref_squeeze %dma_start3A_628 : memref<1x128x64xf32, #tpu.memory_space<hbm>> -> memref<128x64xf32, #tpu.memory_space<hbm>>
      %dma_start3A_630 = arith.constant 0 : i32
      %dma_start3A_631 = arith.constant 0 : i32
      %dma_start3A_632 = tpu.memref_slice %arg6[%dma_start3A_614, %dma_start3A_630, %dma_start3A_631] : memref<8x128x64xf32, #tpu.memory_space<vmem>> -> memref<1x128x64xf32, #tpu.memory_space<vmem>>
      %dma_start3A_633 = tpu.memref_squeeze %dma_start3A_632 : memref<1x128x64xf32, #tpu.memory_space<vmem>> -> memref<128x64xf32, #tpu.memory_space<vmem>>
      tpu.enqueue_dma source(%dma_start3A_633 : memref<128x64xf32, #tpu.memory_space<vmem>>) target(%dma_start3A_629 : memref<128x64xf32, #tpu.memory_space<hbm>>) target_semaphore(%dma_start3A_625 : memref<!tpu.dma_semaphore, #tpu.memory_space<semaphore_mem>>)
      %sub3A_634 = arith.constant 1 : i32
      %sub3A_635 = arith.subi %select_n3A_12, %sub3A_634 : i32
      %lt3A_636 = arith.cmpi slt, %while3A_310, %sub3A_635 : i32
      %convert_element_type3A_637 = arith.extui %lt3A_636 : i1 to i32
      %cond3A_638 = arith.constant 0 : i32
      %cond3A_639 = arith.cmpi ne, %convert_element_type3A_637, %cond3A_638 : i32
      scf.if %cond3A_639 {
        %dma_wait3A_640 = arith.constant 7 : i32
        %dma_wait3A_641 = arith.constant 7 : i32
        %dma_wait3A_642 = arith.constant 0 : i32
        %dma_wait3A_643 = arith.constant 0 : i32
        %dma_wait3A_644 = tpu.memref_slice %arg6[%dma_wait3A_640, %dma_wait3A_642, %dma_wait3A_643] : memref<8x128x64xf32, #tpu.memory_space<vmem>> -> memref<1x128x64xf32, #tpu.memory_space<vmem>>
        %dma_wait3A_645 = tpu.memref_squeeze %dma_wait3A_644 : memref<1x128x64xf32, #tpu.memory_space<vmem>> -> memref<128x64xf32, #tpu.memory_space<vmem>>
        %dma_wait3A_646 = arith.constant 896 : i32
        %dma_wait3A_647 = arith.constant 0 : i32
        %dma_wait3A_648 = tpu.memref_slice %arg4[%add3A_311, %dma_wait3A_646, %dma_wait3A_647] : memref<200x1024x64xf32, #tpu.memory_space<hbm>> -> memref<1x128x64xf32, #tpu.memory_space<hbm>>
        %dma_wait3A_649 = tpu.memref_squeeze %dma_wait3A_648 : memref<1x128x64xf32, #tpu.memory_space<hbm>> -> memref<128x64xf32, #tpu.memory_space<hbm>>
        %dma_wait3A_650 = tpu.memref_slice %arg8[%dma_wait3A_641] : memref<8x!tpu.dma_semaphore, #tpu.memory_space<semaphore_mem>> -> memref<1x!tpu.dma_semaphore, #tpu.memory_space<semaphore_mem>>
        %dma_wait3A_651 = tpu.memref_squeeze %dma_wait3A_650 : memref<1x!tpu.dma_semaphore, #tpu.memory_space<semaphore_mem>> -> memref<!tpu.dma_semaphore, #tpu.memory_space<semaphore_mem>>
        %dma_wait3A_652 = arith.constant 896 : i32
        %dma_wait3A_653 = arith.constant 0 : i32
        %dma_wait3A_654 = tpu.memref_slice %arg4[%add3A_311, %dma_wait3A_652, %dma_wait3A_653] : memref<200x1024x64xf32, #tpu.memory_space<hbm>> -> memref<1x128x64xf32, #tpu.memory_space<hbm>>
        %dma_wait3A_655 = tpu.memref_squeeze %dma_wait3A_654 : memref<1x128x64xf32, #tpu.memory_space<hbm>> -> memref<128x64xf32, #tpu.memory_space<hbm>>
        %dma_wait3A_656 = arith.constant 0 : i32
        %dma_wait3A_657 = arith.constant 0 : i32
        %dma_wait3A_658 = tpu.memref_slice %arg6[%dma_wait3A_640, %dma_wait3A_656, %dma_wait3A_657] : memref<8x128x64xf32, #tpu.memory_space<vmem>> -> memref<1x128x64xf32, #tpu.memory_space<vmem>>
        %dma_wait3A_659 = tpu.memref_squeeze %dma_wait3A_658 : memref<1x128x64xf32, #tpu.memory_space<vmem>> -> memref<128x64xf32, #tpu.memory_space<vmem>>
        tpu.wait_dma2 semaphore(%dma_wait3A_651 : memref<!tpu.dma_semaphore, #tpu.memory_space<semaphore_mem>>) src(%dma_wait3A_659 : memref<128x64xf32, #tpu.memory_space<vmem>>) dst(%dma_wait3A_655 : memref<128x64xf32, #tpu.memory_space<hbm>>)
        %add3A_660 = arith.constant 1 : i32
        %add3A_661 = arith.addi %while3A_310, %add3A_660 : i32
        %dma_start3A_662 = arith.constant 7 : i32
        %dma_start3A_663 = arith.constant 7 : i32
        %dma_start3A_664 = arith.constant 0 : i32
        %dma_start3A_665 = arith.constant 0 : i32
        %dma_start3A_666 = tpu.memref_slice %arg6[%dma_start3A_662, %dma_start3A_664, %dma_start3A_665] : memref<8x128x64xf32, #tpu.memory_space<vmem>> -> memref<1x128x64xf32, #tpu.memory_space<vmem>>
        %dma_start3A_667 = tpu.memref_squeeze %dma_start3A_666 : memref<1x128x64xf32, #tpu.memory_space<vmem>> -> memref<128x64xf32, #tpu.memory_space<vmem>>
        %dma_start3A_668 = arith.constant 896 : i32
        %dma_start3A_669 = tpu.memref_slice %arg5[%add3A_661, %dma_start3A_668] : memref<7x1024xi32, #tpu.memory_space<vmem>> -> memref<1x128xi32, #tpu.memory_space<vmem>>
        %dma_start3A_670 = tpu.memref_squeeze %dma_start3A_669 : memref<1x128xi32, #tpu.memory_space<vmem>> -> memref<128xi32, #tpu.memory_space<vmem>>
        %dma_start3A_671 = arith.constant 0 : i32
        %dma_start3A_672 = arith.constant 0 : i32
        %dma_start3A_673 = tpu.memref_slice %arg2[%dma_start3A_671, %dma_start3A_672] : memref<1000000x64xf32, #tpu.memory_space<hbm>> -> memref<1000000x64xf32, #tpu.memory_space<hbm>>
        %dma_start3A_674 = tpu.memref_slice %arg7[%dma_start3A_663] : memref<8x!tpu.dma_semaphore, #tpu.memory_space<semaphore_mem>> -> memref<1x!tpu.dma_semaphore, #tpu.memory_space<semaphore_mem>>
        %dma_start3A_675 = tpu.memref_squeeze %dma_start3A_674 : memref<1x!tpu.dma_semaphore, #tpu.memory_space<semaphore_mem>> -> memref<!tpu.dma_semaphore, #tpu.memory_space<semaphore_mem>>
        tpu.enqueue_indirect_dma source(%dma_start3A_673 : memref<1000000x64xf32, #tpu.memory_space<hbm>>) target(%dma_start3A_667 : memref<128x64xf32, #tpu.memory_space<vmem>>) offsets(%dma_start3A_670 : memref<128xi32, #tpu.memory_space<vmem>>) semaphore(%dma_start3A_675 : memref<!tpu.dma_semaphore, #tpu.memory_space<semaphore_mem>>)
      } else {
      }
    }
    %dma_wait3A = arith.constant 0 : i32
    %dma_wait3A_143 = arith.constant 0 : i32
    %dma_wait3A_144 = arith.constant 0 : i32
    %dma_wait3A_145 = arith.constant 0 : i32
    %dma_wait3A_146 = arith.constant 0 : i32
    %dma_wait3A_147 = tpu.memref_slice %arg6[%dma_wait3A, %dma_wait3A_145, %dma_wait3A_146] : memref<8x128x64xf32, #tpu.memory_space<vmem>> -> memref<1x128x64xf32, #tpu.memory_space<vmem>>
    %dma_wait3A_148 = tpu.memref_squeeze %dma_wait3A_147 : memref<1x128x64xf32, #tpu.memory_space<vmem>> -> memref<128x64xf32, #tpu.memory_space<vmem>>
    %dma_wait3A_149 = arith.constant 0 : i32
    %dma_wait3A_150 = arith.constant 0 : i32
    %dma_wait3A_151 = tpu.memref_slice %arg4[%dma_wait3A_143, %dma_wait3A_149, %dma_wait3A_150] : memref<200x1024x64xf32, #tpu.memory_space<hbm>> -> memref<1x128x64xf32, #tpu.memory_space<hbm>>
    %dma_wait3A_152 = tpu.memref_squeeze %dma_wait3A_151 : memref<1x128x64xf32, #tpu.memory_space<hbm>> -> memref<128x64xf32, #tpu.memory_space<hbm>>
    %dma_wait3A_153 = tpu.memref_slice %arg8[%dma_wait3A_144] : memref<8x!tpu.dma_semaphore, #tpu.memory_space<semaphore_mem>> -> memref<1x!tpu.dma_semaphore, #tpu.memory_space<semaphore_mem>>
    %dma_wait3A_154 = tpu.memref_squeeze %dma_wait3A_153 : memref<1x!tpu.dma_semaphore, #tpu.memory_space<semaphore_mem>> -> memref<!tpu.dma_semaphore, #tpu.memory_space<semaphore_mem>>
    %dma_wait3A_155 = arith.constant 0 : i32
    %dma_wait3A_156 = arith.constant 0 : i32
    %dma_wait3A_157 = tpu.memref_slice %arg4[%dma_wait3A_143, %dma_wait3A_155, %dma_wait3A_156] : memref<200x1024x64xf32, #tpu.memory_space<hbm>> -> memref<1x128x64xf32, #tpu.memory_space<hbm>>
    %dma_wait3A_158 = tpu.memref_squeeze %dma_wait3A_157 : memref<1x128x64xf32, #tpu.memory_space<hbm>> -> memref<128x64xf32, #tpu.memory_space<hbm>>
    %dma_wait3A_159 = arith.constant 0 : i32
    %dma_wait3A_160 = arith.constant 0 : i32
    %dma_wait3A_161 = tpu.memref_slice %arg6[%dma_wait3A, %dma_wait3A_159, %dma_wait3A_160] : memref<8x128x64xf32, #tpu.memory_space<vmem>> -> memref<1x128x64xf32, #tpu.memory_space<vmem>>
    %dma_wait3A_162 = tpu.memref_squeeze %dma_wait3A_161 : memref<1x128x64xf32, #tpu.memory_space<vmem>> -> memref<128x64xf32, #tpu.memory_space<vmem>>
    tpu.wait_dma2 semaphore(%dma_wait3A_154 : memref<!tpu.dma_semaphore, #tpu.memory_space<semaphore_mem>>) src(%dma_wait3A_162 : memref<128x64xf32, #tpu.memory_space<vmem>>) dst(%dma_wait3A_158 : memref<128x64xf32, #tpu.memory_space<hbm>>)
    %dma_wait3A_163 = arith.constant 1 : i32
    %dma_wait3A_164 = arith.constant 0 : i32
    %dma_wait3A_165 = arith.constant 1 : i32
    %dma_wait3A_166 = arith.constant 0 : i32
    %dma_wait3A_167 = arith.constant 0 : i32
    %dma_wait3A_168 = tpu.memref_slice %arg6[%dma_wait3A_163, %dma_wait3A_166, %dma_wait3A_167] : memref<8x128x64xf32, #tpu.memory_space<vmem>> -> memref<1x128x64xf32, #tpu.memory_space<vmem>>
    %dma_wait3A_169 = tpu.memref_squeeze %dma_wait3A_168 : memref<1x128x64xf32, #tpu.memory_space<vmem>> -> memref<128x64xf32, #tpu.memory_space<vmem>>
    %dma_wait3A_170 = arith.constant 0 : i32
    %dma_wait3A_171 = arith.constant 0 : i32
    %dma_wait3A_172 = tpu.memref_slice %arg4[%dma_wait3A_164, %dma_wait3A_170, %dma_wait3A_171] : memref<200x1024x64xf32, #tpu.memory_space<hbm>> -> memref<1x128x64xf32, #tpu.memory_space<hbm>>
    %dma_wait3A_173 = tpu.memref_squeeze %dma_wait3A_172 : memref<1x128x64xf32, #tpu.memory_space<hbm>> -> memref<128x64xf32, #tpu.memory_space<hbm>>
    %dma_wait3A_174 = tpu.memref_slice %arg8[%dma_wait3A_165] : memref<8x!tpu.dma_semaphore, #tpu.memory_space<semaphore_mem>> -> memref<1x!tpu.dma_semaphore, #tpu.memory_space<semaphore_mem>>
    %dma_wait3A_175 = tpu.memref_squeeze %dma_wait3A_174 : memref<1x!tpu.dma_semaphore, #tpu.memory_space<semaphore_mem>> -> memref<!tpu.dma_semaphore, #tpu.memory_space<semaphore_mem>>
    %dma_wait3A_176 = arith.constant 0 : i32
    %dma_wait3A_177 = arith.constant 0 : i32
    %dma_wait3A_178 = tpu.memref_slice %arg4[%dma_wait3A_164, %dma_wait3A_176, %dma_wait3A_177] : memref<200x1024x64xf32, #tpu.memory_space<hbm>> -> memref<1x128x64xf32, #tpu.memory_space<hbm>>
    %dma_wait3A_179 = tpu.memref_squeeze %dma_wait3A_178 : memref<1x128x64xf32, #tpu.memory_space<hbm>> -> memref<128x64xf32, #tpu.memory_space<hbm>>
    %dma_wait3A_180 = arith.constant 0 : i32
    %dma_wait3A_181 = arith.constant 0 : i32
    %dma_wait3A_182 = tpu.memref_slice %arg6[%dma_wait3A_163, %dma_wait3A_180, %dma_wait3A_181] : memref<8x128x64xf32, #tpu.memory_space<vmem>> -> memref<1x128x64xf32, #tpu.memory_space<vmem>>
    %dma_wait3A_183 = tpu.memref_squeeze %dma_wait3A_182 : memref<1x128x64xf32, #tpu.memory_space<vmem>> -> memref<128x64xf32, #tpu.memory_space<vmem>>
    tpu.wait_dma2 semaphore(%dma_wait3A_175 : memref<!tpu.dma_semaphore, #tpu.memory_space<semaphore_mem>>) src(%dma_wait3A_183 : memref<128x64xf32, #tpu.memory_space<vmem>>) dst(%dma_wait3A_179 : memref<128x64xf32, #tpu.memory_space<hbm>>)
    %dma_wait3A_184 = arith.constant 2 : i32
    %dma_wait3A_185 = arith.constant 0 : i32
    %dma_wait3A_186 = arith.constant 2 : i32
    %dma_wait3A_187 = arith.constant 0 : i32
    %dma_wait3A_188 = arith.constant 0 : i32
    %dma_wait3A_189 = tpu.memref_slice %arg6[%dma_wait3A_184, %dma_wait3A_187, %dma_wait3A_188] : memref<8x128x64xf32, #tpu.memory_space<vmem>> -> memref<1x128x64xf32, #tpu.memory_space<vmem>>
    %dma_wait3A_190 = tpu.memref_squeeze %dma_wait3A_189 : memref<1x128x64xf32, #tpu.memory_space<vmem>> -> memref<128x64xf32, #tpu.memory_space<vmem>>
    %dma_wait3A_191 = arith.constant 0 : i32
    %dma_wait3A_192 = arith.constant 0 : i32
    %dma_wait3A_193 = tpu.memref_slice %arg4[%dma_wait3A_185, %dma_wait3A_191, %dma_wait3A_192] : memref<200x1024x64xf32, #tpu.memory_space<hbm>> -> memref<1x128x64xf32, #tpu.memory_space<hbm>>
    %dma_wait3A_194 = tpu.memref_squeeze %dma_wait3A_193 : memref<1x128x64xf32, #tpu.memory_space<hbm>> -> memref<128x64xf32, #tpu.memory_space<hbm>>
    %dma_wait3A_195 = tpu.memref_slice %arg8[%dma_wait3A_186] : memref<8x!tpu.dma_semaphore, #tpu.memory_space<semaphore_mem>> -> memref<1x!tpu.dma_semaphore, #tpu.memory_space<semaphore_mem>>
    %dma_wait3A_196 = tpu.memref_squeeze %dma_wait3A_195 : memref<1x!tpu.dma_semaphore, #tpu.memory_space<semaphore_mem>> -> memref<!tpu.dma_semaphore, #tpu.memory_space<semaphore_mem>>
    %dma_wait3A_197 = arith.constant 0 : i32
    %dma_wait3A_198 = arith.constant 0 : i32
    %dma_wait3A_199 = tpu.memref_slice %arg4[%dma_wait3A_185, %dma_wait3A_197, %dma_wait3A_198] : memref<200x1024x64xf32, #tpu.memory_space<hbm>> -> memref<1x128x64xf32, #tpu.memory_space<hbm>>
    %dma_wait3A_200 = tpu.memref_squeeze %dma_wait3A_199 : memref<1x128x64xf32, #tpu.memory_space<hbm>> -> memref<128x64xf32, #tpu.memory_space<hbm>>
    %dma_wait3A_201 = arith.constant 0 : i32
    %dma_wait3A_202 = arith.constant 0 : i32
    %dma_wait3A_203 = tpu.memref_slice %arg6[%dma_wait3A_184, %dma_wait3A_201, %dma_wait3A_202] : memref<8x128x64xf32, #tpu.memory_space<vmem>> -> memref<1x128x64xf32, #tpu.memory_space<vmem>>
    %dma_wait3A_204 = tpu.memref_squeeze %dma_wait3A_203 : memref<1x128x64xf32, #tpu.memory_space<vmem>> -> memref<128x64xf32, #tpu.memory_space<vmem>>
    tpu.wait_dma2 semaphore(%dma_wait3A_196 : memref<!tpu.dma_semaphore, #tpu.memory_space<semaphore_mem>>) src(%dma_wait3A_204 : memref<128x64xf32, #tpu.memory_space<vmem>>) dst(%dma_wait3A_200 : memref<128x64xf32, #tpu.memory_space<hbm>>)
    %dma_wait3A_205 = arith.constant 3 : i32
    %dma_wait3A_206 = arith.constant 0 : i32
    %dma_wait3A_207 = arith.constant 3 : i32
    %dma_wait3A_208 = arith.constant 0 : i32
    %dma_wait3A_209 = arith.constant 0 : i32
    %dma_wait3A_210 = tpu.memref_slice %arg6[%dma_wait3A_205, %dma_wait3A_208, %dma_wait3A_209] : memref<8x128x64xf32, #tpu.memory_space<vmem>> -> memref<1x128x64xf32, #tpu.memory_space<vmem>>
    %dma_wait3A_211 = tpu.memref_squeeze %dma_wait3A_210 : memref<1x128x64xf32, #tpu.memory_space<vmem>> -> memref<128x64xf32, #tpu.memory_space<vmem>>
    %dma_wait3A_212 = arith.constant 0 : i32
    %dma_wait3A_213 = arith.constant 0 : i32
    %dma_wait3A_214 = tpu.memref_slice %arg4[%dma_wait3A_206, %dma_wait3A_212, %dma_wait3A_213] : memref<200x1024x64xf32, #tpu.memory_space<hbm>> -> memref<1x128x64xf32, #tpu.memory_space<hbm>>
    %dma_wait3A_215 = tpu.memref_squeeze %dma_wait3A_214 : memref<1x128x64xf32, #tpu.memory_space<hbm>> -> memref<128x64xf32, #tpu.memory_space<hbm>>
    %dma_wait3A_216 = tpu.memref_slice %arg8[%dma_wait3A_207] : memref<8x!tpu.dma_semaphore, #tpu.memory_space<semaphore_mem>> -> memref<1x!tpu.dma_semaphore, #tpu.memory_space<semaphore_mem>>
    %dma_wait3A_217 = tpu.memref_squeeze %dma_wait3A_216 : memref<1x!tpu.dma_semaphore, #tpu.memory_space<semaphore_mem>> -> memref<!tpu.dma_semaphore, #tpu.memory_space<semaphore_mem>>
    %dma_wait3A_218 = arith.constant 0 : i32
    %dma_wait3A_219 = arith.constant 0 : i32
    %dma_wait3A_220 = tpu.memref_slice %arg4[%dma_wait3A_206, %dma_wait3A_218, %dma_wait3A_219] : memref<200x1024x64xf32, #tpu.memory_space<hbm>> -> memref<1x128x64xf32, #tpu.memory_space<hbm>>
    %dma_wait3A_221 = tpu.memref_squeeze %dma_wait3A_220 : memref<1x128x64xf32, #tpu.memory_space<hbm>> -> memref<128x64xf32, #tpu.memory_space<hbm>>
    %dma_wait3A_222 = arith.constant 0 : i32
    %dma_wait3A_223 = arith.constant 0 : i32
    %dma_wait3A_224 = tpu.memref_slice %arg6[%dma_wait3A_205, %dma_wait3A_222, %dma_wait3A_223] : memref<8x128x64xf32, #tpu.memory_space<vmem>> -> memref<1x128x64xf32, #tpu.memory_space<vmem>>
    %dma_wait3A_225 = tpu.memref_squeeze %dma_wait3A_224 : memref<1x128x64xf32, #tpu.memory_space<vmem>> -> memref<128x64xf32, #tpu.memory_space<vmem>>
    tpu.wait_dma2 semaphore(%dma_wait3A_217 : memref<!tpu.dma_semaphore, #tpu.memory_space<semaphore_mem>>) src(%dma_wait3A_225 : memref<128x64xf32, #tpu.memory_space<vmem>>) dst(%dma_wait3A_221 : memref<128x64xf32, #tpu.memory_space<hbm>>)
    %dma_wait3A_226 = arith.constant 4 : i32
    %dma_wait3A_227 = arith.constant 0 : i32
    %dma_wait3A_228 = arith.constant 4 : i32
    %dma_wait3A_229 = arith.constant 0 : i32
    %dma_wait3A_230 = arith.constant 0 : i32
    %dma_wait3A_231 = tpu.memref_slice %arg6[%dma_wait3A_226, %dma_wait3A_229, %dma_wait3A_230] : memref<8x128x64xf32, #tpu.memory_space<vmem>> -> memref<1x128x64xf32, #tpu.memory_space<vmem>>
    %dma_wait3A_232 = tpu.memref_squeeze %dma_wait3A_231 : memref<1x128x64xf32, #tpu.memory_space<vmem>> -> memref<128x64xf32, #tpu.memory_space<vmem>>
    %dma_wait3A_233 = arith.constant 0 : i32
    %dma_wait3A_234 = arith.constant 0 : i32
    %dma_wait3A_235 = tpu.memref_slice %arg4[%dma_wait3A_227, %dma_wait3A_233, %dma_wait3A_234] : memref<200x1024x64xf32, #tpu.memory_space<hbm>> -> memref<1x128x64xf32, #tpu.memory_space<hbm>>
    %dma_wait3A_236 = tpu.memref_squeeze %dma_wait3A_235 : memref<1x128x64xf32, #tpu.memory_space<hbm>> -> memref<128x64xf32, #tpu.memory_space<hbm>>
    %dma_wait3A_237 = tpu.memref_slice %arg8[%dma_wait3A_228] : memref<8x!tpu.dma_semaphore, #tpu.memory_space<semaphore_mem>> -> memref<1x!tpu.dma_semaphore, #tpu.memory_space<semaphore_mem>>
    %dma_wait3A_238 = tpu.memref_squeeze %dma_wait3A_237 : memref<1x!tpu.dma_semaphore, #tpu.memory_space<semaphore_mem>> -> memref<!tpu.dma_semaphore, #tpu.memory_space<semaphore_mem>>
    %dma_wait3A_239 = arith.constant 0 : i32
    %dma_wait3A_240 = arith.constant 0 : i32
    %dma_wait3A_241 = tpu.memref_slice %arg4[%dma_wait3A_227, %dma_wait3A_239, %dma_wait3A_240] : memref<200x1024x64xf32, #tpu.memory_space<hbm>> -> memref<1x128x64xf32, #tpu.memory_space<hbm>>
    %dma_wait3A_242 = tpu.memref_squeeze %dma_wait3A_241 : memref<1x128x64xf32, #tpu.memory_space<hbm>> -> memref<128x64xf32, #tpu.memory_space<hbm>>
    %dma_wait3A_243 = arith.constant 0 : i32
    %dma_wait3A_244 = arith.constant 0 : i32
    %dma_wait3A_245 = tpu.memref_slice %arg6[%dma_wait3A_226, %dma_wait3A_243, %dma_wait3A_244] : memref<8x128x64xf32, #tpu.memory_space<vmem>> -> memref<1x128x64xf32, #tpu.memory_space<vmem>>
    %dma_wait3A_246 = tpu.memref_squeeze %dma_wait3A_245 : memref<1x128x64xf32, #tpu.memory_space<vmem>> -> memref<128x64xf32, #tpu.memory_space<vmem>>
    tpu.wait_dma2 semaphore(%dma_wait3A_238 : memref<!tpu.dma_semaphore, #tpu.memory_space<semaphore_mem>>) src(%dma_wait3A_246 : memref<128x64xf32, #tpu.memory_space<vmem>>) dst(%dma_wait3A_242 : memref<128x64xf32, #tpu.memory_space<hbm>>)
    %dma_wait3A_247 = arith.constant 5 : i32
    %dma_wait3A_248 = arith.constant 0 : i32
    %dma_wait3A_249 = arith.constant 5 : i32
    %dma_wait3A_250 = arith.constant 0 : i32
    %dma_wait3A_251 = arith.constant 0 : i32
    %dma_wait3A_252 = tpu.memref_slice %arg6[%dma_wait3A_247, %dma_wait3A_250, %dma_wait3A_251] : memref<8x128x64xf32, #tpu.memory_space<vmem>> -> memref<1x128x64xf32, #tpu.memory_space<vmem>>
    %dma_wait3A_253 = tpu.memref_squeeze %dma_wait3A_252 : memref<1x128x64xf32, #tpu.memory_space<vmem>> -> memref<128x64xf32, #tpu.memory_space<vmem>>
    %dma_wait3A_254 = arith.constant 0 : i32
    %dma_wait3A_255 = arith.constant 0 : i32
    %dma_wait3A_256 = tpu.memref_slice %arg4[%dma_wait3A_248, %dma_wait3A_254, %dma_wait3A_255] : memref<200x1024x64xf32, #tpu.memory_space<hbm>> -> memref<1x128x64xf32, #tpu.memory_space<hbm>>
    %dma_wait3A_257 = tpu.memref_squeeze %dma_wait3A_256 : memref<1x128x64xf32, #tpu.memory_space<hbm>> -> memref<128x64xf32, #tpu.memory_space<hbm>>
    %dma_wait3A_258 = tpu.memref_slice %arg8[%dma_wait3A_249] : memref<8x!tpu.dma_semaphore, #tpu.memory_space<semaphore_mem>> -> memref<1x!tpu.dma_semaphore, #tpu.memory_space<semaphore_mem>>
    %dma_wait3A_259 = tpu.memref_squeeze %dma_wait3A_258 : memref<1x!tpu.dma_semaphore, #tpu.memory_space<semaphore_mem>> -> memref<!tpu.dma_semaphore, #tpu.memory_space<semaphore_mem>>
    %dma_wait3A_260 = arith.constant 0 : i32
    %dma_wait3A_261 = arith.constant 0 : i32
    %dma_wait3A_262 = tpu.memref_slice %arg4[%dma_wait3A_248, %dma_wait3A_260, %dma_wait3A_261] : memref<200x1024x64xf32, #tpu.memory_space<hbm>> -> memref<1x128x64xf32, #tpu.memory_space<hbm>>
    %dma_wait3A_263 = tpu.memref_squeeze %dma_wait3A_262 : memref<1x128x64xf32, #tpu.memory_space<hbm>> -> memref<128x64xf32, #tpu.memory_space<hbm>>
    %dma_wait3A_264 = arith.constant 0 : i32
    %dma_wait3A_265 = arith.constant 0 : i32
    %dma_wait3A_266 = tpu.memref_slice %arg6[%dma_wait3A_247, %dma_wait3A_264, %dma_wait3A_265] : memref<8x128x64xf32, #tpu.memory_space<vmem>> -> memref<1x128x64xf32, #tpu.memory_space<vmem>>
    %dma_wait3A_267 = tpu.memref_squeeze %dma_wait3A_266 : memref<1x128x64xf32, #tpu.memory_space<vmem>> -> memref<128x64xf32, #tpu.memory_space<vmem>>
    tpu.wait_dma2 semaphore(%dma_wait3A_259 : memref<!tpu.dma_semaphore, #tpu.memory_space<semaphore_mem>>) src(%dma_wait3A_267 : memref<128x64xf32, #tpu.memory_space<vmem>>) dst(%dma_wait3A_263 : memref<128x64xf32, #tpu.memory_space<hbm>>)
    %dma_wait3A_268 = arith.constant 6 : i32
    %dma_wait3A_269 = arith.constant 0 : i32
    %dma_wait3A_270 = arith.constant 6 : i32
    %dma_wait3A_271 = arith.constant 0 : i32
    %dma_wait3A_272 = arith.constant 0 : i32
    %dma_wait3A_273 = tpu.memref_slice %arg6[%dma_wait3A_268, %dma_wait3A_271, %dma_wait3A_272] : memref<8x128x64xf32, #tpu.memory_space<vmem>> -> memref<1x128x64xf32, #tpu.memory_space<vmem>>
    %dma_wait3A_274 = tpu.memref_squeeze %dma_wait3A_273 : memref<1x128x64xf32, #tpu.memory_space<vmem>> -> memref<128x64xf32, #tpu.memory_space<vmem>>
    %dma_wait3A_275 = arith.constant 0 : i32
    %dma_wait3A_276 = arith.constant 0 : i32
    %dma_wait3A_277 = tpu.memref_slice %arg4[%dma_wait3A_269, %dma_wait3A_275, %dma_wait3A_276] : memref<200x1024x64xf32, #tpu.memory_space<hbm>> -> memref<1x128x64xf32, #tpu.memory_space<hbm>>
    %dma_wait3A_278 = tpu.memref_squeeze %dma_wait3A_277 : memref<1x128x64xf32, #tpu.memory_space<hbm>> -> memref<128x64xf32, #tpu.memory_space<hbm>>
    %dma_wait3A_279 = tpu.memref_slice %arg8[%dma_wait3A_270] : memref<8x!tpu.dma_semaphore, #tpu.memory_space<semaphore_mem>> -> memref<1x!tpu.dma_semaphore, #tpu.memory_space<semaphore_mem>>
    %dma_wait3A_280 = tpu.memref_squeeze %dma_wait3A_279 : memref<1x!tpu.dma_semaphore, #tpu.memory_space<semaphore_mem>> -> memref<!tpu.dma_semaphore, #tpu.memory_space<semaphore_mem>>
    %dma_wait3A_281 = arith.constant 0 : i32
    %dma_wait3A_282 = arith.constant 0 : i32
    %dma_wait3A_283 = tpu.memref_slice %arg4[%dma_wait3A_269, %dma_wait3A_281, %dma_wait3A_282] : memref<200x1024x64xf32, #tpu.memory_space<hbm>> -> memref<1x128x64xf32, #tpu.memory_space<hbm>>
    %dma_wait3A_284 = tpu.memref_squeeze %dma_wait3A_283 : memref<1x128x64xf32, #tpu.memory_space<hbm>> -> memref<128x64xf32, #tpu.memory_space<hbm>>
    %dma_wait3A_285 = arith.constant 0 : i32
    %dma_wait3A_286 = arith.constant 0 : i32
    %dma_wait3A_287 = tpu.memref_slice %arg6[%dma_wait3A_268, %dma_wait3A_285, %dma_wait3A_286] : memref<8x128x64xf32, #tpu.memory_space<vmem>> -> memref<1x128x64xf32, #tpu.memory_space<vmem>>
    %dma_wait3A_288 = tpu.memref_squeeze %dma_wait3A_287 : memref<1x128x64xf32, #tpu.memory_space<vmem>> -> memref<128x64xf32, #tpu.memory_space<vmem>>
    tpu.wait_dma2 semaphore(%dma_wait3A_280 : memref<!tpu.dma_semaphore, #tpu.memory_space<semaphore_mem>>) src(%dma_wait3A_288 : memref<128x64xf32, #tpu.memory_space<vmem>>) dst(%dma_wait3A_284 : memref<128x64xf32, #tpu.memory_space<hbm>>)
    %dma_wait3A_289 = arith.constant 7 : i32
    %dma_wait3A_290 = arith.constant 0 : i32
    %dma_wait3A_291 = arith.constant 7 : i32
    %dma_wait3A_292 = arith.constant 0 : i32
    %dma_wait3A_293 = arith.constant 0 : i32
    %dma_wait3A_294 = tpu.memref_slice %arg6[%dma_wait3A_289, %dma_wait3A_292, %dma_wait3A_293] : memref<8x128x64xf32, #tpu.memory_space<vmem>> -> memref<1x128x64xf32, #tpu.memory_space<vmem>>
    %dma_wait3A_295 = tpu.memref_squeeze %dma_wait3A_294 : memref<1x128x64xf32, #tpu.memory_space<vmem>> -> memref<128x64xf32, #tpu.memory_space<vmem>>
    %dma_wait3A_296 = arith.constant 0 : i32
    %dma_wait3A_297 = arith.constant 0 : i32
    %dma_wait3A_298 = tpu.memref_slice %arg4[%dma_wait3A_290, %dma_wait3A_296, %dma_wait3A_297] : memref<200x1024x64xf32, #tpu.memory_space<hbm>> -> memref<1x128x64xf32, #tpu.memory_space<hbm>>
    %dma_wait3A_299 = tpu.memref_squeeze %dma_wait3A_298 : memref<1x128x64xf32, #tpu.memory_space<hbm>> -> memref<128x64xf32, #tpu.memory_space<hbm>>
    %dma_wait3A_300 = tpu.memref_slice %arg8[%dma_wait3A_291] : memref<8x!tpu.dma_semaphore, #tpu.memory_space<semaphore_mem>> -> memref<1x!tpu.dma_semaphore, #tpu.memory_space<semaphore_mem>>
    %dma_wait3A_301 = tpu.memref_squeeze %dma_wait3A_300 : memref<1x!tpu.dma_semaphore, #tpu.memory_space<semaphore_mem>> -> memref<!tpu.dma_semaphore, #tpu.memory_space<semaphore_mem>>
    %dma_wait3A_302 = arith.constant 0 : i32
    %dma_wait3A_303 = arith.constant 0 : i32
    %dma_wait3A_304 = tpu.memref_slice %arg4[%dma_wait3A_290, %dma_wait3A_302, %dma_wait3A_303] : memref<200x1024x64xf32, #tpu.memory_space<hbm>> -> memref<1x128x64xf32, #tpu.memory_space<hbm>>
    %dma_wait3A_305 = tpu.memref_squeeze %dma_wait3A_304 : memref<1x128x64xf32, #tpu.memory_space<hbm>> -> memref<128x64xf32, #tpu.memory_space<hbm>>
    %dma_wait3A_306 = arith.constant 0 : i32
    %dma_wait3A_307 = arith.constant 0 : i32
    %dma_wait3A_308 = tpu.memref_slice %arg6[%dma_wait3A_289, %dma_wait3A_306, %dma_wait3A_307] : memref<8x128x64xf32, #tpu.memory_space<vmem>> -> memref<1x128x64xf32, #tpu.memory_space<vmem>>
    %dma_wait3A_309 = tpu.memref_squeeze %dma_wait3A_308 : memref<1x128x64xf32, #tpu.memory_space<vmem>> -> memref<128x64xf32, #tpu.memory_space<vmem>>
    tpu.wait_dma2 semaphore(%dma_wait3A_301 : memref<!tpu.dma_semaphore, #tpu.memory_space<semaphore_mem>>) src(%dma_wait3A_309 : memref<128x64xf32, #tpu.memory_space<vmem>>) dst(%dma_wait3A_305 : memref<128x64xf32, #tpu.memory_space<hbm>>)
    return
  }
}

</mosaic_0001>

<sc_bundles>
// kernel: kernel.3.cloned.1.call-start
scs
__scs_entry_jumppad:
0x0: {  	(pc) =	sbr.rel $0x88, $3  }
0x1: {  	(tag) =	ssettag $0x0;
	lr =	simm.s32 $0x1  }
0x2: {  	[smem:$0x3F9F] =	sst lr;
	_ =	strace $0xD0000000  }
0x3: {  	_ = 	snop  }
0x4: {  	_ = 	snop  }
0x5: {  	_ = 	snop  }
0x6: {  	_ = 	snop  }
0x7: {  	_ = 	snop  }
__scs_overlays_trampoline_lowered:
0x8: {  	[smem:$0x3FAE] =	sst s0  }
0x9: {  	[smem:$0x3FAF] =	sst s1  }
0xa: {  	[smem:$0x3FB0] =	sst s2  }
0xb: {  	[smem:$0x3FB1] =	sst s3  }
0xc: {  	[smem:$0x3FB2] =	sst s4  }
0xd: {  	[smem:$0x3FB3] =	sst s5  }
0xe: {  	[smem:$0x3FB4] =	sst s6  }
0xf: {  	[smem:$0x3FB5] =	sst s7  }
0x10: {  	[smem:$0x3FB6] =	sst s8  }
0x11: {  	[smem:$0x3FB7] =	sst s9;
	s0 =	simm.s32 @!p0 $0x0  }
0x12: {  	s1 =	sld [smem:$0x3F9D];
	s0 =	simm.s32 @p0 $0x1  }
0x13: {  	[smem:$0x3FB8] =	sst s0;
	s0 =	simm.s32 @!p1 $0x0  }
0x14: {  	s2 =	sld [smem:$0x3F9C];
	s0 =	simm.s32 @p1 $0x1  }
0x15: {  	[smem:$0x3FB9] =	sst s0;
	s0 =	simm.s32 @!p2 $0x0  }
0x16: {  	s3 =	sld [smem:$0x3FDB];
	s0 =	simm.s32 @p2 $0x1  }
0x17: {  	s4 =	simm.s32 $0x1BF5;
	[smem:$0x3FBB] =	sst s0  }
0x18: {  	s0 =	sld [smem:$0x3F9E];
	_ =	swait.ge [sflag:s4], $0x0  }
0x19: {  	s7 =	sld [smem:$0x3F9F]  }
0x1a: {  	s8 =	sadd.s32 $0xFFFFE003, lr  }
0x1b: {  	s9 =	sadd.s32 $0xFFFFFEF7, lr;
	s5 =	simm.s32 $0xFFFFFFFF;
	p2 =	slt.u32 s8, $0xFFFFF086  }
0x1c: {  	p1 =	slt.u32 s9, $0xF7A;
	s5 =	simm.s32 @!p2 $0x0  }
0x1d: {  	s5 =	simm.s32 @p1 $0x1;
	p0 =	seq.s32 s7, s2  }
0x1e: {  	s7 =	smul.u32 @!p0 $0xF7A, s2;
	p2 =	seq.s32 @!p0 s5, $0x0  }
0x1f: {  	s9 =	smul.u32 $0xF7A, s1;
	s8 =	simm.s32 @!p0 $0x1BF5;
	p2 =	por !p2, p0  }
0x20: {  	[sflag:s8] =	ssyncset.s32 @!p0 $0xFFFFF086;
	s6 =	sadd.s32 @!p0 s3, s7;
	s7 =	simm.s32 @!p0 $0x108  }
0x21: {  	s3 =	sadd.s32 s3, s9;
	s6 =	sadd.s32 @!p0 $0x88, s6;
	s7 =	simm.s32 @p2 $0x1082  }
0x22: {  	[simem:s7], [sflag:s8] =	dma.local @!p0 [hbm:s6], $0xF7A  }
0x23: {  	s9 =	sor.u32 $0xD0000000, s2;
	s6 =	simm.s32 $0x108;
	_ =	swait.ge @!p0 [sflag:s8], $0x0  }
0x24: {  	s3 =	sadd.s32 $0x88, s3;
	s6 =	simm.s32 @!p1 $0x1082;
	[sflag:s4] =	ssyncset.s32 $0xFFFFF086  }
0x25: {  	[simem:s6], [sflag:s4] =	dma.local [hbm:s3], $0xF7A  }
0x26: {  	[smem:$0x3F9F] =	sst s1;
	(tag) =	ssettag s2;
	_ =	strace s9  }
0x27: {  	s1 =	sld [smem:$0x3FAF]  }
0x28: {  	s2 =	sld [smem:$0x3FB0]  }
0x29: {  	s4 =	sld [smem:$0x3FB2]  }
0x2a: {  	p0 =	seq.s32 s5, $0x0;
	s5 =	sld [smem:$0x3FB3]  }
0x2b: {  	s6 =	sld [smem:$0x3FB4]  }
0x2c: {  	s7 =	sld [smem:$0x3FB5]  }
0x2d: {  	s3 =	simm.s32 $0x108;
	s8 =	sld [smem:$0x3FB6]  }
0x2e: {  	s3 =	simm.s32 @!p0 $0x1082;
	s9 =	sld [smem:$0x3FB7]  }
0x2f: {  	lr =	sadd.s32 s0, s3;
	s0 =	sld [smem:$0x3FAE]  }
0x30: {  	s3 =	sld [smem:$0x3FB1]  }
0x31: {  	[smem:$0x3FBA] =	sst s10  }
0x32: {  	s10 =	sld [smem:$0x3FB8];
	_ =	sdelay $0x3  }
0x33: {  	p0 =	seq.s32 s10, $0x1;
	s10 =	sld [smem:$0x3FBA];
	_ =	sdelay $0x3  }
0x34: {  	[smem:$0x3FBA] =	sst s10  }
0x35: {  	s10 =	sld [smem:$0x3FB9];
	_ =	sdelay $0x3  }
0x36: {  	p1 =	seq.s32 s10, $0x1;
	s10 =	sld [smem:$0x3FBA];
	_ =	sdelay $0x3  }
0x37: {  	[smem:$0x3FBA] =	sst s10  }
0x38: {  	s10 =	sld [smem:$0x3FBB]  }
0x39: {  	_ = 	snop;
	(pc) =	sbr.ind lr, $3  }
0x3a: {  	_ = 	snop  }
0x3b: {  	_ = 	snop  }
0x3c: {  	p2 =	seq.s32 s10, $0x1;
	s10 =	sld [smem:$0x3FBA]  }
0x3d: {  	_ =	shalt  }
0x3e: {  	_ =	shalt  }
0x3f: {  	_ =	shalt  }
0x40: {  	_ =	shalt  }
0x41: {  	_ =	shalt  }
0x42: {  	_ =	shalt  }
0x43: {  	_ =	shalt  }
0x44: {  	_ =	shalt  }
0x45: {  	_ =	shalt  }
0x46: {  	_ =	shalt  }
0x47: {  	_ =	shalt  }
0x48: {  	_ =	shalt  }
0x49: {  	_ =	shalt  }
0x4a: {  	_ =	shalt  }
0x4b: {  	_ =	shalt  }
0x4c: {  	_ =	shalt  }
0x4d: {  	_ =	shalt  }
0x4e: {  	_ =	shalt  }
0x4f: {  	_ =	shalt  }
0x50: {  	_ =	shalt  }
0x51: {  	_ =	shalt  }
0x52: {  	_ =	shalt  }
0x53: {  	_ =	shalt  }
0x54: {  	_ =	shalt  }
0x55: {  	_ =	shalt  }
0x56: {  	_ =	shalt  }
0x57: {  	_ =	shalt  }
0x58: {  	_ =	shalt  }
0x59: {  	_ =	shalt  }
0x5a: {  	_ =	shalt  }
0x5b: {  	_ =	shalt  }
0x5c: {  	_ =	shalt  }
0x5d: {  	_ =	shalt  }
0x5e: {  	_ =	shalt  }
0x5f: {  	_ =	shalt  }
0x60: {  	_ =	shalt  }
0x61: {  	_ =	shalt  }
0x62: {  	_ =	shalt  }
0x63: {  	_ =	shalt  }
0x64: {  	_ =	shalt  }
0x65: {  	_ =	shalt  }
0x66: {  	_ =	shalt  }
0x67: {  	_ =	shalt  }
0x68: {  	_ =	shalt  }
0x69: {  	_ =	shalt  }
0x6a: {  	_ =	shalt  }
0x6b: {  	_ =	shalt  }
0x6c: {  	_ =	shalt  }
0x6d: {  	_ =	shalt  }
0x6e: {  	_ =	shalt  }
0x6f: {  	_ =	shalt  }
0x70: {  	_ =	shalt  }
0x71: {  	_ =	shalt  }
0x72: {  	_ =	shalt  }
0x73: {  	_ =	shalt  }
0x74: {  	_ =	shalt  }
0x75: {  	_ =	shalt  }
0x76: {  	_ =	shalt  }
0x77: {  	_ =	shalt  }
0x78: {  	_ =	shalt  }
0x79: {  	_ =	shalt  }
0x7a: {  	_ =	shalt  }
0x7b: {  	_ =	shalt  }
0x7c: {  	_ =	shalt  }
0x7d: {  	_ =	shalt  }
0x7e: {  	_ =	shalt  }
0x7f: {  	_ =	shalt  }
0x80: {  	_ =	shalt  }
0x81: {  	_ =	shalt  }
0x82: {  	_ =	shalt  }
0x83: {  	_ =	shalt  }
0x84: {  	_ =	shalt  }
0x85: {  	_ =	shalt  }
0x86: {  	_ =	shalt  }
0x87: {  	_ =	shalt  }
.Lfunc_end0:
.L_simem_size_0:
called_computation.1_lowered:
.L_overlay_start_0:
0x88: {  	s2 =	sld [smem:$0x3FD9]  }
0x89: {  	s3 =	sld [smem:$0x3FFE];
	_ =	sdelay $0x1  }
0x8a: {  	s1 =	srdreg.scid  }
0x8b: {  	s0 =	sand.u32 $0x1, s1  }
0x8c: {  	s17 =	sshll.u32 s0, $0xA;
	s2 =	sadd.s32 s3, s2  }
0x8d: {  	s2 =	sadd.s32 s2, s17  }
0x8e: {  	[smem:$0x3FC6] =	sst s2  }
0x8f: {  	_ = 	snop  }
0x90: {  	s2 =	sld [smem:$0x3FD0];
	(tm) =	ssettm $0x1  }
0x91: {  	s18 =	sld [smem:$0x3FFB];
	_ =	sdelay $0x3  }
0x92: {  	_ =	strace s18  }
0x93: {  	s3 =	sld [smem:$0x3FFC];
	_ =	sdelay $0x3  }
0x94: {  	_ =	strace s3  }
0x95: {  	s3 =	sld [smem:$0x3FFD];
	_ =	sdelay $0x3  }
0x96: {  	_ =	strace s3  }
0x97: {  	_ =	strace $0x8FFFFFFF  }
0x98: {  	s19 =	sld [smem:$0x3FDB];
	_ =	sdelay $0x1  }
0x99: {  	s4 =	simm.s32 $_scs_section_size  }
0x9a: {  	s5 =	simm.s32 $_size__tile_overlayer_lowered;
	s6 =	simm.s32 $_tile_overlayer_lowered  }
0x9b: {  	s22 =	simm.s32 $0x1BFF;
	s21 =	sshll.u32 s6, $0x1;
	s3 =	sadd.s32 s4, s19  }
0x9c: {  	s7 =	simm.s32 $0x0;
	s20 =	sshll.u32 s5, $0x1;
	s5 =	sadd.s32 s21, s3  }
0x9d: {  	[timem:s7], [sflag:s22] =	dma.local [hbm:s5], s20  }
0x9e: {  	_ =	swait.ge [sflag:s22], s20  }
0x9f: {  	s4 =	ssub.s32 $0x0, s20;
	[sflag:s22] =	ssyncset.done $0x0  }
0xa0: {  	[sflag:s22] =	ssyncadd.s32 s4;
	_ =	sdelay $0x1  }
0xa1: {  	s23 =	simm.s32 $0x1B8B  }
0xa2: {  	_ =	swait.ge [sflag:s23], $0x1  }
0xa3: {  	[sflag:s23] =	ssyncset.done $0x0  }
0xa4: {  	s25 =	simm.s32 $0x1B8E;
	s24 =	sld [smem:$0x3FFE];
	[sflag:s23] =	ssyncadd.s32 $0xFFFFFFFF  }
0xa5: {  	s26 =	simm.s32 $execute0_lowered;
	[smem:$0x3FD2] =	sst s25  }
0xa6: {  	s5 =	sshll.u32 s26, $0x1;
	_ =	strace $0x80000046;
	[dreg:$0x1] =	wrdreg $0xFFFFFFFF  }
0xa7: {  	s28 =	simm.s32 $_size_execute0_lowered;
	s3 =	sadd.s32 s3, s5;
	[dreg:$0x0] =	wrdreg $0x0  }
0xa8: {  	s5 =	sshll.u32 s28, $0x1;
	[dreg:$0x2] =	wrdreg s3  }
0xa9: {  	[dreg:$0x3] =	wrdreg s5  }
0xaa: {  	[dreg:$0x4] =	wrdreg $0xC0  }
0xab: {  	_ =	task [dreg:s7], $0x5FFFF  }
0xac: {  	[dreg:$0x1] =	wrdreg $0xFFFFFFFF  }
0xad: {  	[dreg:$0x0] =	wrdreg $0x60  }
0xae: {  	[dreg:$0x2] =	wrdreg s24  }
0xaf: {  	[dreg:$0x3] =	wrdreg s2  }
0xb0: {  	[dreg:$0x4] =	wrdreg $0x9  }
0xb1: {  	_ =	task.clear_ibuf [dreg:s7], $0x5FFFF;
	_ =	strace $0x90000046  }
0xb2: {  	s29 =	simm.s32 $0x9;
	_ =	strace $0x80000048  }
0xb3: {  	_ =	swait.ge [sflag:s29], $0x1  }
0xb4: {  	[sflag:s29] =	ssyncadd.s32 $0xFFFFFFFF  }
0xb5: {  	_ =	strace $0x90000048  }
0xb6: {  	_ =	sfence  }
0xb7: {  	s30 =	sld [smem:$0x0];
	_ =	sdelay $0x2  }
0xb8: {  	s31 =	sshll.u32 s1, $0xD;
	s1 =	sshrl.u32 s1, $0x2  }
0xb9: {  	s3 =	sand.u32 $0x4000, s31;
	s1 =	sadd.s32 s1, s30  }
0xba: {  	s0 =	sor.u32 s3, s0;
	s1 =	sshll.u32 s1, $0x11  }
0xbb: {  	s0 =	sor.u32 s1, s0  }
0xbc: {  	s0 =	sadd.s32 $0x8F2B, s0  }
0xbd: {  	[sflag:s0] =	ssyncadd.remote.s32 $0x1  }
0xbe: {  	_ =	sfence.sel $0xFFFF  }
0xbf: {  	[dreg:$0x0] =	wrdreg $0xFFFFFFFF;
	(pc) =	sbr.abs _section_cstart, $3  }
0xc0: {  	[dreg:$0x1] =	wrdreg $0xFFFFFFFF  }
0xc1: {  	_ =	task.clear_ibuf [dreg:s7], $0x2FFFF;
	_ =	strace $0x9FFFFFFF  }
0xc2: {  	(tm) =	ssettm $0x7FFFFFFF  }
0xc3: {  	_ =	shalt  }
tec
execute0_lowered:
.L_overlay_start_1:
0x0: {  	(tag) =	ssettag $0x1  }
0x1: {  	s0 =	rddreg [dreg:$0x0]  }
0x2: {  	s1 =	rddreg [dreg:$0x1]  }
0x3: {  	s3 =	srdreg.scid;
	s10 =	stileid.u32;
	s2 =	simm.s32 $0x0  }
0x4: {  	s11 =	simm.s32 $0x1C00;
	s14 =	simm.s32 $0x5C00;
	s18 =	simm.s32 $0x9C00  }
0x5: {  	s28 =	simm.s32 $0x5;
	s29 =	simm.s32 $0x9;
	s30 =	simm.s32 $0xA  }
0x6: {  	s31 =	simm.s32 $0xB;
	s12 =	simm.s32 $0xE;
	s13 =	simm.s32 $0xF  }
0x7: {  	s15 =	simm.s32 $0x10;
	s4 =	sand.u32 $0x1, s3;
	s21 =	sshll.u32 s10, $0x1  }
0x8: {  	s16 =	simm.s32 $0x0;
	[smem:$0x7FF] =	sst s2;
	s5 =	sor.u32 s4, s21  }
0x9: {  	s3 =	sadd.s32 $0xF42E00, s0;
	s0 =	sadd.s32 $0xA00, s0;
	s6 =	smul.u32 $0x6, s5  }
0xa: {  	p0 =	slt.u32 s10, $0x4;
	s4 =	ssub.s32 $0x2, s4;
	s7 =	smul.u32 $0x7, s5  }
0xb: {  	_ =	strace $0x80000047;
	s8 =	sshrl.u32 s4, $0x1;
	s5 =	smul.u32 $0x1C00, s5  }
0xc: {  	s8 =	ssub.s32 s4, s8;
	s4 =	simm.s32 $0x7;
	s9 =	sadd.s32 $0x8, s6  }
0xd: {  	s5 =	sshrl.u32 s5, $0x3;
	s25 =	smax.u32 s8, $0x1;
	s9 =	smov.u32 @p0 s7  }
0xe: {  	s7 =	simm.s32 $0x7;
	[dreg:$0x7] =	wrdreg s25;
	s25 =	simm.s32 $0x1  }
0xf: {  	s22 =	sshll.u32 s9, $0x7;
	s7 =	simm.s32 @!p0 $0x6;
	s26 =	sshll.u32 s9, $0xD  }
0x10: {  	p0 =	sgt.u32 s10, $0x3;
	s9 =	simm.s32 $0x11;
	s10 =	simm.s32 $0x80  }
0x11: {  	s6 =	sand.u32 $0x1FFFFF80, s22;
	s23 =	sadd.s32 $0xFFFFFFFF, s7;
	s24 =	sshll.u32 s7, $0xC  }
0x12: {  	s17 =	sadd.s32 s26, s1;
	s22 =	simm.s32 $0xDC00;
	[dreg:$0x3] =	wrdreg s23  }
0x13: {  	s6 =	sadd.s32 s0, s6;
	s0 =	sadd.s32 s0, s5;
	[dreg:$0x4] =	wrdreg s24  }
0x14: {  	s26 =	simm.s32 $0x3;
	[dreg:$0x5] =	wrdreg s6;
	s0 =	sadd.s32 $0x300, s0  }
0x15: {  	s1 =	simm.s32 $0xD;
	[dreg:$0x6] =	wrdreg s0;
	s0 =	simm.s32 $0xC  }
.LBB2_1:
0x16: {  	s5 =	rddreg [dreg:$0x5]  }
0x17: {  	[tilespmem:s2], [sflag:$0x11] =	stream.linear.gather [hbm4b:s5+s2], $0x1800, $0x38;
	[tilespmem:$0x11C00] =	vst v63  }
0x18: {  	_ =	swait.ge [sflag:s9], $0x1800  }
0x19: {  	s8 =	simm.s32 @!p0 $0x1800;
	[sflag:s9] =	ssyncset.done $0x0  }
0x1a: {  	s5 =	simm.s32 @!p0 $0x0;
	s6 =	rddreg [dreg:$0x6];
	[sflag:s9] =	ssyncadd.s32 $0xFFFFE800  }
0x1b: {  	[tilespmem:s8], [sflag:$0x11] =	stream.linear.gather @!p0 [hbm4b:s6+s5], $0x400, $0x38;
	[tilespmem:$0x11C00] =	vst v63  }
0x1c: {  	s5 =	simm.s32 @!p0 $0x11  }
0x1d: {  	_ =	swait.ge @!p0 [sflag:s5], $0x400  }
0x1e: {  	[sflag:s5] =	ssyncset.done @!p0 $0x0  }
0x1f: {  	[sflag:s5] =	ssyncadd.s32 @!p0 $0xFFFFFC00  }
0x20: {  	[tilespmem:s11], [sflag:$0x1] =	stream.indirect.gather [hbm4b:s3+s10], $0x40, s2, s10, $0xb8;
	[tilespmem:$0x11C00] =	vst v63  }
0x21: {  	s23 =	simm.s32 $0x3C00  }
0x22: {  	[tilespmem:s23], [sflag:$0x2] =	stream.indirect.gather [hbm4b:s3+s10], $0x40, s10, s10, $0xb8;
	[tilespmem:$0x11C00] =	vst v63  }
0x23: {  	s24 =	simm.s32 $0x100  }
0x24: {  	[tilespmem:s14], [sflag:$0x3] =	stream.indirect.gather [hbm4b:s3+s10], $0x40, s24, s10, $0xb8;
	[tilespmem:$0x11C00] =	vst v63  }
0x25: {  	s7 =	simm.s32 $0x7C00;
	s6 =	simm.s32 $0x180  }
0x26: {  	[tilespmem:s7], [sflag:$0x4] =	stream.indirect.gather [hbm4b:s3+s10], $0x40, s6, s10, $0xb8;
	[tilespmem:$0x11C00] =	vst v63  }
0x27: {  	s8 =	simm.s32 $0x200  }
0x28: {  	[tilespmem:s18], [sflag:$0x5] =	stream.indirect.gather [hbm4b:s3+s10], $0x40, s8, s10, $0xb8;
	[tilespmem:$0x11C00] =	vst v63  }
0x29: {  	s19 =	simm.s32 $0x280;
	s20 =	simm.s32 $0xBC00  }
0x2a: {  	[tilespmem:s20], [sflag:$0x6] =	stream.indirect.gather [hbm4b:s3+s10], $0x40, s19, s10, $0xb8;
	[tilespmem:$0x11C00] =	vst v63  }
0x2b: {  	s21 =	simm.s32 $0x300;
	s23 =	simm.s32 $0x380;
	s24 =	simm.s32 $0xFC00  }
0x2c: {  	[tilespmem:s22], [sflag:$0x7] =	stream.indirect.gather [hbm4b:s3+s10], $0x40, s21, s10, $0xb8;
	[tilespmem:$0x11C00] =	vst v63  }
0x2d: {  	s8 =	smov.u32 s17;
	s19 =	simm.s32 $0x0;
	s20 =	simm.s32 $0x0  }
0x2e: {  	[tilespmem:s24], [sflag:$0x8] =	stream.indirect.gather [hbm4b:s3+s10], $0x40, s23, s10, $0xb8;
	[tilespmem:$0x11C00] =	vst v63  }
.LBB2_2:
0x2f: {  	_ =	swait.ge [sflag:s25], $0x2000  }
0x30: {  	[sflag:s25] =	ssyncset.done $0x0;
	s5 =	rddreg [dreg:$0x3]  }
0x31: {  	[sflag:s25] =	ssyncadd.s32 $0xFFFFE000;
	p1 =	sge.u32 s20, s5  }
0x32: {  	[hbm4b:s8+s2] =	stream.linear.scatter [tilespmem:s11], [sflag:$0x9], $0x2000, $0x38;
	[tilespmem:$0x11C00] =	vst v63  }
0x33: {  	s5 =	simm.s32 @p1 $0x2  }
0x34: {  	_ =	swait.ge @p1 [sflag:s5], $0x2000  }
0x35: {  	s24 =	simm.s32 @p1 $0x0;
	[sflag:s5] =	ssyncset.done @p1 $0x0  }
0x36: {  	s21 =	simm.s32 @p1 $0x3C00;
	[sflag:s5] =	ssyncadd.s32 @p1 $0xFFFFE000;
	s5 =	sadd.s32 @p1 $0x400, s8  }
0x37: {  	[hbm4b:s5+s24] =	stream.linear.scatter @p1 [tilespmem:s21], [sflag:$0xA], $0x2000, $0x38;
	[tilespmem:$0x11C00] =	vst v63  }
0x38: {  	s5 =	simm.s32 @!p1 $0x9  }
0x39: {  	_ =	swait.ge @!p1 [sflag:s5], $0x2000  }
0x3a: {  	s23 =	simm.s32 @!p1 $0x80;
	s21 =	sshra.s32 @!p1 s19, $0x2;
	[sflag:s5] =	ssyncset.done @!p1 $0x0  }
0x3b: {  	s6 =	simm.s32 @!p1 $0x1C00;
	[sflag:s5] =	ssyncadd.s32 @!p1 $0xFFFFE000;
	s5 =	sadd.s32 @!p1 $0x400, s21  }
0x3c: {  	[tilespmem:s6], [sflag:$0x1] =	stream.indirect.gather @!p1 [hbm4b:s3+s23], $0x40, s5, s23, $0xb8;
	[tilespmem:$0x11C00] =	vst v63  }
0x3d: {  	s5 =	simm.s32 @!p1 $0x2  }
0x3e: {  	_ =	swait.ge @!p1 [sflag:s5], $0x2000  }
0x3f: {  	s7 =	simm.s32 @!p1 $0x3C00;
	[sflag:s5] =	ssyncset.done @!p1 $0x0  }
0x40: {  	s6 =	sadd.s32 @!p1 $0x400, s8;
	[sflag:s5] =	ssyncadd.s32 @!p1 $0xFFFFE000;
	s5 =	simm.s32 @!p1 $0x0  }
0x41: {  	[hbm4b:s6+s5] =	stream.linear.scatter @!p1 [tilespmem:s7], [sflag:$0xA], $0x2000, $0x38;
	[tilespmem:$0x11C00] =	vst v63  }
0x42: {  	s6 =	simm.s32 @!p1 $0xA  }
0x43: {  	_ =	swait.ge @!p1 [sflag:s6], $0x2000  }
0x44: {  	[sflag:s6] =	ssyncset.done @!p1 $0x0  }
0x45: {  	[sflag:s6] =	ssyncadd.s32 @!p1 $0xFFFFE000;
	s6 =	sadd.s32 @!p1 $0x480, s21  }
0x46: {  	[tilespmem:s7], [sflag:$0x2] =	stream.indirect.gather @!p1 [hbm4b:s3+s23], $0x40, s6, s23, $0xb8;
	[tilespmem:$0x11C00] =	vst v63  }
0x47: {  	_ =	swait.ge [sflag:s26], $0x2000  }
0x48: {  	[sflag:s26] =	ssyncset.done $0x0  }
0x49: {  	s7 =	sadd.s32 $0x800, s8;
	s6 =	simm.s32 @p1 $0x4;
	[sflag:s26] =	ssyncadd.s32 $0xFFFFE000  }
0x4a: {  	[hbm4b:s7+s2] =	stream.linear.scatter [tilespmem:s14], [sflag:$0xB], $0x2000, $0x38;
	[tilespmem:$0x11C00] =	vst v63  }
0x4b: {  	_ =	swait.ge @p1 [sflag:s6], $0x2000  }
0x4c: {  	[sflag:s6] =	ssyncset.done @p1 $0x0  }
0x4d: {  	s7 =	simm.s32 @p1 $0x7C00;
	[sflag:s6] =	ssyncadd.s32 @p1 $0xFFFFE000;
	s6 =	sadd.s32 @p1 $0xC00, s8  }
0x4e: {  	[hbm4b:s6+s24] =	stream.linear.scatter @p1 [tilespmem:s7], [sflag:$0xC], $0x2000, $0x38;
	[tilespmem:$0x11C00] =	vst v63  }
0x4f: {  	s6 =	simm.s32 @!p1 $0xB  }
0x50: {  	_ =	swait.ge @!p1 [sflag:s6], $0x2000  }
0x51: {  	[sflag:s6] =	ssyncset.done @!p1 $0x0  }
0x52: {  	s7 =	simm.s32 @!p1 $0x5C00;
	[sflag:s6] =	ssyncadd.s32 @!p1 $0xFFFFE000;
	s6 =	sadd.s32 @!p1 $0x500, s21  }
0x53: {  	[tilespmem:s7], [sflag:$0x3] =	stream.indirect.gather @!p1 [hbm4b:s3+s23], $0x40, s6, s23, $0xb8;
	[tilespmem:$0x11C00] =	vst v63  }
0x54: {  	s6 =	simm.s32 @!p1 $0x4  }
0x55: {  	_ =	swait.ge @!p1 [sflag:s6], $0x2000  }
0x56: {  	[sflag:s6] =	ssyncset.done @!p1 $0x0  }
0x57: {  	s7 =	simm.s32 @!p1 $0x7C00;
	[sflag:s6] =	ssyncadd.s32 @!p1 $0xFFFFE000;
	s6 =	sadd.s32 @!p1 $0xC00, s8  }
0x58: {  	[hbm4b:s6+s5] =	stream.linear.scatter @!p1 [tilespmem:s7], [sflag:$0xC], $0x2000, $0x38;
	[tilespmem:$0x11C00] =	vst v63  }
0x59: {  	s6 =	simm.s32 @!p1 $0xC  }
0x5a: {  	_ =	swait.ge @!p1 [sflag:s6], $0x2000  }
0x5b: {  	[sflag:s6] =	ssyncset.done @!p1 $0x0  }
0x5c: {  	[sflag:s6] =	ssyncadd.s32 @!p1 $0xFFFFE000;
	s6 =	sadd.s32 @!p1 $0x580, s21  }
0x5d: {  	[tilespmem:s7], [sflag:$0x4] =	stream.indirect.gather @!p1 [hbm4b:s3+s23], $0x40, s6, s23, $0xb8;
	[tilespmem:$0x11C00] =	vst v63  }
0x5e: {  	_ =	swait.ge [sflag:s28], $0x2000  }
0x5f: {  	[sflag:s28] =	ssyncset.done $0x0  }
0x60: {  	s7 =	sadd.s32 $0x1000, s8;
	s6 =	simm.s32 @p1 $0x6;
	[sflag:s28] =	ssyncadd.s32 $0xFFFFE000  }
0x61: {  	[hbm4b:s7+s2] =	stream.linear.scatter [tilespmem:s18], [sflag:$0xD], $0x2000, $0x38;
	[tilespmem:$0x11C00] =	vst v63  }
0x62: {  	_ =	swait.ge @p1 [sflag:s6], $0x2000  }
0x63: {  	[sflag:s6] =	ssyncset.done @p1 $0x0  }
0x64: {  	s7 =	simm.s32 @p1 $0xBC00;
	[sflag:s6] =	ssyncadd.s32 @p1 $0xFFFFE000;
	s6 =	sadd.s32 @p1 $0x1400, s8  }
0x65: {  	[hbm4b:s6+s24] =	stream.linear.scatter @p1 [tilespmem:s7], [sflag:$0xE], $0x2000, $0x38;
	[tilespmem:$0x11C00] =	vst v63  }
0x66: {  	s6 =	simm.s32 @!p1 $0xD  }
0x67: {  	_ =	swait.ge @!p1 [sflag:s6], $0x2000  }
0x68: {  	[sflag:s6] =	ssyncset.done @!p1 $0x0  }
0x69: {  	s7 =	simm.s32 @!p1 $0x9C00;
	[sflag:s6] =	ssyncadd.s32 @!p1 $0xFFFFE000;
	s6 =	sadd.s32 @!p1 $0x600, s21  }
0x6a: {  	[tilespmem:s7], [sflag:$0x5] =	stream.indirect.gather @!p1 [hbm4b:s3+s23], $0x40, s6, s23, $0xb8;
	[tilespmem:$0x11C00] =	vst v63  }
0x6b: {  	s6 =	simm.s32 @!p1 $0x6  }
0x6c: {  	_ =	swait.ge @!p1 [sflag:s6], $0x2000  }
0x6d: {  	[sflag:s6] =	ssyncset.done @!p1 $0x0  }
0x6e: {  	s7 =	simm.s32 @!p1 $0xBC00;
	[sflag:s6] =	ssyncadd.s32 @!p1 $0xFFFFE000;
	s6 =	sadd.s32 @!p1 $0x1400, s8  }
0x6f: {  	[hbm4b:s6+s5] =	stream.linear.scatter @!p1 [tilespmem:s7], [sflag:$0xE], $0x2000, $0x38;
	[tilespmem:$0x11C00] =	vst v63  }
0x70: {  	s6 =	simm.s32 @!p1 $0xE  }
0x71: {  	_ =	swait.ge @!p1 [sflag:s6], $0x2000  }
0x72: {  	[sflag:s6] =	ssyncset.done @!p1 $0x0  }
0x73: {  	[sflag:s6] =	ssyncadd.s32 @!p1 $0xFFFFE000;
	s6 =	sadd.s32 @!p1 $0x680, s21  }
0x74: {  	[tilespmem:s7], [sflag:$0x6] =	stream.indirect.gather @!p1 [hbm4b:s3+s23], $0x40, s6, s23, $0xb8;
	[tilespmem:$0x11C00] =	vst v63  }
0x75: {  	_ =	swait.ge [sflag:s4], $0x2000  }
0x76: {  	[sflag:s4] =	ssyncset.done $0x0  }
0x77: {  	s7 =	sadd.s32 $0x1800, s8;
	s6 =	simm.s32 @p1 $0x8;
	[sflag:s4] =	ssyncadd.s32 $0xFFFFE000  }
0x78: {  	[hbm4b:s7+s2] =	stream.linear.scatter [tilespmem:s22], [sflag:$0xF], $0x2000, $0x38;
	[tilespmem:$0x11C00] =	vst v63  }
0x79: {  	_ =	swait.ge @p1 [sflag:s6], $0x2000  }
0x7a: {  	[sflag:s6] =	ssyncset.done @p1 $0x0  }
0x7b: {  	s7 =	simm.s32 @p1 $0xFC00;
	[sflag:s6] =	ssyncadd.s32 @p1 $0xFFFFE000;
	s6 =	sadd.s32 @p1 $0x1C00, s8  }
0x7c: {  	[hbm4b:s6+s24] =	stream.linear.scatter @p1 [tilespmem:s7], [sflag:$0x10], $0x2000, $0x38;
	[tilespmem:$0x11C00] =	vst v63  }
0x7d: {  	s6 =	simm.s32 @!p1 $0xF  }
0x7e: {  	_ =	swait.ge @!p1 [sflag:s6], $0x2000  }
0x7f: {  	[sflag:s6] =	ssyncset.done @!p1 $0x0  }
0x80: {  	s7 =	simm.s32 @!p1 $0xDC00;
	[sflag:s6] =	ssyncadd.s32 @!p1 $0xFFFFE000;
	s6 =	sadd.s32 @!p1 $0x700, s21  }
0x81: {  	[tilespmem:s7], [sflag:$0x7] =	stream.indirect.gather @!p1 [hbm4b:s3+s23], $0x40, s6, s23, $0xb8;
	[tilespmem:$0x11C00] =	vst v63  }
0x82: {  	s6 =	simm.s32 @!p1 $0x8  }
0x83: {  	_ =	swait.ge @!p1 [sflag:s6], $0x2000  }
0x84: {  	[sflag:s6] =	ssyncset.done @!p1 $0x0  }
0x85: {  	s7 =	simm.s32 @!p1 $0xFC00;
	[sflag:s6] =	ssyncadd.s32 @!p1 $0xFFFFE000;
	s6 =	sadd.s32 @!p1 $0x1C00, s8  }
0x86: {  	[hbm4b:s6+s5] =	stream.linear.scatter @!p1 [tilespmem:s7], [sflag:$0x10], $0x2000, $0x38;
	[tilespmem:$0x11C00] =	vst v63  }
0x87: {  	s5 =	simm.s32 @!p1 $0x10  }
0x88: {  	_ =	swait.ge @!p1 [sflag:s5], $0x2000  }
0x89: {  	s19 =	sadd.s32 $0x1000, s19;
	[sflag:s5] =	ssyncset.done @!p1 $0x0  }
0x8a: {  	s24 =	rddreg [dreg:$0x4];
	[sflag:s5] =	ssyncadd.s32 @!p1 $0xFFFFE000;
	s5 =	sadd.s32 @!p1 $0x780, s21  }
0x8b: {  	[tilespmem:s7], [sflag:$0x8] =	stream.indirect.gather @!p1 [hbm4b:s3+s23], $0x40, s5, s23, $0xb8;
	[tilespmem:$0x11C00] =	vst v63  }
0x8c: {  	p1 =	sne.s32 s24, s19  }
.Ltmp0:
0x8d: {  	_ = 	snop;
	(pc) =	sbr.rel @p1 .LBB2_2-.Ltmp0, $2  }
0x8e: {  	_ =	sdelay $0x2  }
0x8f: {  	s20 =	sadd.s32 $0x1, s20;
	s8 =	sadd.s32 $0x2000, s8  }
0x90: {  	_ =	swait.ge [sflag:s29], $0x2000  }
0x91: {  	[sflag:s29] =	ssyncset.done $0x0  }
0x92: {  	[sflag:s29] =	ssyncadd.s32 $0xFFFFE000  }
0x93: {  	_ =	swait.ge [sflag:s30], $0x2000  }
0x94: {  	[sflag:s30] =	ssyncset.done $0x0  }
0x95: {  	[sflag:s30] =	ssyncadd.s32 $0xFFFFE000  }
0x96: {  	_ =	swait.ge [sflag:s31], $0x2000  }
0x97: {  	[sflag:s31] =	ssyncset.done $0x0  }
0x98: {  	[sflag:s31] =	ssyncadd.s32 $0xFFFFE000  }
0x99: {  	_ =	swait.ge [sflag:s0], $0x2000  }
0x9a: {  	[sflag:s0] =	ssyncset.done $0x0  }
0x9b: {  	[sflag:s0] =	ssyncadd.s32 $0xFFFFE000  }
0x9c: {  	_ =	swait.ge [sflag:s1], $0x2000  }
0x9d: {  	[sflag:s1] =	ssyncset.done $0x0  }
0x9e: {  	[sflag:s1] =	ssyncadd.s32 $0xFFFFE000  }
0x9f: {  	_ =	swait.ge [sflag:s12], $0x2000  }
0xa0: {  	[sflag:s12] =	ssyncset.done $0x0  }
0xa1: {  	[sflag:s12] =	ssyncadd.s32 $0xFFFFE000  }
0xa2: {  	_ =	swait.ge [sflag:s13], $0x2000  }
0xa3: {  	[sflag:s13] =	ssyncset.done $0x0  }
0xa4: {  	[sflag:s13] =	ssyncadd.s32 $0xFFFFE000  }
0xa5: {  	_ =	swait.ge [sflag:s15], $0x2000  }
0xa6: {  	s16 =	sadd.s32 $0x1, s16;
	s5 =	rddreg [dreg:$0x7]  }
0xa7: {  	p1 =	sne.s32 s16, s5  }
.Ltmp1:
0xa8: {  	_ = 	snop;
	(pc) =	sbr.rel @p1 .LBB2_1-.Ltmp1, $3  }
0xa9: {  	_ =	sdelay $0x1  }
0xaa: {  	[sflag:s15] =	ssyncset.done $0x0  }
0xab: {  	[sflag:s15] =	ssyncadd.s32 $0xFFFFE000  }
0xac: {  	_ =	sfence.sel $0x180000  }
0xad: {  	[bflag:$0x0] =	sbarrier.arrive $0xFFFF  }
0xae: {  	_ =	strace $0x90000047  }
0xaf: {  	s0 =	stileid.u32;
	[bflag:$0x2] =	sbarrier.arrive $0xFFFF  }
0xb0: {  	p0 =	sne.s32 s0, $0x0;
	s0 =	rddreg [dreg:$0x2]  }
0xb1: {  	s0 =	sadd.s32 @!p0 $0x100000, s0  }
0xb2: {  	[sflag:s0] =	ssyncadd.tile.s32 @!p0 $0x1;
	_ =	shalt  }
.Lfunc_end2:
_tile_overlayer_lowered:
.L_overlay_start_2:
0xb3: {  	(tag) =	ssettag $0x2  }
0xb4: {  	s0 =	rddreg [dreg:$0x0];
	s2 =	stileid.u32  }
0xb5: {  	s1 =	rddreg [dreg:$0x1];
	p0 =	sne.s32 s2, $0x0  }
0xb6: {  	s3 =	rddreg [dreg:$0x2];
	[bflag:$0x3] =	sbarrier.arrive $0xFFFF;
	s2 =	simm.s32 @!p0 $0x1C11  }
0xb7: {  	[timem:s3], [sflag:s2] =	dma.local @!p0 [hbm:s0], s1  }
0xb8: {  	s0 =	simm.s32 @!p0 $0x11  }
0xb9: {  	_ =	swait.ge @!p0 [sflag:s0], s1  }
0xba: {  	s1 =	ssub.s32 @!p0 $0x0, s1;
	[sflag:s0] =	ssyncset.done @!p0 $0x0  }
0xbb: {  	[sflag:s0] =	ssyncadd.s32 @!p0 s1  }
0xbc: {  	[bflag:$0x3] =	sbarrier.arrive $0xFFFF  }
0xbd: {  	_ =	shalt  }

// kernel: sparse-core-data-format-call.cloned.1.call-start
scs
called_computation_lowered:
.L_overlay_start_0:
0x0: {  	s2 =	sld [smem:$0x3FD9]  }
0x1: {  	s3 =	sld [smem:$0x3FFE];
	_ =	sdelay $0x1  }
0x2: {  	s1 =	srdreg.scid  }
0x3: {  	s0 =	sand.u32 $0x1, s1  }
0x4: {  	s18 =	sshll.u32 s0, $0xA;
	s2 =	sadd.s32 s3, s2  }
0x5: {  	s2 =	sadd.s32 s2, s18  }
0x6: {  	[smem:$0x3FC6] =	sst s2  }
0x7: {  	_ = 	snop  }
0x8: {  	s2 =	sld [smem:$0x3FD0];
	(tm) =	ssettm $0x1  }
0x9: {  	s19 =	sld [smem:$0x3FFB];
	_ =	sdelay $0x3  }
0xa: {  	_ =	strace s19  }
0xb: {  	s3 =	sld [smem:$0x3FFC];
	_ =	sdelay $0x3  }
0xc: {  	_ =	strace s3  }
0xd: {  	s3 =	sld [smem:$0x3FFD];
	_ =	sdelay $0x3  }
0xe: {  	_ =	strace s3  }
0xf: {  	_ =	strace $0x8FFFFFFF  }
0x10: {  	s20 =	sld [smem:$0x3FDB];
	_ =	sdelay $0x1  }
0x11: {  	s4 =	simm.s32 $_scs_section_size  }
0x12: {  	s5 =	simm.s32 $_size__tile_overlayer_lowered;
	s6 =	simm.s32 $_tile_overlayer_lowered  }
0x13: {  	s23 =	simm.s32 $0x1BFF;
	s22 =	sshll.u32 s6, $0x1;
	s3 =	sadd.s32 s4, s20  }
0x14: {  	s7 =	simm.s32 $0x0;
	s21 =	sshll.u32 s5, $0x1;
	s5 =	sadd.s32 s22, s3  }
0x15: {  	[timem:s7], [sflag:s23] =	dma.local [hbm:s5], s21  }
0x16: {  	_ =	swait.ge [sflag:s23], s21  }
0x17: {  	s4 =	ssub.s32 $0x0, s21;
	[sflag:s23] =	ssyncset.done $0x0  }
0x18: {  	[sflag:s23] =	ssyncadd.s32 s4;
	_ =	sdelay $0x1  }
0x19: {  	s24 =	simm.s32 $0x1B8B  }
0x1a: {  	_ =	swait.ge [sflag:s24], $0x1  }
0x1b: {  	[sflag:s24] =	ssyncset.done $0x0  }
0x1c: {  	s26 =	simm.s32 $0x1B8E;
	s25 =	sld [smem:$0x3FFE];
	[sflag:s24] =	ssyncadd.s32 $0xFFFFFFFF  }
0x1d: {  	s27 =	simm.s32 $execute0_lowered;
	[smem:$0x3FD2] =	sst s26  }
0x1e: {  	s5 =	sshll.u32 s27, $0x1;
	_ =	strace $0x80000049;
	[dreg:$0x1] =	wrdreg $0xFFFFFFFF  }
0x1f: {  	s28 =	simm.s32 $_size_execute0_lowered;
	s3 =	sadd.s32 s3, s5;
	[dreg:$0x0] =	wrdreg $0x0  }
0x20: {  	s5 =	sshll.u32 s28, $0x1;
	[dreg:$0x2] =	wrdreg s3  }
0x21: {  	[dreg:$0x3] =	wrdreg s5  }
0x22: {  	[dreg:$0x4] =	wrdreg $0xC0  }
0x23: {  	_ =	task [dreg:s7], $0x5FFFF  }
0x24: {  	[dreg:$0x1] =	wrdreg $0xFFFFFFFF  }
0x25: {  	[dreg:$0x0] =	wrdreg $0x60  }
0x26: {  	[dreg:$0x2] =	wrdreg s25  }
0x27: {  	[dreg:$0x3] =	wrdreg s2  }
0x28: {  	[dreg:$0x4] =	wrdreg $0x9  }
0x29: {  	_ =	task.clear_ibuf [dreg:s7], $0x5FFFF;
	_ =	strace $0x90000049  }
0x2a: {  	s29 =	simm.s32 $0x9;
	_ =	strace $0x8000004B  }
0x2b: {  	_ =	swait.ge [sflag:s29], $0x1  }
0x2c: {  	[sflag:s29] =	ssyncadd.s32 $0xFFFFFFFF  }
0x2d: {  	_ =	strace $0x9000004B  }
0x2e: {  	_ =	sfence  }
0x2f: {  	s30 =	sld [smem:$0x0];
	_ =	sdelay $0x2  }
0x30: {  	s31 =	sshll.u32 s1, $0xD;
	s1 =	sshrl.u32 s1, $0x2  }
0x31: {  	s3 =	sand.u32 $0x4000, s31;
	s1 =	sadd.s32 s1, s30  }
0x32: {  	s0 =	sor.u32 s3, s0;
	s1 =	sshll.u32 s1, $0x11  }
0x33: {  	s0 =	sor.u32 s1, s0  }
0x34: {  	s0 =	sadd.s32 $0x8F2B, s0  }
0x35: {  	[sflag:s0] =	ssyncadd.remote.s32 $0x1  }
0x36: {  	_ =	sfence.sel $0xFFFF  }
0x37: {  	[dreg:$0x0] =	wrdreg $0xFFFFFFFF;
	(pc) =	sbr.abs _section_cstart, $3  }
0x38: {  	[dreg:$0x1] =	wrdreg $0xFFFFFFFF  }
0x39: {  	_ =	task.clear_ibuf [dreg:s7], $0x2FFFF;
	_ =	strace $0x9FFFFFFF  }
0x3a: {  	(tm) =	ssettm $0x7FFFFFFF  }
0x3b: {  	_ =	shalt  }
tec
execute0_lowered:
.L_overlay_start_1:
0x0: {  	(tag) =	ssettag $0x1  }
0x1: {  	s7 =	rddreg [dreg:$0x0]  }
0x2: {  	s2 =	rddreg [dreg:$0x1]  }
0x3: {  	s0 =	stileid.u32;
	s1 =	srdreg.scid;
	s31 =	simm.s32 $0x2  }
0x4: {  	s14 =	simm.s32 $0x0;
	s15 =	simm.s32 $0x0;
	s13 =	simm.s32 $0x0  }
0x5: {  	s3 =	sshll.u32 s0, $0x5;
	s4 =	sshll.u32 s1, $0x9;
	s5 =	sshll.u32 s0, $0x1  }
0x6: {  	s1 =	rddreg [dreg:$0x2];
	s4 =	sor.u32 s3, s4;
	s3 =	sand.u32 $0x6, s5  }
0x7: {  	_ =	strace $0x8000004A;
	s4 =	sand.u32 $0x380, s4;
	s5 =	ssub.s32 $0xC8, s3  }
0x8: {  	s12 =	smov.u32 s3;
	s8 =	sshll.u32 s4, $0x4;
	s6 =	sand.u32 $0x6, s5  }
0x9: {  	s9 =	ssub.s32 $0x400, s4;
	s11 =	sshrl.u32 s5, $0x3;
	s5 =	simm.s32 $0x1  }
0xa: {  	p0 =	sne.s32 s6, $0x0;
	s6 =	simm.s32 $0x1;
	s10 =	sand.u32 $0x380, s9  }
0xb: {  	s6 =	simm.s32 @!p0 $0x0;
	p0 =	sne.s32 s10, $0x0;
	s10 =	simm.s32 $0x1  }
.Ltmp0:
0xc: {  	s9 =	sshrl.u32 s9, $0xA;
	s10 =	simm.s32 @!p0 $0x0;
	(pc) =	sbr.rel .LBB1_1-.Ltmp0, $4  }
0xd: {  	[sflag:s5] =	ssyncpa.u1 $0x0;
	s6 =	sadd.s32 s6, s11;
	s9 =	sadd.s32 s10, s9  }
0xe: {  	s8 =	sadd.s32 s8, s7;
	[sflag:s31] =	ssyncpa.u1 $0x0;
	s6 =	smul.u32 s6, s9  }
0xf: {  	s7 =	sadd.s32 $0xA00, s8;
	s8 =	sadd.s32 $0x4A00, s8;
	p0 =	por $0x0, $0x0  }
0x10: {  	s11 =	simm.s32 $0x2000;
	s10 =	simm.s32 $0x400;
	s9 =	sadd.s32 $0x1, s6  }
.LBB1_7:
0x11: {  	s16 =	sadd.s32 $0x8, s12  }
0x12: {  	p2 =	sgt.s32 s16, $0xC7  }
0x13: {  	s16 =	smov.u32 @p2 s3;
	p2 =	sne.s32 s13, s9  }
.Ltmp1:
0x14: {  	p1 =	slt.u32 s13, $0x2;
	(pc) =	sbr.rel @!p2 .LBB1_8-.Ltmp1, $4  }
0x15: {  	s14 =	simm.s32 @!p1 $0x2  }
0x16: {  	s17 =	sadd.s32 $0x1, s13;
	s15 =	smov.u32 s12;
	_ =	swait.ge @!p1 [sflag:s14], $0x4000  }
0x17: {  	p0 =	por !p0, !p0;
	s13 =	smov.u32 s17;
	[sflag:s14] =	ssyncset.done @!p1 $0x0  }
0x18: {  	s12 =	smov.u32 s16;
	[sflag:s14] =	ssyncadd.s32 @!p1 $0xFFFFC000;
	s14 =	smov.u32 s4  }
.LBB1_1:
0x19: {  	p1 =	sge.u32 s13, s6  }
0x1a: {  	s16 =	sxor.u32 @!p1 $0xFFFFFFFF, s13  }
0x1b: {  	s17 =	sshll.u32 @!p1 s12, $0xE;
	s19 =	simm.s32 @!p1 $0x40;
	s16 =	sshll.u32 @!p1 s16, $0xE  }
0x1c: {  	s20 =	simm.s32 @!p1 $0x80;
	s18 =	sadd.s32 @!p1 s17, s7;
	s16 =	sand.u32 @!p1 $0x4000, s16  }
0x1d: {  	[tilespmem:s16], [sflag:$0x1] =	stream.strided.gather @!p1 [hbm4b:s18+s19], $0x2000, s20, s19, $0x38;
	[tilespmem:$0x10100] =	vst v63  }
0x1e: {  	s31 =	sadd.s32 $0xFFFFFFFF, s13;
	s17 =	sadd.s32 @!p1 s17, s8;
	s16 =	sor.u32 @!p1 $0x2000, s16  }
0x1f: {  	[tilespmem:s16], [sflag:$0x1] =	stream.strided.gather @!p1 [hbm4b:s17+s19], $0x2000, s20, s19, $0x38;
	[tilespmem:$0x10100] =	vst v63  }
0x20: {  	p1 =	sge.u32 s31, s6  }
.Ltmp2:
0x21: {  	_ = 	snop;
	(pc) =	sbr.rel @p1 .LBB1_7-.Ltmp2, $1  }
0x22: {  	_ =	sdelay $0x3  }
0x23: {  	s16 =	simm.s32 $0x1;
	s18 =	sand.u32 $0x1, s13  }
0x24: {  	_ =	swait.ge [sflag:s5], $0x4000;
	s16 =	simm.s32 @!p0 $0x0;
	s18 =	smul.u32 $0x10200, s18  }
0x25: {  	p2 =	por $0x1, $0x1;
	[sflag:s5] =	ssyncset.done $0x0;
	s17 =	smul.u32 $0x10200, s16  }
0x26: {  	s19 =	sshll.u32 s16, $0x10;
	[sflag:s5] =	ssyncadd.s32 $0xFFFFC000;
	s30 =	sshrl.u32 s18, $0x2  }
0x27: {  	s31 =	sshrl.u32 s19, $0x2;
	s19 =	simm.s32 $0x0;
	s17 =	sshrl.u32 s17, $0x2  }
0x28: {  	s16 =	sor.u32 $0x8000, s30;
	s18 =	sadd.s32 $0x20, s31;
	s17 =	sor.u32 $0x8000, s17  }
.LBB1_3:
0x29: {  	s20 =	sshll.u32 s19, $0xD  }
0x2a: {  	s20 =	sand.u32 $0x3FFFE000, s20  }
0x2b: {  	s22 =	sadd.s32 s20, s18  }
0x2c: {  	s31 =	smul.u32 $0x8100, s19;
	v3 =	vld [tilespmem:s22+$0x10]  }
0x2d: {  	v1 =	vld [tilespmem:s22+$0xFFFFFFF0]  }
0x2e: {  	s19 =	sshra.s32 s31, $0x2;
	v0 =	vld [tilespmem:s22+$0x0]  }
0x2f: {  	s19 =	sadd.s32 s19, s17;
	v2 =	vld [tilespmem:s22+$0xFFFFFFE0]  }
0x30: {  	s20 =	sadd.s32 $0x0, s19  }
0x31: {  	p1 =	por p2, p2;
	s21 =	simm.s32 $0x4;
	s22 =	sadd.s32 $0x40, s22;
	[tilespmem:s20+$0x1830 ss:$0x81] =	vst.msk $0xffff, v3  }
.LBB1_4:
0x32: {  	v3 =	vld [tilespmem:s22+$0x10];
	p2 =	sne.s32 s21, $0x1FC;
	[tilespmem:s20+$0x810 ss:$0x81] =	vst.msk $0xffff, v1;
	s23 =	smov.u32 s21;
	s21 =	sadd.s32 $0x4, s21  }
.Ltmp3:
0x33: {  	v1 =	vld [tilespmem:s22+$0xFFFFFFF0];
	[tilespmem:s20+$0x1020 ss:$0x81] =	vst.msk $0xffff, v0;
	(pc) =	sbr.rel @p2 .LBB1_4-.Ltmp3, $4  }
0x34: {  	v0 =	vld [tilespmem:s22+$0x0];
	[tilespmem:s20+$0x0 ss:$0x81] =	vst.msk $0xffff, v2  }
0x35: {  	s20 =	sshra.s32 s23, $0x2;
	v2 =	vld [tilespmem:s22+$0xFFFFFFE0]  }
0x36: {  	s20 =	sadd.s32 s20, s19  }
0x37: {  	s22 =	sadd.s32 $0x40, s22;
	[tilespmem:s20+$0x1830 ss:$0x81] =	vst.msk $0xffff, v3  }
.Ltmp4:
0x38: {  	(pc) =	sbr.rel @p1 .LBB1_3-.Ltmp4, $4  }
0x39: {  	_ = 	snop  }
0x3a: {  	[tilespmem:s20+$0x810 ss:$0x81] =	vst.msk $0xffff, v1  }
0x3b: {  	[tilespmem:s20+$0x1020 ss:$0x81] =	vst.msk $0xffff, v0  }
0x3c: {  	s19 =	simm.s32 $0x1;
	p2 =	por $0x0, $0x0;
	[tilespmem:s20+$0x0 ss:$0x81] =	vst.msk $0xffff, v2  }
.Ltmp5:
0x3d: {  	(pc) =	sbr.rel .LBB1_7-.Ltmp5, $4  }
0x3e: {  	_ = 	snop  }
0x3f: {  	s15 =	sshll.u32 s15, $0xD;
	s14 =	sadd.s32 s2, s14  }
0x40: {  	s14 =	sadd.s32 s15, s14  }
0x41: {  	[hbm4b:s14+s10] =	stream.strided.scatter [tilespmem:s16], [sflag:$0x2], $0x4000, s11, s10, $0x20;
	[tilespmem:$0x10100] =	vst v63  }
.LBB1_8:
0x42: {  	_ =	sfence.sel $0x180000  }
0x43: {  	s2 =	simm.s32 $0x1;
	[bflag:$0x0] =	sbarrier.arrive $0xFFFF  }
0x44: {  	s31 =	simm.s32 $0x2;
	[sflag:s2] =	ssyncpa.u1 $0x1  }
0x45: {  	[sflag:s31] =	ssyncpa.u1 $0x1  }
0x46: {  	p0 =	sne.s32 s0, $0x0;
	_ =	strace $0x9000004A  }
0x47: {  	s0 =	sadd.s32 @!p0 $0x100000, s1;
	[bflag:$0x2] =	sbarrier.arrive $0xFFFF  }
0x48: {  	[sflag:s0] =	ssyncadd.tile.s32 @!p0 $0x1;
	_ =	shalt  }
.Lfunc_end1:
_tile_overlayer_lowered:
.L_overlay_start_2:
0x49: {  	(tag) =	ssettag $0x2  }
0x4a: {  	s0 =	rddreg [dreg:$0x0];
	s2 =	stileid.u32  }
0x4b: {  	s1 =	rddreg [dreg:$0x1];
	p0 =	sne.s32 s2, $0x0  }
0x4c: {  	s3 =	rddreg [dreg:$0x2];
	[bflag:$0x3] =	sbarrier.arrive $0xFFFF;
	s2 =	simm.s32 @!p0 $0x1C01  }
0x4d: {  	[timem:s3], [sflag:s2] =	dma.local @!p0 [hbm:s0], s1  }
0x4e: {  	s0 =	simm.s32 @!p0 $0x1  }
0x4f: {  	_ =	swait.ge @!p0 [sflag:s0], s1  }
0x50: {  	s1 =	ssub.s32 @!p0 $0x0, s1;
	[sflag:s0] =	ssyncset.done @!p0 $0x0  }
0x51: {  	[sflag:s0] =	ssyncadd.s32 @!p0 s1  }
0x52: {  	[bflag:$0x3] =	sbarrier.arrive $0xFFFF  }
0x53: {  	_ =	shalt  }

</sc_bundles>
